<compile_context>
chip_gen: v7x
topology: tpu7x:2x2x1
jax: 0.10.2.dev20260603
libtpu: 0.0.44.dev20260713+nightly
codegen_flags: <defaults>
</compile_context>

<pallas_src>
import functools

import jax
import jax.numpy as jnp
from jax import lax
from jax.experimental import pallas as pl
from jax.experimental.pallas import tpu as pltpu
from jax.experimental.pallas import tpu_sc as plsc

IN_DIM = 100000
OUT_DIM = 100000
NN = 32

NC = 2
NS = 16
LANES = 16
NW = NC * NS

GPC = 20
CHUNKS = 10
GROUPS_MAIN = GPC * CHUNKS
ROWS_MAIN = GROUPS_MAIN * LANES
ROWS_LAST = OUT_DIM - (NW - 1) * ROWS_MAIN
GROUPS_LAST = ROWS_LAST // LANES
CHUNK_LEN = GPC * LANES * NN
IDX_MAIN = ROWS_MAIN * NN
IDX_LAST = ROWS_LAST * NN

_mesh = plsc.VectorSubcoreMesh(core_axis_name="c", subcore_axis_name="s")


@functools.partial(
    pl.kernel,
    mesh=_mesh,
    out_type=jax.ShapeDtypeStruct((1, OUT_DIM), jnp.float32),
    scratch_types=[
        pltpu.VMEM((IN_DIM,), jnp.float32),
        pltpu.VMEM((CHUNK_LEN,), jnp.int32),
        pltpu.VMEM((CHUNK_LEN,), jnp.int32),
        pltpu.VMEM((ROWS_MAIN,), jnp.float32),
        pltpu.VMEM_SHARED((IN_DIM,), jnp.float32),
        pltpu.SemaphoreType.DMA,
        pltpu.SemaphoreType.DMA,
        pltpu.SemaphoreType.DMA,
    ],
    compiler_params=pltpu.CompilerParams(needs_layout_passes=False),
)
def _resample_sc(x_hbm, map_hbm, out_hbm,
                 table_v, buf0, buf1, out_v, table_sp, sem_t, sem0, sem1):
    wid = lax.axis_index("s") * NC + lax.axis_index("c")
    is_last = wid == NW - 1
    groups_w = jnp.where(is_last, GROUPS_LAST, GROUPS_MAIN)
    idx_end = jnp.where(is_last, IDX_LAST - CHUNK_LEN, IDX_MAIN - CHUNK_LEN)
    map_base = wid * IDX_MAIN
    lane = lax.broadcasted_iota(jnp.int32, (LANES,), 0)
    bufs = (buf0, buf1)
    sems = (sem0, sem1)

    def prefetch(c, buf, sem):
        base = jnp.minimum(c * CHUNK_LEN, idx_end)
        return pltpu.async_copy(
            map_hbm.at[pl.ds(map_base + base, CHUNK_LEN)], buf, sem)

    prefetch(0, buf0, sem0)

    @pl.when(lax.axis_index("s") == 0)
    def _stage_table():
        pltpu.sync_copy(x_hbm.at[0], table_sp)

    plsc.subcore_barrier()
    pltpu.sync_copy(table_sp, table_v)

    def run_chunk(c, buf):
        base_rel = jnp.minimum(c * CHUNK_LEN, idx_end)
        off = c * CHUNK_LEN - base_rel
        n_groups = jnp.clip(groups_w - c * GPC, 0, GPC)

        def group_body(k, carry):
            bvec = jnp.minimum(
                k * (LANES * NN) + off + NN * lane, CHUNK_LEN - NN)
            acc = jnp.zeros((LANES,), jnp.float32)
            for j in range(NN):
                rot = (lane + j) & (NN - 1)
                inds = plsc.load_gather(buf, [bvec + rot])
                vals = plsc.load_gather(table_v, [inds])
                acc = acc + vals
            out_v[pl.ds((c * GPC + k) * LANES, LANES)] = acc * (1.0 / NN)
            return carry

        lax.fori_loop(0, n_groups, group_body, 0)

    def chunk_pair(p, carry):
        c0 = 2 * p
        prefetch(c0 + 1, buf1, sem1)
        pltpu.make_async_copy(
            map_hbm.at[pl.ds(map_base, CHUNK_LEN)], buf0, sem0).wait()
        run_chunk(c0, buf0)
        prefetch(c0 + 2, buf0, sem0)
        pltpu.make_async_copy(
            map_hbm.at[pl.ds(map_base, CHUNK_LEN)], buf1, sem1).wait()
        run_chunk(c0 + 1, buf1)
        return carry

    lax.fori_loop(0, CHUNKS // 2, chunk_pair, 0)
    pltpu.make_async_copy(
        map_hbm.at[pl.ds(map_base, CHUNK_LEN)], buf0, sem0).wait()

    @pl.when(jnp.logical_not(is_last))
    def _copy_main():
        pltpu.sync_copy(out_v, out_hbm.at[0, pl.ds(wid * ROWS_MAIN, ROWS_MAIN)])

    @pl.when(is_last)
    def _copy_last():
        pltpu.sync_copy(out_v.at[pl.ds(0, ROWS_LAST)],
                        out_hbm.at[0, pl.ds((NW - 1) * ROWS_MAIN, ROWS_LAST)])


def kernel(x, ResampleMap):
    return _resample_sc(x, ResampleMap)

# --- scband reference (transcript-rebuilt; emitter-appended) ---
"""Pipeline reference for scband-resample-surface-6236292513958 (READ-ONLY COPY).

The authoritative reference and input builder live on the scoring server;
editing this copy changes nothing except your own understanding.
"""

import jax, jax.numpy as jnp
import numpy as np

IN_DIM = 100000
OUT_DIM = 100000
BATCH = 1
NN = 32


def setup_inputs(seed: int = 0) -> dict:
    key = jax.random.key(seed)
    k1, k2 = jax.random.split(key)
    x = jax.random.normal(k1, (BATCH, IN_DIM), dtype=jnp.float32)
    # ResampleMap: fixed (non-learned) gather map, values in [0, IN_DIM)
    resample_map = jax.random.randint(k2, (BATCH * OUT_DIM * NN,), 0, IN_DIM, dtype=jnp.int32)
    return {"x": x, "ResampleMap": resample_map}


def reference(x, ResampleMap):
    # Faithful translation of ResampleSurface.call:
    #   x = K.reshape(x, (in_dim,))
    #   x = K.gather(x, ResampleMap)
    #   x = K.reshape(x, (batch_size, out_dim, no_of_neighbours))
    #   x = K.mean(x, axis=-1)
    xf = jnp.reshape(x, (IN_DIM,))
    g = jnp.take(xf, ResampleMap, axis=0)
    g = jnp.reshape(g, (BATCH, OUT_DIM, NN))
    out = jnp.mean(g, axis=-1)
    return out

if __name__ == "__main__":
    import jax
    _d = setup_inputs()
    print(jax.jit(kernel)(*tuple(_d.values())))

</pallas_src>

<mosaic_0001>
#map = affine_map<(d0, d1) -> (0, 0)>
#map1 = affine_map<(d0, d1) -> (0)>
module attributes {stable_mosaic.version = 14 : i64} {
  func.func @_resample_sc(%arg0: i32, %arg1: i32, %arg2: memref<1x100000xf32, #tpu.memory_space<hbm>>, %arg3: memref<3200000xi32, #tpu.memory_space<hbm>>, %arg4: memref<1x100000xf32, #tpu.memory_space<hbm>>, %arg5: memref<100000xf32, #tpu.memory_space<vmem>>, %arg6: memref<10240xi32, #tpu.memory_space<vmem>>, %arg7: memref<10240xi32, #tpu.memory_space<vmem>>, %arg8: memref<3200xf32, #tpu.memory_space<vmem>>, %arg9: memref<100000xf32, #tpu.memory_space<vmem_shared>>, %arg10: memref<!tpu.dma_semaphore, #tpu.memory_space<semaphore_mem>>, %arg11: memref<!tpu.dma_semaphore, #tpu.memory_space<semaphore_mem>>, %arg12: memref<!tpu.dma_semaphore, #tpu.memory_space<semaphore_mem>>) attributes {dimension_semantics = [#tpu.dimension_semantics<core_parallel>, #tpu.dimension_semantics<subcore_parallel>], iteration_bounds = array<i64: 2, 16>, scalar_prefetch = 0 : i64, scratch_operands = 8 : i64, tpu.core_type = #tpu.core_type<sc_vector_subcore>, window_params = [{transform_indices = #map}, {transform_indices = #map1}, {transform_indices = #map}]} {
    %mul3A = arith.constant 2 : i32
    %mul3A_0 = arith.muli %arg1, %mul3A : i32
    %add3A = arith.addi %mul3A_0, %arg0 : i32
    %eq3A = arith.constant 31 : i32
    %eq3A_1 = arith.cmpi eq, %add3A, %eq3A : i32
    %jit3A = arith.constant 50 : i32
    %jit3A_2 = arith.constant 200 : i32
    %select_n3A = arith.select %eq3A_1, %jit3A, %jit3A_2 : i32
    %jit3A_3 = arith.constant 15360 : i32
    %jit3A_4 = arith.constant 92160 : i32
    %select_n3A_5 = arith.select %eq3A_1, %jit3A_3, %jit3A_4 : i32
    %mul3A_6 = arith.constant 102400 : i32
    %mul3A_7 = arith.muli %add3A, %mul3A_6 : i32
    %iota3A = tpu.iota {dimensions = array<i32: 0>} : vector<16xi32>
    %min3A = arith.constant 0 : i32
    %min3A_8 = arith.minsi %min3A, %select_n3A_5 : i32
    %add3A_9 = arith.addi %mul3A_7, %min3A_8 : i32
    %dma_start3A = tpu.memref_slice %arg3[%add3A_9] : memref<3200000xi32, #tpu.memory_space<hbm>> -> memref<10240xi32, #tpu.memory_space<hbm>>
    %dma_start3A_10 = tpu.memref_slice %arg3[%add3A_9] : memref<3200000xi32, #tpu.memory_space<hbm>> -> memref<10240xi32, #tpu.memory_space<hbm>>
    tpu.enqueue_dma source(%dma_start3A_10 : memref<10240xi32, #tpu.memory_space<hbm>>) target(%arg6 : memref<10240xi32, #tpu.memory_space<vmem>>) target_semaphore(%arg11 : memref<!tpu.dma_semaphore, #tpu.memory_space<semaphore_mem>>)
    %eq3A_11 = arith.constant 0 : i32
    %eq3A_12 = arith.cmpi eq, %arg1, %eq3A_11 : i32
    %convert_element_type3A = arith.extui %eq3A_12 : i1 to i32
    %cond3A = arith.constant 0 : i32
    %cond3A_13 = arith.cmpi ne, %convert_element_type3A, %cond3A : i32
    scf.if %cond3A_13 {
      %run_scoped3A = arith.constant 0 : i32
      "tpu.region"() ({
        %run_scoped3A_27 = tpu.sem_alloc : memref<!tpu.dma_semaphore, #tpu.memory_space<semaphore_mem>>
        %dma_start3A_28 = arith.constant 0 : i32
        %dma_start3A_29 = tpu.memref_slice %arg2[%run_scoped3A, %dma_start3A_28] : memref<1x100000xf32, #tpu.memory_space<hbm>> -> memref<1x100000xf32, #tpu.memory_space<hbm>>
        %dma_start3A_30 = tpu.memref_squeeze %dma_start3A_29 : memref<1x100000xf32, #tpu.memory_space<hbm>> -> memref<100000xf32, #tpu.memory_space<hbm>>
        tpu.enqueue_dma source(%dma_start3A_30 : memref<100000xf32, #tpu.memory_space<hbm>>) target(%arg9 : memref<100000xf32, #tpu.memory_space<vmem_shared>>) target_semaphore(%run_scoped3A_27 : memref<!tpu.dma_semaphore, #tpu.memory_space<semaphore_mem>>)
        %dma_wait3A_31 = arith.constant 0 : i32
        %dma_wait3A_32 = tpu.memref_slice %arg2[%run_scoped3A, %dma_wait3A_31] : memref<1x100000xf32, #tpu.memory_space<hbm>> -> memref<1x100000xf32, #tpu.memory_space<hbm>>
        %dma_wait3A_33 = tpu.memref_squeeze %dma_wait3A_32 : memref<1x100000xf32, #tpu.memory_space<hbm>> -> memref<100000xf32, #tpu.memory_space<hbm>>
        tpu.wait_dma2 semaphore(%run_scoped3A_27 : memref<!tpu.dma_semaphore, #tpu.memory_space<semaphore_mem>>) src(%dma_wait3A_33 : memref<100000xf32, #tpu.memory_space<hbm>>) dst(%arg9 : memref<100000xf32, #tpu.memory_space<vmem_shared>>)
        tpu.yield
      }) : () -> ()
    } else {
    }
    %barrier3A = arith.constant 0 : index
    tpu.barrier barrier_id(%barrier3A)
    "tpu.region"() ({
      %run_scoped3A = tpu.sem_alloc : memref<!tpu.dma_semaphore, #tpu.memory_space<semaphore_mem>>
      tpu.enqueue_dma source(%arg9 : memref<100000xf32, #tpu.memory_space<vmem_shared>>) target(%arg5 : memref<100000xf32, #tpu.memory_space<vmem>>) target_semaphore(%run_scoped3A : memref<!tpu.dma_semaphore, #tpu.memory_space<semaphore_mem>>)
      tpu.wait_dma2 semaphore(%run_scoped3A : memref<!tpu.dma_semaphore, #tpu.memory_space<semaphore_mem>>) src(%arg9 : memref<100000xf32, #tpu.memory_space<vmem_shared>>) dst(%arg5 : memref<100000xf32, #tpu.memory_space<vmem>>)
      tpu.yield
    }) : () -> ()
    %scan3A = arith.constant 0 : i32
    %scan3A_14 = arith.constant 0 : i32
    %scan3A_15 = arith.constant 5 : i32
    %scan3A_16 = arith.addi %scan3A_14, %scan3A_15 : i32
    %scan3A_17 = arith.constant 1 : i32
    scf.for %scan3A_27 = %scan3A_14 to %scan3A_16 step %scan3A_17  : i32 {
      %mul3A_28 = arith.constant 2 : i32
      %mul3A_29 = arith.muli %mul3A_28, %scan3A_27 : i32
      %add3A_30 = arith.constant 1 : i32
      %add3A_31 = arith.addi %mul3A_29, %add3A_30 : i32
      %mul3A_32 = arith.constant 10240 : i32
      %mul3A_33 = arith.muli %add3A_31, %mul3A_32 : i32
      %min3A_34 = arith.minsi %mul3A_33, %select_n3A_5 : i32
      %add3A_35 = arith.addi %mul3A_7, %min3A_34 : i32
      %dma_start3A_36 = tpu.memref_slice %arg3[%add3A_35] : memref<3200000xi32, #tpu.memory_space<hbm>> -> memref<10240xi32, #tpu.memory_space<hbm>>
      %dma_start3A_37 = tpu.memref_slice %arg3[%add3A_35] : memref<3200000xi32, #tpu.memory_space<hbm>> -> memref<10240xi32, #tpu.memory_space<hbm>>
      tpu.enqueue_dma source(%dma_start3A_37 : memref<10240xi32, #tpu.memory_space<hbm>>) target(%arg7 : memref<10240xi32, #tpu.memory_space<vmem>>) target_semaphore(%arg12 : memref<!tpu.dma_semaphore, #tpu.memory_space<semaphore_mem>>)
      %dma_wait3A_38 = tpu.memref_slice %arg3[%mul3A_7] : memref<3200000xi32, #tpu.memory_space<hbm>> -> memref<10240xi32, #tpu.memory_space<hbm>>
      %dma_wait3A_39 = tpu.memref_slice %arg3[%mul3A_7] : memref<3200000xi32, #tpu.memory_space<hbm>> -> memref<10240xi32, #tpu.memory_space<hbm>>
      tpu.wait_dma2 semaphore(%arg11 : memref<!tpu.dma_semaphore, #tpu.memory_space<semaphore_mem>>) src(%dma_wait3A_39 : memref<10240xi32, #tpu.memory_space<hbm>>) dst(%arg6 : memref<10240xi32, #tpu.memory_space<vmem>>)
      %mul3A_40 = arith.constant 10240 : i32
      %mul3A_41 = arith.muli %mul3A_29, %mul3A_40 : i32
      %min3A_42 = arith.minsi %mul3A_41, %select_n3A_5 : i32
      %mul3A_43 = arith.constant 10240 : i32
      %mul3A_44 = arith.muli %mul3A_29, %mul3A_43 : i32
      %sub3A = arith.subi %mul3A_44, %min3A_42 : i32
      %mul3A_45 = arith.constant 20 : i32
      %mul3A_46 = arith.muli %mul3A_29, %mul3A_45 : i32
      %sub3A_47 = arith.subi %select_n3A, %mul3A_46 : i32
      %jit3A_48 = arith.constant 0 : i32
      %jit3A_49 = arith.constant 20 : i32
      %max3A = arith.maxsi %jit3A_48, %sub3A_47 : i32
      %min3A_50 = arith.minsi %jit3A_49, %max3A : i32
      %while3A = arith.constant 0 : i32
      %while3A_51 = arith.constant 0 : i32
      %while3A_52 = arith.subi %min3A_50, %while3A_51 : i32
      %while3A_53 = arith.addi %while3A_51, %while3A_52 : i32
      %while3A_54 = arith.constant 1 : i32
      %while3A_55 = arith.divsi %while3A_52, %while3A_54 : i32
      %while3A_56 = arith.muli %while3A_55, %while3A_54 : i32
      %while3A_57 = arith.addi %while3A_51, %while3A_56 : i32
      %while3A_58 = arith.constant 1 : i32
      scf.for %while3A_95 = %while3A_51 to %while3A_57 step %while3A_58  : i32 {
        %mul3A_96 = arith.constant 512 : i32
        %mul3A_97 = arith.muli %while3A_95, %mul3A_96 : i32
        %add3A_98 = arith.addi %mul3A_97, %sub3A : i32
        %mul3A_99 = arith.constant 32 : i32
        %mul3A_100 = vector.broadcast %mul3A_99 : i32 to vector<16xi32>
        %mul3A_101 = arith.muli %mul3A_100, %iota3A : vector<16xi32>
        %add3A_102 = vector.broadcast %add3A_98 : i32 to vector<16xi32>
        %add3A_103 = arith.addi %add3A_102, %mul3A_101 : vector<16xi32>
        %min3A_104 = arith.constant 10208 : i32
        %min3A_105 = vector.broadcast %min3A_104 : i32 to vector<16xi32>
        %min3A_106 = arith.minsi %add3A_103, %min3A_105 : vector<16xi32>
        %broadcast_in_dim3A = arith.constant 0.000000e+00 : f32
        %broadcast_in_dim3A_107 = vector.broadcast %broadcast_in_dim3A : f32 to vector<16xf32>
        %add3A_108 = arith.constant 0 : i32
        %add3A_109 = vector.broadcast %add3A_108 : i32 to vector<16xi32>
        %add3A_110 = arith.addi %iota3A, %add3A_109 : vector<16xi32>
        %and3A = arith.constant 31 : i32
        %and3A_111 = vector.broadcast %and3A : i32 to vector<16xi32>
        %and3A_112 = arith.andi %add3A_110, %and3A_111 : vector<16xi32>
        %add3A_113 = arith.addi %min3A_106, %and3A_112 : vector<16xi32>
        %gather3A = tpu.vector_load_idx %arg6[%add3A_113] : memref<10240xi32, #tpu.memory_space<vmem>>[vector<16xi32>], vector<16xi32>,
        %gather3A_114 = tpu.vector_load_idx %arg5[%gather3A] : memref<100000xf32, #tpu.memory_space<vmem>>[vector<16xi32>], vector<16xf32>,
        %add3A_115 = arith.addf %broadcast_in_dim3A_107, %gather3A_114 : vector<16xf32>
        %add3A_116 = arith.constant 1 : i32
        %add3A_117 = vector.broadcast %add3A_116 : i32 to vector<16xi32>
        %add3A_118 = arith.addi %iota3A, %add3A_117 : vector<16xi32>
        %and3A_119 = arith.constant 31 : i32
        %and3A_120 = vector.broadcast %and3A_119 : i32 to vector<16xi32>
        %and3A_121 = arith.andi %add3A_118, %and3A_120 : vector<16xi32>
        %add3A_122 = arith.addi %min3A_106, %and3A_121 : vector<16xi32>
        %gather3A_123 = tpu.vector_load_idx %arg6[%add3A_122] : memref<10240xi32, #tpu.memory_space<vmem>>[vector<16xi32>], vector<16xi32>,
        %gather3A_124 = tpu.vector_load_idx %arg5[%gather3A_123] : memref<100000xf32, #tpu.memory_space<vmem>>[vector<16xi32>], vector<16xf32>,
        %add3A_125 = arith.addf %add3A_115, %gather3A_124 : vector<16xf32>
        %add3A_126 = arith.constant 2 : i32
        %add3A_127 = vector.broadcast %add3A_126 : i32 to vector<16xi32>
        %add3A_128 = arith.addi %iota3A, %add3A_127 : vector<16xi32>
        %and3A_129 = arith.constant 31 : i32
        %and3A_130 = vector.broadcast %and3A_129 : i32 to vector<16xi32>
        %and3A_131 = arith.andi %add3A_128, %and3A_130 : vector<16xi32>
        %add3A_132 = arith.addi %min3A_106, %and3A_131 : vector<16xi32>
        %gather3A_133 = tpu.vector_load_idx %arg6[%add3A_132] : memref<10240xi32, #tpu.memory_space<vmem>>[vector<16xi32>], vector<16xi32>,
        %gather3A_134 = tpu.vector_load_idx %arg5[%gather3A_133] : memref<100000xf32, #tpu.memory_space<vmem>>[vector<16xi32>], vector<16xf32>,
        %add3A_135 = arith.addf %add3A_125, %gather3A_134 : vector<16xf32>
        %add3A_136 = arith.constant 3 : i32
        %add3A_137 = vector.broadcast %add3A_136 : i32 to vector<16xi32>
        %add3A_138 = arith.addi %iota3A, %add3A_137 : vector<16xi32>
        %and3A_139 = arith.constant 31 : i32
        %and3A_140 = vector.broadcast %and3A_139 : i32 to vector<16xi32>
        %and3A_141 = arith.andi %add3A_138, %and3A_140 : vector<16xi32>
        %add3A_142 = arith.addi %min3A_106, %and3A_141 : vector<16xi32>
        %gather3A_143 = tpu.vector_load_idx %arg6[%add3A_142] : memref<10240xi32, #tpu.memory_space<vmem>>[vector<16xi32>], vector<16xi32>,
        %gather3A_144 = tpu.vector_load_idx %arg5[%gather3A_143] : memref<100000xf32, #tpu.memory_space<vmem>>[vector<16xi32>], vector<16xf32>,
        %add3A_145 = arith.addf %add3A_135, %gather3A_144 : vector<16xf32>
        %add3A_146 = arith.constant 4 : i32
        %add3A_147 = vector.broadcast %add3A_146 : i32 to vector<16xi32>
        %add3A_148 = arith.addi %iota3A, %add3A_147 : vector<16xi32>
        %and3A_149 = arith.constant 31 : i32
        %and3A_150 = vector.broadcast %and3A_149 : i32 to vector<16xi32>
        %and3A_151 = arith.andi %add3A_148, %and3A_150 : vector<16xi32>
        %add3A_152 = arith.addi %min3A_106, %and3A_151 : vector<16xi32>
        %gather3A_153 = tpu.vector_load_idx %arg6[%add3A_152] : memref<10240xi32, #tpu.memory_space<vmem>>[vector<16xi32>], vector<16xi32>,
        %gather3A_154 = tpu.vector_load_idx %arg5[%gather3A_153] : memref<100000xf32, #tpu.memory_space<vmem>>[vector<16xi32>], vector<16xf32>,
        %add3A_155 = arith.addf %add3A_145, %gather3A_154 : vector<16xf32>
        %add3A_156 = arith.constant 5 : i32
        %add3A_157 = vector.broadcast %add3A_156 : i32 to vector<16xi32>
        %add3A_158 = arith.addi %iota3A, %add3A_157 : vector<16xi32>
        %and3A_159 = arith.constant 31 : i32
        %and3A_160 = vector.broadcast %and3A_159 : i32 to vector<16xi32>
        %and3A_161 = arith.andi %add3A_158, %and3A_160 : vector<16xi32>
        %add3A_162 = arith.addi %min3A_106, %and3A_161 : vector<16xi32>
        %gather3A_163 = tpu.vector_load_idx %arg6[%add3A_162] : memref<10240xi32, #tpu.memory_space<vmem>>[vector<16xi32>], vector<16xi32>,
        %gather3A_164 = tpu.vector_load_idx %arg5[%gather3A_163] : memref<100000xf32, #tpu.memory_space<vmem>>[vector<16xi32>], vector<16xf32>,
        %add3A_165 = arith.addf %add3A_155, %gather3A_164 : vector<16xf32>
        %add3A_166 = arith.constant 6 : i32
        %add3A_167 = vector.broadcast %add3A_166 : i32 to vector<16xi32>
        %add3A_168 = arith.addi %iota3A, %add3A_167 : vector<16xi32>
        %and3A_169 = arith.constant 31 : i32
        %and3A_170 = vector.broadcast %and3A_169 : i32 to vector<16xi32>
        %and3A_171 = arith.andi %add3A_168, %and3A_170 : vector<16xi32>
        %add3A_172 = arith.addi %min3A_106, %and3A_171 : vector<16xi32>
        %gather3A_173 = tpu.vector_load_idx %arg6[%add3A_172] : memref<10240xi32, #tpu.memory_space<vmem>>[vector<16xi32>], vector<16xi32>,
        %gather3A_174 = tpu.vector_load_idx %arg5[%gather3A_173] : memref<100000xf32, #tpu.memory_space<vmem>>[vector<16xi32>], vector<16xf32>,
        %add3A_175 = arith.addf %add3A_165, %gather3A_174 : vector<16xf32>
        %add3A_176 = arith.constant 7 : i32
        %add3A_177 = vector.broadcast %add3A_176 : i32 to vector<16xi32>
        %add3A_178 = arith.addi %iota3A, %add3A_177 : vector<16xi32>
        %and3A_179 = arith.constant 31 : i32
        %and3A_180 = vector.broadcast %and3A_179 : i32 to vector<16xi32>
        %and3A_181 = arith.andi %add3A_178, %and3A_180 : vector<16xi32>
        %add3A_182 = arith.addi %min3A_106, %and3A_181 : vector<16xi32>
        %gather3A_183 = tpu.vector_load_idx %arg6[%add3A_182] : memref<10240xi32, #tpu.memory_space<vmem>>[vector<16xi32>], vector<16xi32>,
        %gather3A_184 = tpu.vector_load_idx %arg5[%gather3A_183] : memref<100000xf32, #tpu.memory_space<vmem>>[vector<16xi32>], vector<16xf32>,
        %add3A_185 = arith.addf %add3A_175, %gather3A_184 : vector<16xf32>
        %add3A_186 = arith.constant 8 : i32
        %add3A_187 = vector.broadcast %add3A_186 : i32 to vector<16xi32>
        %add3A_188 = arith.addi %iota3A, %add3A_187 : vector<16xi32>
        %and3A_189 = arith.constant 31 : i32
        %and3A_190 = vector.broadcast %and3A_189 : i32 to vector<16xi32>
        %and3A_191 = arith.andi %add3A_188, %and3A_190 : vector<16xi32>
        %add3A_192 = arith.addi %min3A_106, %and3A_191 : vector<16xi32>
        %gather3A_193 = tpu.vector_load_idx %arg6[%add3A_192] : memref<10240xi32, #tpu.memory_space<vmem>>[vector<16xi32>], vector<16xi32>,
        %gather3A_194 = tpu.vector_load_idx %arg5[%gather3A_193] : memref<100000xf32, #tpu.memory_space<vmem>>[vector<16xi32>], vector<16xf32>,
        %add3A_195 = arith.addf %add3A_185, %gather3A_194 : vector<16xf32>
        %add3A_196 = arith.constant 9 : i32
        %add3A_197 = vector.broadcast %add3A_196 : i32 to vector<16xi32>
        %add3A_198 = arith.addi %iota3A, %add3A_197 : vector<16xi32>
        %and3A_199 = arith.constant 31 : i32
        %and3A_200 = vector.broadcast %and3A_199 : i32 to vector<16xi32>
        %and3A_201 = arith.andi %add3A_198, %and3A_200 : vector<16xi32>
        %add3A_202 = arith.addi %min3A_106, %and3A_201 : vector<16xi32>
        %gather3A_203 = tpu.vector_load_idx %arg6[%add3A_202] : memref<10240xi32, #tpu.memory_space<vmem>>[vector<16xi32>], vector<16xi32>,
        %gather3A_204 = tpu.vector_load_idx %arg5[%gather3A_203] : memref<100000xf32, #tpu.memory_space<vmem>>[vector<16xi32>], vector<16xf32>,
        %add3A_205 = arith.addf %add3A_195, %gather3A_204 : vector<16xf32>
        %add3A_206 = arith.constant 10 : i32
        %add3A_207 = vector.broadcast %add3A_206 : i32 to vector<16xi32>
        %add3A_208 = arith.addi %iota3A, %add3A_207 : vector<16xi32>
        %and3A_209 = arith.constant 31 : i32
        %and3A_210 = vector.broadcast %and3A_209 : i32 to vector<16xi32>
        %and3A_211 = arith.andi %add3A_208, %and3A_210 : vector<16xi32>
        %add3A_212 = arith.addi %min3A_106, %and3A_211 : vector<16xi32>
        %gather3A_213 = tpu.vector_load_idx %arg6[%add3A_212] : memref<10240xi32, #tpu.memory_space<vmem>>[vector<16xi32>], vector<16xi32>,
        %gather3A_214 = tpu.vector_load_idx %arg5[%gather3A_213] : memref<100000xf32, #tpu.memory_space<vmem>>[vector<16xi32>], vector<16xf32>,
        %add3A_215 = arith.addf %add3A_205, %gather3A_214 : vector<16xf32>
        %add3A_216 = arith.constant 11 : i32
        %add3A_217 = vector.broadcast %add3A_216 : i32 to vector<16xi32>
        %add3A_218 = arith.addi %iota3A, %add3A_217 : vector<16xi32>
        %and3A_219 = arith.constant 31 : i32
        %and3A_220 = vector.broadcast %and3A_219 : i32 to vector<16xi32>
        %and3A_221 = arith.andi %add3A_218, %and3A_220 : vector<16xi32>
        %add3A_222 = arith.addi %min3A_106, %and3A_221 : vector<16xi32>
        %gather3A_223 = tpu.vector_load_idx %arg6[%add3A_222] : memref<10240xi32, #tpu.memory_space<vmem>>[vector<16xi32>], vector<16xi32>,
        %gather3A_224 = tpu.vector_load_idx %arg5[%gather3A_223] : memref<100000xf32, #tpu.memory_space<vmem>>[vector<16xi32>], vector<16xf32>,
        %add3A_225 = arith.addf %add3A_215, %gather3A_224 : vector<16xf32>
        %add3A_226 = arith.constant 12 : i32
        %add3A_227 = vector.broadcast %add3A_226 : i32 to vector<16xi32>
        %add3A_228 = arith.addi %iota3A, %add3A_227 : vector<16xi32>
        %and3A_229 = arith.constant 31 : i32
        %and3A_230 = vector.broadcast %and3A_229 : i32 to vector<16xi32>
        %and3A_231 = arith.andi %add3A_228, %and3A_230 : vector<16xi32>
        %add3A_232 = arith.addi %min3A_106, %and3A_231 : vector<16xi32>
        %gather3A_233 = tpu.vector_load_idx %arg6[%add3A_232] : memref<10240xi32, #tpu.memory_space<vmem>>[vector<16xi32>], vector<16xi32>,
        %gather3A_234 = tpu.vector_load_idx %arg5[%gather3A_233] : memref<100000xf32, #tpu.memory_space<vmem>>[vector<16xi32>], vector<16xf32>,
        %add3A_235 = arith.addf %add3A_225, %gather3A_234 : vector<16xf32>
        %add3A_236 = arith.constant 13 : i32
        %add3A_237 = vector.broadcast %add3A_236 : i32 to vector<16xi32>
        %add3A_238 = arith.addi %iota3A, %add3A_237 : vector<16xi32>
        %and3A_239 = arith.constant 31 : i32
        %and3A_240 = vector.broadcast %and3A_239 : i32 to vector<16xi32>
        %and3A_241 = arith.andi %add3A_238, %and3A_240 : vector<16xi32>
        %add3A_242 = arith.addi %min3A_106, %and3A_241 : vector<16xi32>
        %gather3A_243 = tpu.vector_load_idx %arg6[%add3A_242] : memref<10240xi32, #tpu.memory_space<vmem>>[vector<16xi32>], vector<16xi32>,
        %gather3A_244 = tpu.vector_load_idx %arg5[%gather3A_243] : memref<100000xf32, #tpu.memory_space<vmem>>[vector<16xi32>], vector<16xf32>,
        %add3A_245 = arith.addf %add3A_235, %gather3A_244 : vector<16xf32>
        %add3A_246 = arith.constant 14 : i32
        %add3A_247 = vector.broadcast %add3A_246 : i32 to vector<16xi32>
        %add3A_248 = arith.addi %iota3A, %add3A_247 : vector<16xi32>
        %and3A_249 = arith.constant 31 : i32
        %and3A_250 = vector.broadcast %and3A_249 : i32 to vector<16xi32>
        %and3A_251 = arith.andi %add3A_248, %and3A_250 : vector<16xi32>
        %add3A_252 = arith.addi %min3A_106, %and3A_251 : vector<16xi32>
        %gather3A_253 = tpu.vector_load_idx %arg6[%add3A_252] : memref<10240xi32, #tpu.memory_space<vmem>>[vector<16xi32>], vector<16xi32>,
        %gather3A_254 = tpu.vector_load_idx %arg5[%gather3A_253] : memref<100000xf32, #tpu.memory_space<vmem>>[vector<16xi32>], vector<16xf32>,
        %add3A_255 = arith.addf %add3A_245, %gather3A_254 : vector<16xf32>
        %add3A_256 = arith.constant 15 : i32
        %add3A_257 = vector.broadcast %add3A_256 : i32 to vector<16xi32>
        %add3A_258 = arith.addi %iota3A, %add3A_257 : vector<16xi32>
        %and3A_259 = arith.constant 31 : i32
        %and3A_260 = vector.broadcast %and3A_259 : i32 to vector<16xi32>
        %and3A_261 = arith.andi %add3A_258, %and3A_260 : vector<16xi32>
        %add3A_262 = arith.addi %min3A_106, %and3A_261 : vector<16xi32>
        %gather3A_263 = tpu.vector_load_idx %arg6[%add3A_262] : memref<10240xi32, #tpu.memory_space<vmem>>[vector<16xi32>], vector<16xi32>,
        %gather3A_264 = tpu.vector_load_idx %arg5[%gather3A_263] : memref<100000xf32, #tpu.memory_space<vmem>>[vector<16xi32>], vector<16xf32>,
        %add3A_265 = arith.addf %add3A_255, %gather3A_264 : vector<16xf32>
        %add3A_266 = arith.constant 16 : i32
        %add3A_267 = vector.broadcast %add3A_266 : i32 to vector<16xi32>
        %add3A_268 = arith.addi %iota3A, %add3A_267 : vector<16xi32>
        %and3A_269 = arith.constant 31 : i32
        %and3A_270 = vector.broadcast %and3A_269 : i32 to vector<16xi32>
        %and3A_271 = arith.andi %add3A_268, %and3A_270 : vector<16xi32>
        %add3A_272 = arith.addi %min3A_106, %and3A_271 : vector<16xi32>
        %gather3A_273 = tpu.vector_load_idx %arg6[%add3A_272] : memref<10240xi32, #tpu.memory_space<vmem>>[vector<16xi32>], vector<16xi32>,
        %gather3A_274 = tpu.vector_load_idx %arg5[%gather3A_273] : memref<100000xf32, #tpu.memory_space<vmem>>[vector<16xi32>], vector<16xf32>,
        %add3A_275 = arith.addf %add3A_265, %gather3A_274 : vector<16xf32>
        %add3A_276 = arith.constant 17 : i32
        %add3A_277 = vector.broadcast %add3A_276 : i32 to vector<16xi32>
        %add3A_278 = arith.addi %iota3A, %add3A_277 : vector<16xi32>
        %and3A_279 = arith.constant 31 : i32
        %and3A_280 = vector.broadcast %and3A_279 : i32 to vector<16xi32>
        %and3A_281 = arith.andi %add3A_278, %and3A_280 : vector<16xi32>
        %add3A_282 = arith.addi %min3A_106, %and3A_281 : vector<16xi32>
        %gather3A_283 = tpu.vector_load_idx %arg6[%add3A_282] : memref<10240xi32, #tpu.memory_space<vmem>>[vector<16xi32>], vector<16xi32>,
        %gather3A_284 = tpu.vector_load_idx %arg5[%gather3A_283] : memref<100000xf32, #tpu.memory_space<vmem>>[vector<16xi32>], vector<16xf32>,
        %add3A_285 = arith.addf %add3A_275, %gather3A_284 : vector<16xf32>
        %add3A_286 = arith.constant 18 : i32
        %add3A_287 = vector.broadcast %add3A_286 : i32 to vector<16xi32>
        %add3A_288 = arith.addi %iota3A, %add3A_287 : vector<16xi32>
        %and3A_289 = arith.constant 31 : i32
        %and3A_290 = vector.broadcast %and3A_289 : i32 to vector<16xi32>
        %and3A_291 = arith.andi %add3A_288, %and3A_290 : vector<16xi32>
        %add3A_292 = arith.addi %min3A_106, %and3A_291 : vector<16xi32>
        %gather3A_293 = tpu.vector_load_idx %arg6[%add3A_292] : memref<10240xi32, #tpu.memory_space<vmem>>[vector<16xi32>], vector<16xi32>,
        %gather3A_294 = tpu.vector_load_idx %arg5[%gather3A_293] : memref<100000xf32, #tpu.memory_space<vmem>>[vector<16xi32>], vector<16xf32>,
        %add3A_295 = arith.addf %add3A_285, %gather3A_294 : vector<16xf32>
        %add3A_296 = arith.constant 19 : i32
        %add3A_297 = vector.broadcast %add3A_296 : i32 to vector<16xi32>
        %add3A_298 = arith.addi %iota3A, %add3A_297 : vector<16xi32>
        %and3A_299 = arith.constant 31 : i32
        %and3A_300 = vector.broadcast %and3A_299 : i32 to vector<16xi32>
        %and3A_301 = arith.andi %add3A_298, %and3A_300 : vector<16xi32>
        %add3A_302 = arith.addi %min3A_106, %and3A_301 : vector<16xi32>
        %gather3A_303 = tpu.vector_load_idx %arg6[%add3A_302] : memref<10240xi32, #tpu.memory_space<vmem>>[vector<16xi32>], vector<16xi32>,
        %gather3A_304 = tpu.vector_load_idx %arg5[%gather3A_303] : memref<100000xf32, #tpu.memory_space<vmem>>[vector<16xi32>], vector<16xf32>,
        %add3A_305 = arith.addf %add3A_295, %gather3A_304 : vector<16xf32>
        %add3A_306 = arith.constant 20 : i32
        %add3A_307 = vector.broadcast %add3A_306 : i32 to vector<16xi32>
        %add3A_308 = arith.addi %iota3A, %add3A_307 : vector<16xi32>
        %and3A_309 = arith.constant 31 : i32
        %and3A_310 = vector.broadcast %and3A_309 : i32 to vector<16xi32>
        %and3A_311 = arith.andi %add3A_308, %and3A_310 : vector<16xi32>
        %add3A_312 = arith.addi %min3A_106, %and3A_311 : vector<16xi32>
        %gather3A_313 = tpu.vector_load_idx %arg6[%add3A_312] : memref<10240xi32, #tpu.memory_space<vmem>>[vector<16xi32>], vector<16xi32>,
        %gather3A_314 = tpu.vector_load_idx %arg5[%gather3A_313] : memref<100000xf32, #tpu.memory_space<vmem>>[vector<16xi32>], vector<16xf32>,
        %add3A_315 = arith.addf %add3A_305, %gather3A_314 : vector<16xf32>
        %add3A_316 = arith.constant 21 : i32
        %add3A_317 = vector.broadcast %add3A_316 : i32 to vector<16xi32>
        %add3A_318 = arith.addi %iota3A, %add3A_317 : vector<16xi32>
        %and3A_319 = arith.constant 31 : i32
        %and3A_320 = vector.broadcast %and3A_319 : i32 to vector<16xi32>
        %and3A_321 = arith.andi %add3A_318, %and3A_320 : vector<16xi32>
        %add3A_322 = arith.addi %min3A_106, %and3A_321 : vector<16xi32>
        %gather3A_323 = tpu.vector_load_idx %arg6[%add3A_322] : memref<10240xi32, #tpu.memory_space<vmem>>[vector<16xi32>], vector<16xi32>,
        %gather3A_324 = tpu.vector_load_idx %arg5[%gather3A_323] : memref<100000xf32, #tpu.memory_space<vmem>>[vector<16xi32>], vector<16xf32>,
        %add3A_325 = arith.addf %add3A_315, %gather3A_324 : vector<16xf32>
        %add3A_326 = arith.constant 22 : i32
        %add3A_327 = vector.broadcast %add3A_326 : i32 to vector<16xi32>
        %add3A_328 = arith.addi %iota3A, %add3A_327 : vector<16xi32>
        %and3A_329 = arith.constant 31 : i32
        %and3A_330 = vector.broadcast %and3A_329 : i32 to vector<16xi32>
        %and3A_331 = arith.andi %add3A_328, %and3A_330 : vector<16xi32>
        %add3A_332 = arith.addi %min3A_106, %and3A_331 : vector<16xi32>
        %gather3A_333 = tpu.vector_load_idx %arg6[%add3A_332] : memref<10240xi32, #tpu.memory_space<vmem>>[vector<16xi32>], vector<16xi32>,
        %gather3A_334 = tpu.vector_load_idx %arg5[%gather3A_333] : memref<100000xf32, #tpu.memory_space<vmem>>[vector<16xi32>], vector<16xf32>,
        %add3A_335 = arith.addf %add3A_325, %gather3A_334 : vector<16xf32>
        %add3A_336 = arith.constant 23 : i32
        %add3A_337 = vector.broadcast %add3A_336 : i32 to vector<16xi32>
        %add3A_338 = arith.addi %iota3A, %add3A_337 : vector<16xi32>
        %and3A_339 = arith.constant 31 : i32
        %and3A_340 = vector.broadcast %and3A_339 : i32 to vector<16xi32>
        %and3A_341 = arith.andi %add3A_338, %and3A_340 : vector<16xi32>
        %add3A_342 = arith.addi %min3A_106, %and3A_341 : vector<16xi32>
        %gather3A_343 = tpu.vector_load_idx %arg6[%add3A_342] : memref<10240xi32, #tpu.memory_space<vmem>>[vector<16xi32>], vector<16xi32>,
        %gather3A_344 = tpu.vector_load_idx %arg5[%gather3A_343] : memref<100000xf32, #tpu.memory_space<vmem>>[vector<16xi32>], vector<16xf32>,
        %add3A_345 = arith.addf %add3A_335, %gather3A_344 : vector<16xf32>
        %add3A_346 = arith.constant 24 : i32
        %add3A_347 = vector.broadcast %add3A_346 : i32 to vector<16xi32>
        %add3A_348 = arith.addi %iota3A, %add3A_347 : vector<16xi32>
        %and3A_349 = arith.constant 31 : i32
        %and3A_350 = vector.broadcast %and3A_349 : i32 to vector<16xi32>
        %and3A_351 = arith.andi %add3A_348, %and3A_350 : vector<16xi32>
        %add3A_352 = arith.addi %min3A_106, %and3A_351 : vector<16xi32>
        %gather3A_353 = tpu.vector_load_idx %arg6[%add3A_352] : memref<10240xi32, #tpu.memory_space<vmem>>[vector<16xi32>], vector<16xi32>,
        %gather3A_354 = tpu.vector_load_idx %arg5[%gather3A_353] : memref<100000xf32, #tpu.memory_space<vmem>>[vector<16xi32>], vector<16xf32>,
        %add3A_355 = arith.addf %add3A_345, %gather3A_354 : vector<16xf32>
        %add3A_356 = arith.constant 25 : i32
        %add3A_357 = vector.broadcast %add3A_356 : i32 to vector<16xi32>
        %add3A_358 = arith.addi %iota3A, %add3A_357 : vector<16xi32>
        %and3A_359 = arith.constant 31 : i32
        %and3A_360 = vector.broadcast %and3A_359 : i32 to vector<16xi32>
        %and3A_361 = arith.andi %add3A_358, %and3A_360 : vector<16xi32>
        %add3A_362 = arith.addi %min3A_106, %and3A_361 : vector<16xi32>
        %gather3A_363 = tpu.vector_load_idx %arg6[%add3A_362] : memref<10240xi32, #tpu.memory_space<vmem>>[vector<16xi32>], vector<16xi32>,
        %gather3A_364 = tpu.vector_load_idx %arg5[%gather3A_363] : memref<100000xf32, #tpu.memory_space<vmem>>[vector<16xi32>], vector<16xf32>,
        %add3A_365 = arith.addf %add3A_355, %gather3A_364 : vector<16xf32>
        %add3A_366 = arith.constant 26 : i32
        %add3A_367 = vector.broadcast %add3A_366 : i32 to vector<16xi32>
        %add3A_368 = arith.addi %iota3A, %add3A_367 : vector<16xi32>
        %and3A_369 = arith.constant 31 : i32
        %and3A_370 = vector.broadcast %and3A_369 : i32 to vector<16xi32>
        %and3A_371 = arith.andi %add3A_368, %and3A_370 : vector<16xi32>
        %add3A_372 = arith.addi %min3A_106, %and3A_371 : vector<16xi32>
        %gather3A_373 = tpu.vector_load_idx %arg6[%add3A_372] : memref<10240xi32, #tpu.memory_space<vmem>>[vector<16xi32>], vector<16xi32>,
        %gather3A_374 = tpu.vector_load_idx %arg5[%gather3A_373] : memref<100000xf32, #tpu.memory_space<vmem>>[vector<16xi32>], vector<16xf32>,
        %add3A_375 = arith.addf %add3A_365, %gather3A_374 : vector<16xf32>
        %add3A_376 = arith.constant 27 : i32
        %add3A_377 = vector.broadcast %add3A_376 : i32 to vector<16xi32>
        %add3A_378 = arith.addi %iota3A, %add3A_377 : vector<16xi32>
        %and3A_379 = arith.constant 31 : i32
        %and3A_380 = vector.broadcast %and3A_379 : i32 to vector<16xi32>
        %and3A_381 = arith.andi %add3A_378, %and3A_380 : vector<16xi32>
        %add3A_382 = arith.addi %min3A_106, %and3A_381 : vector<16xi32>
        %gather3A_383 = tpu.vector_load_idx %arg6[%add3A_382] : memref<10240xi32, #tpu.memory_space<vmem>>[vector<16xi32>], vector<16xi32>,
        %gather3A_384 = tpu.vector_load_idx %arg5[%gather3A_383] : memref<100000xf32, #tpu.memory_space<vmem>>[vector<16xi32>], vector<16xf32>,
        %add3A_385 = arith.addf %add3A_375, %gather3A_384 : vector<16xf32>
        %add3A_386 = arith.constant 28 : i32
        %add3A_387 = vector.broadcast %add3A_386 : i32 to vector<16xi32>
        %add3A_388 = arith.addi %iota3A, %add3A_387 : vector<16xi32>
        %and3A_389 = arith.constant 31 : i32
        %and3A_390 = vector.broadcast %and3A_389 : i32 to vector<16xi32>
        %and3A_391 = arith.andi %add3A_388, %and3A_390 : vector<16xi32>
        %add3A_392 = arith.addi %min3A_106, %and3A_391 : vector<16xi32>
        %gather3A_393 = tpu.vector_load_idx %arg6[%add3A_392] : memref<10240xi32, #tpu.memory_space<vmem>>[vector<16xi32>], vector<16xi32>,
        %gather3A_394 = tpu.vector_load_idx %arg5[%gather3A_393] : memref<100000xf32, #tpu.memory_space<vmem>>[vector<16xi32>], vector<16xf32>,
        %add3A_395 = arith.addf %add3A_385, %gather3A_394 : vector<16xf32>
        %add3A_396 = arith.constant 29 : i32
        %add3A_397 = vector.broadcast %add3A_396 : i32 to vector<16xi32>
        %add3A_398 = arith.addi %iota3A, %add3A_397 : vector<16xi32>
        %and3A_399 = arith.constant 31 : i32
        %and3A_400 = vector.broadcast %and3A_399 : i32 to vector<16xi32>
        %and3A_401 = arith.andi %add3A_398, %and3A_400 : vector<16xi32>
        %add3A_402 = arith.addi %min3A_106, %and3A_401 : vector<16xi32>
        %gather3A_403 = tpu.vector_load_idx %arg6[%add3A_402] : memref<10240xi32, #tpu.memory_space<vmem>>[vector<16xi32>], vector<16xi32>,
        %gather3A_404 = tpu.vector_load_idx %arg5[%gather3A_403] : memref<100000xf32, #tpu.memory_space<vmem>>[vector<16xi32>], vector<16xf32>,
        %add3A_405 = arith.addf %add3A_395, %gather3A_404 : vector<16xf32>
        %add3A_406 = arith.constant 30 : i32
        %add3A_407 = vector.broadcast %add3A_406 : i32 to vector<16xi32>
        %add3A_408 = arith.addi %iota3A, %add3A_407 : vector<16xi32>
        %and3A_409 = arith.constant 31 : i32
        %and3A_410 = vector.broadcast %and3A_409 : i32 to vector<16xi32>
        %and3A_411 = arith.andi %add3A_408, %and3A_410 : vector<16xi32>
        %add3A_412 = arith.addi %min3A_106, %and3A_411 : vector<16xi32>
        %gather3A_413 = tpu.vector_load_idx %arg6[%add3A_412] : memref<10240xi32, #tpu.memory_space<vmem>>[vector<16xi32>], vector<16xi32>,
        %gather3A_414 = tpu.vector_load_idx %arg5[%gather3A_413] : memref<100000xf32, #tpu.memory_space<vmem>>[vector<16xi32>], vector<16xf32>,
        %add3A_415 = arith.addf %add3A_405, %gather3A_414 : vector<16xf32>
        %add3A_416 = arith.constant 31 : i32
        %add3A_417 = vector.broadcast %add3A_416 : i32 to vector<16xi32>
        %add3A_418 = arith.addi %iota3A, %add3A_417 : vector<16xi32>
        %and3A_419 = arith.constant 31 : i32
        %and3A_420 = vector.broadcast %and3A_419 : i32 to vector<16xi32>
        %and3A_421 = arith.andi %add3A_418, %and3A_420 : vector<16xi32>
        %add3A_422 = arith.addi %min3A_106, %and3A_421 : vector<16xi32>
        %gather3A_423 = tpu.vector_load_idx %arg6[%add3A_422] : memref<10240xi32, #tpu.memory_space<vmem>>[vector<16xi32>], vector<16xi32>,
        %gather3A_424 = tpu.vector_load_idx %arg5[%gather3A_423] : memref<100000xf32, #tpu.memory_space<vmem>>[vector<16xi32>], vector<16xf32>,
        %add3A_425 = arith.addf %add3A_415, %gather3A_424 : vector<16xf32>
        %mul3A_426 = arith.constant 3.125000e-02 : f32
        %mul3A_427 = vector.broadcast %mul3A_426 : f32 to vector<16xf32>
        %mul3A_428 = arith.mulf %add3A_425, %mul3A_427 : vector<16xf32>
        %mul3A_429 = arith.constant 20 : i32
        %mul3A_430 = arith.muli %mul3A_29, %mul3A_429 : i32
        %add3A_431 = arith.addi %mul3A_430, %while3A_95 : i32
        %mul3A_432 = arith.constant 16 : i32
        %mul3A_433 = arith.muli %add3A_431, %mul3A_432 : i32
        %swap3A = arith.index_cast %mul3A_433 : i32 to index
        %swap3A_434 = tpu.vector_load %arg8[%swap3A] {strides = array<i32>} : memref<3200xf32, #tpu.memory_space<vmem>>, vector<16xf32>,
        tpu.vector_store %arg8[%swap3A], %mul3A_428 {strides = array<i32>} : memref<3200xf32, #tpu.memory_space<vmem>>, vector<16xf32>,
      }
      %while3A_59 = arith.constant 1 : i32
      scf.for %while3A_95 = %while3A_57 to %while3A_53 step %while3A_59  : i32 {
        %mul3A_96 = arith.constant 512 : i32
        %mul3A_97 = arith.muli %while3A_95, %mul3A_96 : i32
        %add3A_98 = arith.addi %mul3A_97, %sub3A : i32
        %mul3A_99 = arith.constant 32 : i32
        %mul3A_100 = vector.broadcast %mul3A_99 : i32 to vector<16xi32>
        %mul3A_101 = arith.muli %mul3A_100, %iota3A : vector<16xi32>
        %add3A_102 = vector.broadcast %add3A_98 : i32 to vector<16xi32>
        %add3A_103 = arith.addi %add3A_102, %mul3A_101 : vector<16xi32>
        %min3A_104 = arith.constant 10208 : i32
        %min3A_105 = vector.broadcast %min3A_104 : i32 to vector<16xi32>
        %min3A_106 = arith.minsi %add3A_103, %min3A_105 : vector<16xi32>
        %broadcast_in_dim3A = arith.constant 0.000000e+00 : f32
        %broadcast_in_dim3A_107 = vector.broadcast %broadcast_in_dim3A : f32 to vector<16xf32>
        %add3A_108 = arith.constant 0 : i32
        %add3A_109 = vector.broadcast %add3A_108 : i32 to vector<16xi32>
        %add3A_110 = arith.addi %iota3A, %add3A_109 : vector<16xi32>
        %and3A = arith.constant 31 : i32
        %and3A_111 = vector.broadcast %and3A : i32 to vector<16xi32>
        %and3A_112 = arith.andi %add3A_110, %and3A_111 : vector<16xi32>
        %add3A_113 = arith.addi %min3A_106, %and3A_112 : vector<16xi32>
        %gather3A = tpu.vector_load_idx %arg6[%add3A_113] : memref<10240xi32, #tpu.memory_space<vmem>>[vector<16xi32>], vector<16xi32>,
        %gather3A_114 = tpu.vector_load_idx %arg5[%gather3A] : memref<100000xf32, #tpu.memory_space<vmem>>[vector<16xi32>], vector<16xf32>,
        %add3A_115 = arith.addf %broadcast_in_dim3A_107, %gather3A_114 : vector<16xf32>
        %add3A_116 = arith.constant 1 : i32
        %add3A_117 = vector.broadcast %add3A_116 : i32 to vector<16xi32>
        %add3A_118 = arith.addi %iota3A, %add3A_117 : vector<16xi32>
        %and3A_119 = arith.constant 31 : i32
        %and3A_120 = vector.broadcast %and3A_119 : i32 to vector<16xi32>
        %and3A_121 = arith.andi %add3A_118, %and3A_120 : vector<16xi32>
        %add3A_122 = arith.addi %min3A_106, %and3A_121 : vector<16xi32>
        %gather3A_123 = tpu.vector_load_idx %arg6[%add3A_122] : memref<10240xi32, #tpu.memory_space<vmem>>[vector<16xi32>], vector<16xi32>,
        %gather3A_124 = tpu.vector_load_idx %arg5[%gather3A_123] : memref<100000xf32, #tpu.memory_space<vmem>>[vector<16xi32>], vector<16xf32>,
        %add3A_125 = arith.addf %add3A_115, %gather3A_124 : vector<16xf32>
        %add3A_126 = arith.constant 2 : i32
        %add3A_127 = vector.broadcast %add3A_126 : i32 to vector<16xi32>
        %add3A_128 = arith.addi %iota3A, %add3A_127 : vector<16xi32>
        %and3A_129 = arith.constant 31 : i32
        %and3A_130 = vector.broadcast %and3A_129 : i32 to vector<16xi32>
        %and3A_131 = arith.andi %add3A_128, %and3A_130 : vector<16xi32>
        %add3A_132 = arith.addi %min3A_106, %and3A_131 : vector<16xi32>
        %gather3A_133 = tpu.vector_load_idx %arg6[%add3A_132] : memref<10240xi32, #tpu.memory_space<vmem>>[vector<16xi32>], vector<16xi32>,
        %gather3A_134 = tpu.vector_load_idx %arg5[%gather3A_133] : memref<100000xf32, #tpu.memory_space<vmem>>[vector<16xi32>], vector<16xf32>,
        %add3A_135 = arith.addf %add3A_125, %gather3A_134 : vector<16xf32>
        %add3A_136 = arith.constant 3 : i32
        %add3A_137 = vector.broadcast %add3A_136 : i32 to vector<16xi32>
        %add3A_138 = arith.addi %iota3A, %add3A_137 : vector<16xi32>
        %and3A_139 = arith.constant 31 : i32
        %and3A_140 = vector.broadcast %and3A_139 : i32 to vector<16xi32>
        %and3A_141 = arith.andi %add3A_138, %and3A_140 : vector<16xi32>
        %add3A_142 = arith.addi %min3A_106, %and3A_141 : vector<16xi32>
        %gather3A_143 = tpu.vector_load_idx %arg6[%add3A_142] : memref<10240xi32, #tpu.memory_space<vmem>>[vector<16xi32>], vector<16xi32>,
        %gather3A_144 = tpu.vector_load_idx %arg5[%gather3A_143] : memref<100000xf32, #tpu.memory_space<vmem>>[vector<16xi32>], vector<16xf32>,
        %add3A_145 = arith.addf %add3A_135, %gather3A_144 : vector<16xf32>
        %add3A_146 = arith.constant 4 : i32
        %add3A_147 = vector.broadcast %add3A_146 : i32 to vector<16xi32>
        %add3A_148 = arith.addi %iota3A, %add3A_147 : vector<16xi32>
        %and3A_149 = arith.constant 31 : i32
        %and3A_150 = vector.broadcast %and3A_149 : i32 to vector<16xi32>
        %and3A_151 = arith.andi %add3A_148, %and3A_150 : vector<16xi32>
        %add3A_152 = arith.addi %min3A_106, %and3A_151 : vector<16xi32>
        %gather3A_153 = tpu.vector_load_idx %arg6[%add3A_152] : memref<10240xi32, #tpu.memory_space<vmem>>[vector<16xi32>], vector<16xi32>,
        %gather3A_154 = tpu.vector_load_idx %arg5[%gather3A_153] : memref<100000xf32, #tpu.memory_space<vmem>>[vector<16xi32>], vector<16xf32>,
        %add3A_155 = arith.addf %add3A_145, %gather3A_154 : vector<16xf32>
        %add3A_156 = arith.constant 5 : i32
        %add3A_157 = vector.broadcast %add3A_156 : i32 to vector<16xi32>
        %add3A_158 = arith.addi %iota3A, %add3A_157 : vector<16xi32>
        %and3A_159 = arith.constant 31 : i32
        %and3A_160 = vector.broadcast %and3A_159 : i32 to vector<16xi32>
        %and3A_161 = arith.andi %add3A_158, %and3A_160 : vector<16xi32>
        %add3A_162 = arith.addi %min3A_106, %and3A_161 : vector<16xi32>
        %gather3A_163 = tpu.vector_load_idx %arg6[%add3A_162] : memref<10240xi32, #tpu.memory_space<vmem>>[vector<16xi32>], vector<16xi32>,
        %gather3A_164 = tpu.vector_load_idx %arg5[%gather3A_163] : memref<100000xf32, #tpu.memory_space<vmem>>[vector<16xi32>], vector<16xf32>,
        %add3A_165 = arith.addf %add3A_155, %gather3A_164 : vector<16xf32>
        %add3A_166 = arith.constant 6 : i32
        %add3A_167 = vector.broadcast %add3A_166 : i32 to vector<16xi32>
        %add3A_168 = arith.addi %iota3A, %add3A_167 : vector<16xi32>
        %and3A_169 = arith.constant 31 : i32
        %and3A_170 = vector.broadcast %and3A_169 : i32 to vector<16xi32>
        %and3A_171 = arith.andi %add3A_168, %and3A_170 : vector<16xi32>
        %add3A_172 = arith.addi %min3A_106, %and3A_171 : vector<16xi32>
        %gather3A_173 = tpu.vector_load_idx %arg6[%add3A_172] : memref<10240xi32, #tpu.memory_space<vmem>>[vector<16xi32>], vector<16xi32>,
        %gather3A_174 = tpu.vector_load_idx %arg5[%gather3A_173] : memref<100000xf32, #tpu.memory_space<vmem>>[vector<16xi32>], vector<16xf32>,
        %add3A_175 = arith.addf %add3A_165, %gather3A_174 : vector<16xf32>
        %add3A_176 = arith.constant 7 : i32
        %add3A_177 = vector.broadcast %add3A_176 : i32 to vector<16xi32>
        %add3A_178 = arith.addi %iota3A, %add3A_177 : vector<16xi32>
        %and3A_179 = arith.constant 31 : i32
        %and3A_180 = vector.broadcast %and3A_179 : i32 to vector<16xi32>
        %and3A_181 = arith.andi %add3A_178, %and3A_180 : vector<16xi32>
        %add3A_182 = arith.addi %min3A_106, %and3A_181 : vector<16xi32>
        %gather3A_183 = tpu.vector_load_idx %arg6[%add3A_182] : memref<10240xi32, #tpu.memory_space<vmem>>[vector<16xi32>], vector<16xi32>,
        %gather3A_184 = tpu.vector_load_idx %arg5[%gather3A_183] : memref<100000xf32, #tpu.memory_space<vmem>>[vector<16xi32>], vector<16xf32>,
        %add3A_185 = arith.addf %add3A_175, %gather3A_184 : vector<16xf32>
        %add3A_186 = arith.constant 8 : i32
        %add3A_187 = vector.broadcast %add3A_186 : i32 to vector<16xi32>
        %add3A_188 = arith.addi %iota3A, %add3A_187 : vector<16xi32>
        %and3A_189 = arith.constant 31 : i32
        %and3A_190 = vector.broadcast %and3A_189 : i32 to vector<16xi32>
        %and3A_191 = arith.andi %add3A_188, %and3A_190 : vector<16xi32>
        %add3A_192 = arith.addi %min3A_106, %and3A_191 : vector<16xi32>
        %gather3A_193 = tpu.vector_load_idx %arg6[%add3A_192] : memref<10240xi32, #tpu.memory_space<vmem>>[vector<16xi32>], vector<16xi32>,
        %gather3A_194 = tpu.vector_load_idx %arg5[%gather3A_193] : memref<100000xf32, #tpu.memory_space<vmem>>[vector<16xi32>], vector<16xf32>,
        %add3A_195 = arith.addf %add3A_185, %gather3A_194 : vector<16xf32>
        %add3A_196 = arith.constant 9 : i32
        %add3A_197 = vector.broadcast %add3A_196 : i32 to vector<16xi32>
        %add3A_198 = arith.addi %iota3A, %add3A_197 : vector<16xi32>
        %and3A_199 = arith.constant 31 : i32
        %and3A_200 = vector.broadcast %and3A_199 : i32 to vector<16xi32>
        %and3A_201 = arith.andi %add3A_198, %and3A_200 : vector<16xi32>
        %add3A_202 = arith.addi %min3A_106, %and3A_201 : vector<16xi32>
        %gather3A_203 = tpu.vector_load_idx %arg6[%add3A_202] : memref<10240xi32, #tpu.memory_space<vmem>>[vector<16xi32>], vector<16xi32>,
        %gather3A_204 = tpu.vector_load_idx %arg5[%gather3A_203] : memref<100000xf32, #tpu.memory_space<vmem>>[vector<16xi32>], vector<16xf32>,
        %add3A_205 = arith.addf %add3A_195, %gather3A_204 : vector<16xf32>
        %add3A_206 = arith.constant 10 : i32
        %add3A_207 = vector.broadcast %add3A_206 : i32 to vector<16xi32>
        %add3A_208 = arith.addi %iota3A, %add3A_207 : vector<16xi32>
        %and3A_209 = arith.constant 31 : i32
        %and3A_210 = vector.broadcast %and3A_209 : i32 to vector<16xi32>
        %and3A_211 = arith.andi %add3A_208, %and3A_210 : vector<16xi32>
        %add3A_212 = arith.addi %min3A_106, %and3A_211 : vector<16xi32>
        %gather3A_213 = tpu.vector_load_idx %arg6[%add3A_212] : memref<10240xi32, #tpu.memory_space<vmem>>[vector<16xi32>], vector<16xi32>,
        %gather3A_214 = tpu.vector_load_idx %arg5[%gather3A_213] : memref<100000xf32, #tpu.memory_space<vmem>>[vector<16xi32>], vector<16xf32>,
        %add3A_215 = arith.addf %add3A_205, %gather3A_214 : vector<16xf32>
        %add3A_216 = arith.constant 11 : i32
        %add3A_217 = vector.broadcast %add3A_216 : i32 to vector<16xi32>
        %add3A_218 = arith.addi %iota3A, %add3A_217 : vector<16xi32>
        %and3A_219 = arith.constant 31 : i32
        %and3A_220 = vector.broadcast %and3A_219 : i32 to vector<16xi32>
        %and3A_221 = arith.andi %add3A_218, %and3A_220 : vector<16xi32>
        %add3A_222 = arith.addi %min3A_106, %and3A_221 : vector<16xi32>
        %gather3A_223 = tpu.vector_load_idx %arg6[%add3A_222] : memref<10240xi32, #tpu.memory_space<vmem>>[vector<16xi32>], vector<16xi32>,
        %gather3A_224 = tpu.vector_load_idx %arg5[%gather3A_223] : memref<100000xf32, #tpu.memory_space<vmem>>[vector<16xi32>], vector<16xf32>,
        %add3A_225 = arith.addf %add3A_215, %gather3A_224 : vector<16xf32>
        %add3A_226 = arith.constant 12 : i32
        %add3A_227 = vector.broadcast %add3A_226 : i32 to vector<16xi32>
        %add3A_228 = arith.addi %iota3A, %add3A_227 : vector<16xi32>
        %and3A_229 = arith.constant 31 : i32
        %and3A_230 = vector.broadcast %and3A_229 : i32 to vector<16xi32>
        %and3A_231 = arith.andi %add3A_228, %and3A_230 : vector<16xi32>
        %add3A_232 = arith.addi %min3A_106, %and3A_231 : vector<16xi32>
        %gather3A_233 = tpu.vector_load_idx %arg6[%add3A_232] : memref<10240xi32, #tpu.memory_space<vmem>>[vector<16xi32>], vector<16xi32>,
        %gather3A_234 = tpu.vector_load_idx %arg5[%gather3A_233] : memref<100000xf32, #tpu.memory_space<vmem>>[vector<16xi32>], vector<16xf32>,
        %add3A_235 = arith.addf %add3A_225, %gather3A_234 : vector<16xf32>
        %add3A_236 = arith.constant 13 : i32
        %add3A_237 = vector.broadcast %add3A_236 : i32 to vector<16xi32>
        %add3A_238 = arith.addi %iota3A, %add3A_237 : vector<16xi32>
        %and3A_239 = arith.constant 31 : i32
        %and3A_240 = vector.broadcast %and3A_239 : i32 to vector<16xi32>
        %and3A_241 = arith.andi %add3A_238, %and3A_240 : vector<16xi32>
        %add3A_242 = arith.addi %min3A_106, %and3A_241 : vector<16xi32>
        %gather3A_243 = tpu.vector_load_idx %arg6[%add3A_242] : memref<10240xi32, #tpu.memory_space<vmem>>[vector<16xi32>], vector<16xi32>,
        %gather3A_244 = tpu.vector_load_idx %arg5[%gather3A_243] : memref<100000xf32, #tpu.memory_space<vmem>>[vector<16xi32>], vector<16xf32>,
        %add3A_245 = arith.addf %add3A_235, %gather3A_244 : vector<16xf32>
        %add3A_246 = arith.constant 14 : i32
        %add3A_247 = vector.broadcast %add3A_246 : i32 to vector<16xi32>
        %add3A_248 = arith.addi %iota3A, %add3A_247 : vector<16xi32>
        %and3A_249 = arith.constant 31 : i32
        %and3A_250 = vector.broadcast %and3A_249 : i32 to vector<16xi32>
        %and3A_251 = arith.andi %add3A_248, %and3A_250 : vector<16xi32>
        %add3A_252 = arith.addi %min3A_106, %and3A_251 : vector<16xi32>
        %gather3A_253 = tpu.vector_load_idx %arg6[%add3A_252] : memref<10240xi32, #tpu.memory_space<vmem>>[vector<16xi32>], vector<16xi32>,
        %gather3A_254 = tpu.vector_load_idx %arg5[%gather3A_253] : memref<100000xf32, #tpu.memory_space<vmem>>[vector<16xi32>], vector<16xf32>,
        %add3A_255 = arith.addf %add3A_245, %gather3A_254 : vector<16xf32>
        %add3A_256 = arith.constant 15 : i32
        %add3A_257 = vector.broadcast %add3A_256 : i32 to vector<16xi32>
        %add3A_258 = arith.addi %iota3A, %add3A_257 : vector<16xi32>
        %and3A_259 = arith.constant 31 : i32
        %and3A_260 = vector.broadcast %and3A_259 : i32 to vector<16xi32>
        %and3A_261 = arith.andi %add3A_258, %and3A_260 : vector<16xi32>
        %add3A_262 = arith.addi %min3A_106, %and3A_261 : vector<16xi32>
        %gather3A_263 = tpu.vector_load_idx %arg6[%add3A_262] : memref<10240xi32, #tpu.memory_space<vmem>>[vector<16xi32>], vector<16xi32>,
        %gather3A_264 = tpu.vector_load_idx %arg5[%gather3A_263] : memref<100000xf32, #tpu.memory_space<vmem>>[vector<16xi32>], vector<16xf32>,
        %add3A_265 = arith.addf %add3A_255, %gather3A_264 : vector<16xf32>
        %add3A_266 = arith.constant 16 : i32
        %add3A_267 = vector.broadcast %add3A_266 : i32 to vector<16xi32>
        %add3A_268 = arith.addi %iota3A, %add3A_267 : vector<16xi32>
        %and3A_269 = arith.constant 31 : i32
        %and3A_270 = vector.broadcast %and3A_269 : i32 to vector<16xi32>
        %and3A_271 = arith.andi %add3A_268, %and3A_270 : vector<16xi32>
        %add3A_272 = arith.addi %min3A_106, %and3A_271 : vector<16xi32>
        %gather3A_273 = tpu.vector_load_idx %arg6[%add3A_272] : memref<10240xi32, #tpu.memory_space<vmem>>[vector<16xi32>], vector<16xi32>,
        %gather3A_274 = tpu.vector_load_idx %arg5[%gather3A_273] : memref<100000xf32, #tpu.memory_space<vmem>>[vector<16xi32>], vector<16xf32>,
        %add3A_275 = arith.addf %add3A_265, %gather3A_274 : vector<16xf32>
        %add3A_276 = arith.constant 17 : i32
        %add3A_277 = vector.broadcast %add3A_276 : i32 to vector<16xi32>
        %add3A_278 = arith.addi %iota3A, %add3A_277 : vector<16xi32>
        %and3A_279 = arith.constant 31 : i32
        %and3A_280 = vector.broadcast %and3A_279 : i32 to vector<16xi32>
        %and3A_281 = arith.andi %add3A_278, %and3A_280 : vector<16xi32>
        %add3A_282 = arith.addi %min3A_106, %and3A_281 : vector<16xi32>
        %gather3A_283 = tpu.vector_load_idx %arg6[%add3A_282] : memref<10240xi32, #tpu.memory_space<vmem>>[vector<16xi32>], vector<16xi32>,
        %gather3A_284 = tpu.vector_load_idx %arg5[%gather3A_283] : memref<100000xf32, #tpu.memory_space<vmem>>[vector<16xi32>], vector<16xf32>,
        %add3A_285 = arith.addf %add3A_275, %gather3A_284 : vector<16xf32>
        %add3A_286 = arith.constant 18 : i32
        %add3A_287 = vector.broadcast %add3A_286 : i32 to vector<16xi32>
        %add3A_288 = arith.addi %iota3A, %add3A_287 : vector<16xi32>
        %and3A_289 = arith.constant 31 : i32
        %and3A_290 = vector.broadcast %and3A_289 : i32 to vector<16xi32>
        %and3A_291 = arith.andi %add3A_288, %and3A_290 : vector<16xi32>
        %add3A_292 = arith.addi %min3A_106, %and3A_291 : vector<16xi32>
        %gather3A_293 = tpu.vector_load_idx %arg6[%add3A_292] : memref<10240xi32, #tpu.memory_space<vmem>>[vector<16xi32>], vector<16xi32>,
        %gather3A_294 = tpu.vector_load_idx %arg5[%gather3A_293] : memref<100000xf32, #tpu.memory_space<vmem>>[vector<16xi32>], vector<16xf32>,
        %add3A_295 = arith.addf %add3A_285, %gather3A_294 : vector<16xf32>
        %add3A_296 = arith.constant 19 : i32
        %add3A_297 = vector.broadcast %add3A_296 : i32 to vector<16xi32>
        %add3A_298 = arith.addi %iota3A, %add3A_297 : vector<16xi32>
        %and3A_299 = arith.constant 31 : i32
        %and3A_300 = vector.broadcast %and3A_299 : i32 to vector<16xi32>
        %and3A_301 = arith.andi %add3A_298, %and3A_300 : vector<16xi32>
        %add3A_302 = arith.addi %min3A_106, %and3A_301 : vector<16xi32>
        %gather3A_303 = tpu.vector_load_idx %arg6[%add3A_302] : memref<10240xi32, #tpu.memory_space<vmem>>[vector<16xi32>], vector<16xi32>,
        %gather3A_304 = tpu.vector_load_idx %arg5[%gather3A_303] : memref<100000xf32, #tpu.memory_space<vmem>>[vector<16xi32>], vector<16xf32>,
        %add3A_305 = arith.addf %add3A_295, %gather3A_304 : vector<16xf32>
        %add3A_306 = arith.constant 20 : i32
        %add3A_307 = vector.broadcast %add3A_306 : i32 to vector<16xi32>
        %add3A_308 = arith.addi %iota3A, %add3A_307 : vector<16xi32>
        %and3A_309 = arith.constant 31 : i32
        %and3A_310 = vector.broadcast %and3A_309 : i32 to vector<16xi32>
        %and3A_311 = arith.andi %add3A_308, %and3A_310 : vector<16xi32>
        %add3A_312 = arith.addi %min3A_106, %and3A_311 : vector<16xi32>
        %gather3A_313 = tpu.vector_load_idx %arg6[%add3A_312] : memref<10240xi32, #tpu.memory_space<vmem>>[vector<16xi32>], vector<16xi32>,
        %gather3A_314 = tpu.vector_load_idx %arg5[%gather3A_313] : memref<100000xf32, #tpu.memory_space<vmem>>[vector<16xi32>], vector<16xf32>,
        %add3A_315 = arith.addf %add3A_305, %gather3A_314 : vector<16xf32>
        %add3A_316 = arith.constant 21 : i32
        %add3A_317 = vector.broadcast %add3A_316 : i32 to vector<16xi32>
        %add3A_318 = arith.addi %iota3A, %add3A_317 : vector<16xi32>
        %and3A_319 = arith.constant 31 : i32
        %and3A_320 = vector.broadcast %and3A_319 : i32 to vector<16xi32>
        %and3A_321 = arith.andi %add3A_318, %and3A_320 : vector<16xi32>
        %add3A_322 = arith.addi %min3A_106, %and3A_321 : vector<16xi32>
        %gather3A_323 = tpu.vector_load_idx %arg6[%add3A_322] : memref<10240xi32, #tpu.memory_space<vmem>>[vector<16xi32>], vector<16xi32>,
        %gather3A_324 = tpu.vector_load_idx %arg5[%gather3A_323] : memref<100000xf32, #tpu.memory_space<vmem>>[vector<16xi32>], vector<16xf32>,
        %add3A_325 = arith.addf %add3A_315, %gather3A_324 : vector<16xf32>
        %add3A_326 = arith.constant 22 : i32
        %add3A_327 = vector.broadcast %add3A_326 : i32 to vector<16xi32>
        %add3A_328 = arith.addi %iota3A, %add3A_327 : vector<16xi32>
        %and3A_329 = arith.constant 31 : i32
        %and3A_330 = vector.broadcast %and3A_329 : i32 to vector<16xi32>
        %and3A_331 = arith.andi %add3A_328, %and3A_330 : vector<16xi32>
        %add3A_332 = arith.addi %min3A_106, %and3A_331 : vector<16xi32>
        %gather3A_333 = tpu.vector_load_idx %arg6[%add3A_332] : memref<10240xi32, #tpu.memory_space<vmem>>[vector<16xi32>], vector<16xi32>,
        %gather3A_334 = tpu.vector_load_idx %arg5[%gather3A_333] : memref<100000xf32, #tpu.memory_space<vmem>>[vector<16xi32>], vector<16xf32>,
        %add3A_335 = arith.addf %add3A_325, %gather3A_334 : vector<16xf32>
        %add3A_336 = arith.constant 23 : i32
        %add3A_337 = vector.broadcast %add3A_336 : i32 to vector<16xi32>
        %add3A_338 = arith.addi %iota3A, %add3A_337 : vector<16xi32>
        %and3A_339 = arith.constant 31 : i32
        %and3A_340 = vector.broadcast %and3A_339 : i32 to vector<16xi32>
        %and3A_341 = arith.andi %add3A_338, %and3A_340 : vector<16xi32>
        %add3A_342 = arith.addi %min3A_106, %and3A_341 : vector<16xi32>
        %gather3A_343 = tpu.vector_load_idx %arg6[%add3A_342] : memref<10240xi32, #tpu.memory_space<vmem>>[vector<16xi32>], vector<16xi32>,
        %gather3A_344 = tpu.vector_load_idx %arg5[%gather3A_343] : memref<100000xf32, #tpu.memory_space<vmem>>[vector<16xi32>], vector<16xf32>,
        %add3A_345 = arith.addf %add3A_335, %gather3A_344 : vector<16xf32>
        %add3A_346 = arith.constant 24 : i32
        %add3A_347 = vector.broadcast %add3A_346 : i32 to vector<16xi32>
        %add3A_348 = arith.addi %iota3A, %add3A_347 : vector<16xi32>
        %and3A_349 = arith.constant 31 : i32
        %and3A_350 = vector.broadcast %and3A_349 : i32 to vector<16xi32>
        %and3A_351 = arith.andi %add3A_348, %and3A_350 : vector<16xi32>
        %add3A_352 = arith.addi %min3A_106, %and3A_351 : vector<16xi32>
        %gather3A_353 = tpu.vector_load_idx %arg6[%add3A_352] : memref<10240xi32, #tpu.memory_space<vmem>>[vector<16xi32>], vector<16xi32>,
        %gather3A_354 = tpu.vector_load_idx %arg5[%gather3A_353] : memref<100000xf32, #tpu.memory_space<vmem>>[vector<16xi32>], vector<16xf32>,
        %add3A_355 = arith.addf %add3A_345, %gather3A_354 : vector<16xf32>
        %add3A_356 = arith.constant 25 : i32
        %add3A_357 = vector.broadcast %add3A_356 : i32 to vector<16xi32>
        %add3A_358 = arith.addi %iota3A, %add3A_357 : vector<16xi32>
        %and3A_359 = arith.constant 31 : i32
        %and3A_360 = vector.broadcast %and3A_359 : i32 to vector<16xi32>
        %and3A_361 = arith.andi %add3A_358, %and3A_360 : vector<16xi32>
        %add3A_362 = arith.addi %min3A_106, %and3A_361 : vector<16xi32>
        %gather3A_363 = tpu.vector_load_idx %arg6[%add3A_362] : memref<10240xi32, #tpu.memory_space<vmem>>[vector<16xi32>], vector<16xi32>,
        %gather3A_364 = tpu.vector_load_idx %arg5[%gather3A_363] : memref<100000xf32, #tpu.memory_space<vmem>>[vector<16xi32>], vector<16xf32>,
        %add3A_365 = arith.addf %add3A_355, %gather3A_364 : vector<16xf32>
        %add3A_366 = arith.constant 26 : i32
        %add3A_367 = vector.broadcast %add3A_366 : i32 to vector<16xi32>
        %add3A_368 = arith.addi %iota3A, %add3A_367 : vector<16xi32>
        %and3A_369 = arith.constant 31 : i32
        %and3A_370 = vector.broadcast %and3A_369 : i32 to vector<16xi32>
        %and3A_371 = arith.andi %add3A_368, %and3A_370 : vector<16xi32>
        %add3A_372 = arith.addi %min3A_106, %and3A_371 : vector<16xi32>
        %gather3A_373 = tpu.vector_load_idx %arg6[%add3A_372] : memref<10240xi32, #tpu.memory_space<vmem>>[vector<16xi32>], vector<16xi32>,
        %gather3A_374 = tpu.vector_load_idx %arg5[%gather3A_373] : memref<100000xf32, #tpu.memory_space<vmem>>[vector<16xi32>], vector<16xf32>,
        %add3A_375 = arith.addf %add3A_365, %gather3A_374 : vector<16xf32>
        %add3A_376 = arith.constant 27 : i32
        %add3A_377 = vector.broadcast %add3A_376 : i32 to vector<16xi32>
        %add3A_378 = arith.addi %iota3A, %add3A_377 : vector<16xi32>
        %and3A_379 = arith.constant 31 : i32
        %and3A_380 = vector.broadcast %and3A_379 : i32 to vector<16xi32>
        %and3A_381 = arith.andi %add3A_378, %and3A_380 : vector<16xi32>
        %add3A_382 = arith.addi %min3A_106, %and3A_381 : vector<16xi32>
        %gather3A_383 = tpu.vector_load_idx %arg6[%add3A_382] : memref<10240xi32, #tpu.memory_space<vmem>>[vector<16xi32>], vector<16xi32>,
        %gather3A_384 = tpu.vector_load_idx %arg5[%gather3A_383] : memref<100000xf32, #tpu.memory_space<vmem>>[vector<16xi32>], vector<16xf32>,
        %add3A_385 = arith.addf %add3A_375, %gather3A_384 : vector<16xf32>
        %add3A_386 = arith.constant 28 : i32
        %add3A_387 = vector.broadcast %add3A_386 : i32 to vector<16xi32>
        %add3A_388 = arith.addi %iota3A, %add3A_387 : vector<16xi32>
        %and3A_389 = arith.constant 31 : i32
        %and3A_390 = vector.broadcast %and3A_389 : i32 to vector<16xi32>
        %and3A_391 = arith.andi %add3A_388, %and3A_390 : vector<16xi32>
        %add3A_392 = arith.addi %min3A_106, %and3A_391 : vector<16xi32>
        %gather3A_393 = tpu.vector_load_idx %arg6[%add3A_392] : memref<10240xi32, #tpu.memory_space<vmem>>[vector<16xi32>], vector<16xi32>,
        %gather3A_394 = tpu.vector_load_idx %arg5[%gather3A_393] : memref<100000xf32, #tpu.memory_space<vmem>>[vector<16xi32>], vector<16xf32>,
        %add3A_395 = arith.addf %add3A_385, %gather3A_394 : vector<16xf32>
        %add3A_396 = arith.constant 29 : i32
        %add3A_397 = vector.broadcast %add3A_396 : i32 to vector<16xi32>
        %add3A_398 = arith.addi %iota3A, %add3A_397 : vector<16xi32>
        %and3A_399 = arith.constant 31 : i32
        %and3A_400 = vector.broadcast %and3A_399 : i32 to vector<16xi32>
        %and3A_401 = arith.andi %add3A_398, %and3A_400 : vector<16xi32>
        %add3A_402 = arith.addi %min3A_106, %and3A_401 : vector<16xi32>
        %gather3A_403 = tpu.vector_load_idx %arg6[%add3A_402] : memref<10240xi32, #tpu.memory_space<vmem>>[vector<16xi32>], vector<16xi32>,
        %gather3A_404 = tpu.vector_load_idx %arg5[%gather3A_403] : memref<100000xf32, #tpu.memory_space<vmem>>[vector<16xi32>], vector<16xf32>,
        %add3A_405 = arith.addf %add3A_395, %gather3A_404 : vector<16xf32>
        %add3A_406 = arith.constant 30 : i32
        %add3A_407 = vector.broadcast %add3A_406 : i32 to vector<16xi32>
        %add3A_408 = arith.addi %iota3A, %add3A_407 : vector<16xi32>
        %and3A_409 = arith.constant 31 : i32
        %and3A_410 = vector.broadcast %and3A_409 : i32 to vector<16xi32>
        %and3A_411 = arith.andi %add3A_408, %and3A_410 : vector<16xi32>
        %add3A_412 = arith.addi %min3A_106, %and3A_411 : vector<16xi32>
        %gather3A_413 = tpu.vector_load_idx %arg6[%add3A_412] : memref<10240xi32, #tpu.memory_space<vmem>>[vector<16xi32>], vector<16xi32>,
        %gather3A_414 = tpu.vector_load_idx %arg5[%gather3A_413] : memref<100000xf32, #tpu.memory_space<vmem>>[vector<16xi32>], vector<16xf32>,
        %add3A_415 = arith.addf %add3A_405, %gather3A_414 : vector<16xf32>
        %add3A_416 = arith.constant 31 : i32
        %add3A_417 = vector.broadcast %add3A_416 : i32 to vector<16xi32>
        %add3A_418 = arith.addi %iota3A, %add3A_417 : vector<16xi32>
        %and3A_419 = arith.constant 31 : i32
        %and3A_420 = vector.broadcast %and3A_419 : i32 to vector<16xi32>
        %and3A_421 = arith.andi %add3A_418, %and3A_420 : vector<16xi32>
        %add3A_422 = arith.addi %min3A_106, %and3A_421 : vector<16xi32>
        %gather3A_423 = tpu.vector_load_idx %arg6[%add3A_422] : memref<10240xi32, #tpu.memory_space<vmem>>[vector<16xi32>], vector<16xi32>,
        %gather3A_424 = tpu.vector_load_idx %arg5[%gather3A_423] : memref<100000xf32, #tpu.memory_space<vmem>>[vector<16xi32>], vector<16xf32>,
        %add3A_425 = arith.addf %add3A_415, %gather3A_424 : vector<16xf32>
        %mul3A_426 = arith.constant 3.125000e-02 : f32
        %mul3A_427 = vector.broadcast %mul3A_426 : f32 to vector<16xf32>
        %mul3A_428 = arith.mulf %add3A_425, %mul3A_427 : vector<16xf32>
        %mul3A_429 = arith.constant 20 : i32
        %mul3A_430 = arith.muli %mul3A_29, %mul3A_429 : i32
        %add3A_431 = arith.addi %mul3A_430, %while3A_95 : i32
        %mul3A_432 = arith.constant 16 : i32
        %mul3A_433 = arith.muli %add3A_431, %mul3A_432 : i32
        %swap3A = arith.index_cast %mul3A_433 : i32 to index
        %swap3A_434 = tpu.vector_load %arg8[%swap3A] {strides = array<i32>} : memref<3200xf32, #tpu.memory_space<vmem>>, vector<16xf32>,
        tpu.vector_store %arg8[%swap3A], %mul3A_428 {strides = array<i32>} : memref<3200xf32, #tpu.memory_space<vmem>>, vector<16xf32>,
      }
      %add3A_60 = arith.constant 2 : i32
      %add3A_61 = arith.addi %mul3A_29, %add3A_60 : i32
      %mul3A_62 = arith.constant 10240 : i32
      %mul3A_63 = arith.muli %add3A_61, %mul3A_62 : i32
      %min3A_64 = arith.minsi %mul3A_63, %select_n3A_5 : i32
      %add3A_65 = arith.addi %mul3A_7, %min3A_64 : i32
      %dma_start3A_66 = tpu.memref_slice %arg3[%add3A_65] : memref<3200000xi32, #tpu.memory_space<hbm>> -> memref<10240xi32, #tpu.memory_space<hbm>>
      %dma_start3A_67 = tpu.memref_slice %arg3[%add3A_65] : memref<3200000xi32, #tpu.memory_space<hbm>> -> memref<10240xi32, #tpu.memory_space<hbm>>
      tpu.enqueue_dma source(%dma_start3A_67 : memref<10240xi32, #tpu.memory_space<hbm>>) target(%arg6 : memref<10240xi32, #tpu.memory_space<vmem>>) target_semaphore(%arg11 : memref<!tpu.dma_semaphore, #tpu.memory_space<semaphore_mem>>)
      %dma_wait3A_68 = tpu.memref_slice %arg3[%mul3A_7] : memref<3200000xi32, #tpu.memory_space<hbm>> -> memref<10240xi32, #tpu.memory_space<hbm>>
      %dma_wait3A_69 = tpu.memref_slice %arg3[%mul3A_7] : memref<3200000xi32, #tpu.memory_space<hbm>> -> memref<10240xi32, #tpu.memory_space<hbm>>
      tpu.wait_dma2 semaphore(%arg12 : memref<!tpu.dma_semaphore, #tpu.memory_space<semaphore_mem>>) src(%dma_wait3A_69 : memref<10240xi32, #tpu.memory_space<hbm>>) dst(%arg7 : memref<10240xi32, #tpu.memory_space<vmem>>)
      %add3A_70 = arith.constant 1 : i32
      %add3A_71 = arith.addi %mul3A_29, %add3A_70 : i32
      %mul3A_72 = arith.constant 10240 : i32
      %mul3A_73 = arith.muli %add3A_71, %mul3A_72 : i32
      %min3A_74 = arith.minsi %mul3A_73, %select_n3A_5 : i32
      %mul3A_75 = arith.constant 10240 : i32
      %mul3A_76 = arith.muli %add3A_71, %mul3A_75 : i32
      %sub3A_77 = arith.subi %mul3A_76, %min3A_74 : i32
      %mul3A_78 = arith.constant 20 : i32
      %mul3A_79 = arith.muli %add3A_71, %mul3A_78 : i32
      %sub3A_80 = arith.subi %select_n3A, %mul3A_79 : i32
      %jit3A_81 = arith.constant 0 : i32
      %jit3A_82 = arith.constant 20 : i32
      %max3A_83 = arith.maxsi %jit3A_81, %sub3A_80 : i32
      %min3A_84 = arith.minsi %jit3A_82, %max3A_83 : i32
      %while3A_85 = arith.constant 0 : i32
      %while3A_86 = arith.constant 0 : i32
      %while3A_87 = arith.subi %min3A_84, %while3A_86 : i32
      %while3A_88 = arith.addi %while3A_86, %while3A_87 : i32
      %while3A_89 = arith.constant 1 : i32
      %while3A_90 = arith.divsi %while3A_87, %while3A_89 : i32
      %while3A_91 = arith.muli %while3A_90, %while3A_89 : i32
      %while3A_92 = arith.addi %while3A_86, %while3A_91 : i32
      %while3A_93 = arith.constant 1 : i32
      scf.for %while3A_95 = %while3A_86 to %while3A_92 step %while3A_93  : i32 {
        %mul3A_96 = arith.constant 512 : i32
        %mul3A_97 = arith.muli %while3A_95, %mul3A_96 : i32
        %add3A_98 = arith.addi %mul3A_97, %sub3A_77 : i32
        %mul3A_99 = arith.constant 32 : i32
        %mul3A_100 = vector.broadcast %mul3A_99 : i32 to vector<16xi32>
        %mul3A_101 = arith.muli %mul3A_100, %iota3A : vector<16xi32>
        %add3A_102 = vector.broadcast %add3A_98 : i32 to vector<16xi32>
        %add3A_103 = arith.addi %add3A_102, %mul3A_101 : vector<16xi32>
        %min3A_104 = arith.constant 10208 : i32
        %min3A_105 = vector.broadcast %min3A_104 : i32 to vector<16xi32>
        %min3A_106 = arith.minsi %add3A_103, %min3A_105 : vector<16xi32>
        %broadcast_in_dim3A = arith.constant 0.000000e+00 : f32
        %broadcast_in_dim3A_107 = vector.broadcast %broadcast_in_dim3A : f32 to vector<16xf32>
        %add3A_108 = arith.constant 0 : i32
        %add3A_109 = vector.broadcast %add3A_108 : i32 to vector<16xi32>
        %add3A_110 = arith.addi %iota3A, %add3A_109 : vector<16xi32>
        %and3A = arith.constant 31 : i32
        %and3A_111 = vector.broadcast %and3A : i32 to vector<16xi32>
        %and3A_112 = arith.andi %add3A_110, %and3A_111 : vector<16xi32>
        %add3A_113 = arith.addi %min3A_106, %and3A_112 : vector<16xi32>
        %gather3A = tpu.vector_load_idx %arg7[%add3A_113] : memref<10240xi32, #tpu.memory_space<vmem>>[vector<16xi32>], vector<16xi32>,
        %gather3A_114 = tpu.vector_load_idx %arg5[%gather3A] : memref<100000xf32, #tpu.memory_space<vmem>>[vector<16xi32>], vector<16xf32>,
        %add3A_115 = arith.addf %broadcast_in_dim3A_107, %gather3A_114 : vector<16xf32>
        %add3A_116 = arith.constant 1 : i32
        %add3A_117 = vector.broadcast %add3A_116 : i32 to vector<16xi32>
        %add3A_118 = arith.addi %iota3A, %add3A_117 : vector<16xi32>
        %and3A_119 = arith.constant 31 : i32
        %and3A_120 = vector.broadcast %and3A_119 : i32 to vector<16xi32>
        %and3A_121 = arith.andi %add3A_118, %and3A_120 : vector<16xi32>
        %add3A_122 = arith.addi %min3A_106, %and3A_121 : vector<16xi32>
        %gather3A_123 = tpu.vector_load_idx %arg7[%add3A_122] : memref<10240xi32, #tpu.memory_space<vmem>>[vector<16xi32>], vector<16xi32>,
        %gather3A_124 = tpu.vector_load_idx %arg5[%gather3A_123] : memref<100000xf32, #tpu.memory_space<vmem>>[vector<16xi32>], vector<16xf32>,
        %add3A_125 = arith.addf %add3A_115, %gather3A_124 : vector<16xf32>
        %add3A_126 = arith.constant 2 : i32
        %add3A_127 = vector.broadcast %add3A_126 : i32 to vector<16xi32>
        %add3A_128 = arith.addi %iota3A, %add3A_127 : vector<16xi32>
        %and3A_129 = arith.constant 31 : i32
        %and3A_130 = vector.broadcast %and3A_129 : i32 to vector<16xi32>
        %and3A_131 = arith.andi %add3A_128, %and3A_130 : vector<16xi32>
        %add3A_132 = arith.addi %min3A_106, %and3A_131 : vector<16xi32>
        %gather3A_133 = tpu.vector_load_idx %arg7[%add3A_132] : memref<10240xi32, #tpu.memory_space<vmem>>[vector<16xi32>], vector<16xi32>,
        %gather3A_134 = tpu.vector_load_idx %arg5[%gather3A_133] : memref<100000xf32, #tpu.memory_space<vmem>>[vector<16xi32>], vector<16xf32>,
        %add3A_135 = arith.addf %add3A_125, %gather3A_134 : vector<16xf32>
        %add3A_136 = arith.constant 3 : i32
        %add3A_137 = vector.broadcast %add3A_136 : i32 to vector<16xi32>
        %add3A_138 = arith.addi %iota3A, %add3A_137 : vector<16xi32>
        %and3A_139 = arith.constant 31 : i32
        %and3A_140 = vector.broadcast %and3A_139 : i32 to vector<16xi32>
        %and3A_141 = arith.andi %add3A_138, %and3A_140 : vector<16xi32>
        %add3A_142 = arith.addi %min3A_106, %and3A_141 : vector<16xi32>
        %gather3A_143 = tpu.vector_load_idx %arg7[%add3A_142] : memref<10240xi32, #tpu.memory_space<vmem>>[vector<16xi32>], vector<16xi32>,
        %gather3A_144 = tpu.vector_load_idx %arg5[%gather3A_143] : memref<100000xf32, #tpu.memory_space<vmem>>[vector<16xi32>], vector<16xf32>,
        %add3A_145 = arith.addf %add3A_135, %gather3A_144 : vector<16xf32>
        %add3A_146 = arith.constant 4 : i32
        %add3A_147 = vector.broadcast %add3A_146 : i32 to vector<16xi32>
        %add3A_148 = arith.addi %iota3A, %add3A_147 : vector<16xi32>
        %and3A_149 = arith.constant 31 : i32
        %and3A_150 = vector.broadcast %and3A_149 : i32 to vector<16xi32>
        %and3A_151 = arith.andi %add3A_148, %and3A_150 : vector<16xi32>
        %add3A_152 = arith.addi %min3A_106, %and3A_151 : vector<16xi32>
        %gather3A_153 = tpu.vector_load_idx %arg7[%add3A_152] : memref<10240xi32, #tpu.memory_space<vmem>>[vector<16xi32>], vector<16xi32>,
        %gather3A_154 = tpu.vector_load_idx %arg5[%gather3A_153] : memref<100000xf32, #tpu.memory_space<vmem>>[vector<16xi32>], vector<16xf32>,
        %add3A_155 = arith.addf %add3A_145, %gather3A_154 : vector<16xf32>
        %add3A_156 = arith.constant 5 : i32
        %add3A_157 = vector.broadcast %add3A_156 : i32 to vector<16xi32>
        %add3A_158 = arith.addi %iota3A, %add3A_157 : vector<16xi32>
        %and3A_159 = arith.constant 31 : i32
        %and3A_160 = vector.broadcast %and3A_159 : i32 to vector<16xi32>
        %and3A_161 = arith.andi %add3A_158, %and3A_160 : vector<16xi32>
        %add3A_162 = arith.addi %min3A_106, %and3A_161 : vector<16xi32>
        %gather3A_163 = tpu.vector_load_idx %arg7[%add3A_162] : memref<10240xi32, #tpu.memory_space<vmem>>[vector<16xi32>], vector<16xi32>,
        %gather3A_164 = tpu.vector_load_idx %arg5[%gather3A_163] : memref<100000xf32, #tpu.memory_space<vmem>>[vector<16xi32>], vector<16xf32>,
        %add3A_165 = arith.addf %add3A_155, %gather3A_164 : vector<16xf32>
        %add3A_166 = arith.constant 6 : i32
        %add3A_167 = vector.broadcast %add3A_166 : i32 to vector<16xi32>
        %add3A_168 = arith.addi %iota3A, %add3A_167 : vector<16xi32>
        %and3A_169 = arith.constant 31 : i32
        %and3A_170 = vector.broadcast %and3A_169 : i32 to vector<16xi32>
        %and3A_171 = arith.andi %add3A_168, %and3A_170 : vector<16xi32>
        %add3A_172 = arith.addi %min3A_106, %and3A_171 : vector<16xi32>
        %gather3A_173 = tpu.vector_load_idx %arg7[%add3A_172] : memref<10240xi32, #tpu.memory_space<vmem>>[vector<16xi32>], vector<16xi32>,
        %gather3A_174 = tpu.vector_load_idx %arg5[%gather3A_173] : memref<100000xf32, #tpu.memory_space<vmem>>[vector<16xi32>], vector<16xf32>,
        %add3A_175 = arith.addf %add3A_165, %gather3A_174 : vector<16xf32>
        %add3A_176 = arith.constant 7 : i32
        %add3A_177 = vector.broadcast %add3A_176 : i32 to vector<16xi32>
        %add3A_178 = arith.addi %iota3A, %add3A_177 : vector<16xi32>
        %and3A_179 = arith.constant 31 : i32
        %and3A_180 = vector.broadcast %and3A_179 : i32 to vector<16xi32>
        %and3A_181 = arith.andi %add3A_178, %and3A_180 : vector<16xi32>
        %add3A_182 = arith.addi %min3A_106, %and3A_181 : vector<16xi32>
        %gather3A_183 = tpu.vector_load_idx %arg7[%add3A_182] : memref<10240xi32, #tpu.memory_space<vmem>>[vector<16xi32>], vector<16xi32>,
        %gather3A_184 = tpu.vector_load_idx %arg5[%gather3A_183] : memref<100000xf32, #tpu.memory_space<vmem>>[vector<16xi32>], vector<16xf32>,
        %add3A_185 = arith.addf %add3A_175, %gather3A_184 : vector<16xf32>
        %add3A_186 = arith.constant 8 : i32
        %add3A_187 = vector.broadcast %add3A_186 : i32 to vector<16xi32>
        %add3A_188 = arith.addi %iota3A, %add3A_187 : vector<16xi32>
        %and3A_189 = arith.constant 31 : i32
        %and3A_190 = vector.broadcast %and3A_189 : i32 to vector<16xi32>
        %and3A_191 = arith.andi %add3A_188, %and3A_190 : vector<16xi32>
        %add3A_192 = arith.addi %min3A_106, %and3A_191 : vector<16xi32>
        %gather3A_193 = tpu.vector_load_idx %arg7[%add3A_192] : memref<10240xi32, #tpu.memory_space<vmem>>[vector<16xi32>], vector<16xi32>,
        %gather3A_194 = tpu.vector_load_idx %arg5[%gather3A_193] : memref<100000xf32, #tpu.memory_space<vmem>>[vector<16xi32>], vector<16xf32>,
        %add3A_195 = arith.addf %add3A_185, %gather3A_194 : vector<16xf32>
        %add3A_196 = arith.constant 9 : i32
        %add3A_197 = vector.broadcast %add3A_196 : i32 to vector<16xi32>
        %add3A_198 = arith.addi %iota3A, %add3A_197 : vector<16xi32>
        %and3A_199 = arith.constant 31 : i32
        %and3A_200 = vector.broadcast %and3A_199 : i32 to vector<16xi32>
        %and3A_201 = arith.andi %add3A_198, %and3A_200 : vector<16xi32>
        %add3A_202 = arith.addi %min3A_106, %and3A_201 : vector<16xi32>
        %gather3A_203 = tpu.vector_load_idx %arg7[%add3A_202] : memref<10240xi32, #tpu.memory_space<vmem>>[vector<16xi32>], vector<16xi32>,
        %gather3A_204 = tpu.vector_load_idx %arg5[%gather3A_203] : memref<100000xf32, #tpu.memory_space<vmem>>[vector<16xi32>], vector<16xf32>,
        %add3A_205 = arith.addf %add3A_195, %gather3A_204 : vector<16xf32>
        %add3A_206 = arith.constant 10 : i32
        %add3A_207 = vector.broadcast %add3A_206 : i32 to vector<16xi32>
        %add3A_208 = arith.addi %iota3A, %add3A_207 : vector<16xi32>
        %and3A_209 = arith.constant 31 : i32
        %and3A_210 = vector.broadcast %and3A_209 : i32 to vector<16xi32>
        %and3A_211 = arith.andi %add3A_208, %and3A_210 : vector<16xi32>
        %add3A_212 = arith.addi %min3A_106, %and3A_211 : vector<16xi32>
        %gather3A_213 = tpu.vector_load_idx %arg7[%add3A_212] : memref<10240xi32, #tpu.memory_space<vmem>>[vector<16xi32>], vector<16xi32>,
        %gather3A_214 = tpu.vector_load_idx %arg5[%gather3A_213] : memref<100000xf32, #tpu.memory_space<vmem>>[vector<16xi32>], vector<16xf32>,
        %add3A_215 = arith.addf %add3A_205, %gather3A_214 : vector<16xf32>
        %add3A_216 = arith.constant 11 : i32
        %add3A_217 = vector.broadcast %add3A_216 : i32 to vector<16xi32>
        %add3A_218 = arith.addi %iota3A, %add3A_217 : vector<16xi32>
        %and3A_219 = arith.constant 31 : i32
        %and3A_220 = vector.broadcast %and3A_219 : i32 to vector<16xi32>
        %and3A_221 = arith.andi %add3A_218, %and3A_220 : vector<16xi32>
        %add3A_222 = arith.addi %min3A_106, %and3A_221 : vector<16xi32>
        %gather3A_223 = tpu.vector_load_idx %arg7[%add3A_222] : memref<10240xi32, #tpu.memory_space<vmem>>[vector<16xi32>], vector<16xi32>,
        %gather3A_224 = tpu.vector_load_idx %arg5[%gather3A_223] : memref<100000xf32, #tpu.memory_space<vmem>>[vector<16xi32>], vector<16xf32>,
        %add3A_225 = arith.addf %add3A_215, %gather3A_224 : vector<16xf32>
        %add3A_226 = arith.constant 12 : i32
        %add3A_227 = vector.broadcast %add3A_226 : i32 to vector<16xi32>
        %add3A_228 = arith.addi %iota3A, %add3A_227 : vector<16xi32>
        %and3A_229 = arith.constant 31 : i32
        %and3A_230 = vector.broadcast %and3A_229 : i32 to vector<16xi32>
        %and3A_231 = arith.andi %add3A_228, %and3A_230 : vector<16xi32>
        %add3A_232 = arith.addi %min3A_106, %and3A_231 : vector<16xi32>
        %gather3A_233 = tpu.vector_load_idx %arg7[%add3A_232] : memref<10240xi32, #tpu.memory_space<vmem>>[vector<16xi32>], vector<16xi32>,
        %gather3A_234 = tpu.vector_load_idx %arg5[%gather3A_233] : memref<100000xf32, #tpu.memory_space<vmem>>[vector<16xi32>], vector<16xf32>,
        %add3A_235 = arith.addf %add3A_225, %gather3A_234 : vector<16xf32>
        %add3A_236 = arith.constant 13 : i32
        %add3A_237 = vector.broadcast %add3A_236 : i32 to vector<16xi32>
        %add3A_238 = arith.addi %iota3A, %add3A_237 : vector<16xi32>
        %and3A_239 = arith.constant 31 : i32
        %and3A_240 = vector.broadcast %and3A_239 : i32 to vector<16xi32>
        %and3A_241 = arith.andi %add3A_238, %and3A_240 : vector<16xi32>
        %add3A_242 = arith.addi %min3A_106, %and3A_241 : vector<16xi32>
        %gather3A_243 = tpu.vector_load_idx %arg7[%add3A_242] : memref<10240xi32, #tpu.memory_space<vmem>>[vector<16xi32>], vector<16xi32>,
        %gather3A_244 = tpu.vector_load_idx %arg5[%gather3A_243] : memref<100000xf32, #tpu.memory_space<vmem>>[vector<16xi32>], vector<16xf32>,
        %add3A_245 = arith.addf %add3A_235, %gather3A_244 : vector<16xf32>
        %add3A_246 = arith.constant 14 : i32
        %add3A_247 = vector.broadcast %add3A_246 : i32 to vector<16xi32>
        %add3A_248 = arith.addi %iota3A, %add3A_247 : vector<16xi32>
        %and3A_249 = arith.constant 31 : i32
        %and3A_250 = vector.broadcast %and3A_249 : i32 to vector<16xi32>
        %and3A_251 = arith.andi %add3A_248, %and3A_250 : vector<16xi32>
        %add3A_252 = arith.addi %min3A_106, %and3A_251 : vector<16xi32>
        %gather3A_253 = tpu.vector_load_idx %arg7[%add3A_252] : memref<10240xi32, #tpu.memory_space<vmem>>[vector<16xi32>], vector<16xi32>,
        %gather3A_254 = tpu.vector_load_idx %arg5[%gather3A_253] : memref<100000xf32, #tpu.memory_space<vmem>>[vector<16xi32>], vector<16xf32>,
        %add3A_255 = arith.addf %add3A_245, %gather3A_254 : vector<16xf32>
        %add3A_256 = arith.constant 15 : i32
        %add3A_257 = vector.broadcast %add3A_256 : i32 to vector<16xi32>
        %add3A_258 = arith.addi %iota3A, %add3A_257 : vector<16xi32>
        %and3A_259 = arith.constant 31 : i32
        %and3A_260 = vector.broadcast %and3A_259 : i32 to vector<16xi32>
        %and3A_261 = arith.andi %add3A_258, %and3A_260 : vector<16xi32>
        %add3A_262 = arith.addi %min3A_106, %and3A_261 : vector<16xi32>
        %gather3A_263 = tpu.vector_load_idx %arg7[%add3A_262] : memref<10240xi32, #tpu.memory_space<vmem>>[vector<16xi32>], vector<16xi32>,
        %gather3A_264 = tpu.vector_load_idx %arg5[%gather3A_263] : memref<100000xf32, #tpu.memory_space<vmem>>[vector<16xi32>], vector<16xf32>,
        %add3A_265 = arith.addf %add3A_255, %gather3A_264 : vector<16xf32>
        %add3A_266 = arith.constant 16 : i32
        %add3A_267 = vector.broadcast %add3A_266 : i32 to vector<16xi32>
        %add3A_268 = arith.addi %iota3A, %add3A_267 : vector<16xi32>
        %and3A_269 = arith.constant 31 : i32
        %and3A_270 = vector.broadcast %and3A_269 : i32 to vector<16xi32>
        %and3A_271 = arith.andi %add3A_268, %and3A_270 : vector<16xi32>
        %add3A_272 = arith.addi %min3A_106, %and3A_271 : vector<16xi32>
        %gather3A_273 = tpu.vector_load_idx %arg7[%add3A_272] : memref<10240xi32, #tpu.memory_space<vmem>>[vector<16xi32>], vector<16xi32>,
        %gather3A_274 = tpu.vector_load_idx %arg5[%gather3A_273] : memref<100000xf32, #tpu.memory_space<vmem>>[vector<16xi32>], vector<16xf32>,
        %add3A_275 = arith.addf %add3A_265, %gather3A_274 : vector<16xf32>
        %add3A_276 = arith.constant 17 : i32
        %add3A_277 = vector.broadcast %add3A_276 : i32 to vector<16xi32>
        %add3A_278 = arith.addi %iota3A, %add3A_277 : vector<16xi32>
        %and3A_279 = arith.constant 31 : i32
        %and3A_280 = vector.broadcast %and3A_279 : i32 to vector<16xi32>
        %and3A_281 = arith.andi %add3A_278, %and3A_280 : vector<16xi32>
        %add3A_282 = arith.addi %min3A_106, %and3A_281 : vector<16xi32>
        %gather3A_283 = tpu.vector_load_idx %arg7[%add3A_282] : memref<10240xi32, #tpu.memory_space<vmem>>[vector<16xi32>], vector<16xi32>,
        %gather3A_284 = tpu.vector_load_idx %arg5[%gather3A_283] : memref<100000xf32, #tpu.memory_space<vmem>>[vector<16xi32>], vector<16xf32>,
        %add3A_285 = arith.addf %add3A_275, %gather3A_284 : vector<16xf32>
        %add3A_286 = arith.constant 18 : i32
        %add3A_287 = vector.broadcast %add3A_286 : i32 to vector<16xi32>
        %add3A_288 = arith.addi %iota3A, %add3A_287 : vector<16xi32>
        %and3A_289 = arith.constant 31 : i32
        %and3A_290 = vector.broadcast %and3A_289 : i32 to vector<16xi32>
        %and3A_291 = arith.andi %add3A_288, %and3A_290 : vector<16xi32>
        %add3A_292 = arith.addi %min3A_106, %and3A_291 : vector<16xi32>
        %gather3A_293 = tpu.vector_load_idx %arg7[%add3A_292] : memref<10240xi32, #tpu.memory_space<vmem>>[vector<16xi32>], vector<16xi32>,
        %gather3A_294 = tpu.vector_load_idx %arg5[%gather3A_293] : memref<100000xf32, #tpu.memory_space<vmem>>[vector<16xi32>], vector<16xf32>,
        %add3A_295 = arith.addf %add3A_285, %gather3A_294 : vector<16xf32>
        %add3A_296 = arith.constant 19 : i32
        %add3A_297 = vector.broadcast %add3A_296 : i32 to vector<16xi32>
        %add3A_298 = arith.addi %iota3A, %add3A_297 : vector<16xi32>
        %and3A_299 = arith.constant 31 : i32
        %and3A_300 = vector.broadcast %and3A_299 : i32 to vector<16xi32>
        %and3A_301 = arith.andi %add3A_298, %and3A_300 : vector<16xi32>
        %add3A_302 = arith.addi %min3A_106, %and3A_301 : vector<16xi32>
        %gather3A_303 = tpu.vector_load_idx %arg7[%add3A_302] : memref<10240xi32, #tpu.memory_space<vmem>>[vector<16xi32>], vector<16xi32>,
        %gather3A_304 = tpu.vector_load_idx %arg5[%gather3A_303] : memref<100000xf32, #tpu.memory_space<vmem>>[vector<16xi32>], vector<16xf32>,
        %add3A_305 = arith.addf %add3A_295, %gather3A_304 : vector<16xf32>
        %add3A_306 = arith.constant 20 : i32
        %add3A_307 = vector.broadcast %add3A_306 : i32 to vector<16xi32>
        %add3A_308 = arith.addi %iota3A, %add3A_307 : vector<16xi32>
        %and3A_309 = arith.constant 31 : i32
        %and3A_310 = vector.broadcast %and3A_309 : i32 to vector<16xi32>
        %and3A_311 = arith.andi %add3A_308, %and3A_310 : vector<16xi32>
        %add3A_312 = arith.addi %min3A_106, %and3A_311 : vector<16xi32>
        %gather3A_313 = tpu.vector_load_idx %arg7[%add3A_312] : memref<10240xi32, #tpu.memory_space<vmem>>[vector<16xi32>], vector<16xi32>,
        %gather3A_314 = tpu.vector_load_idx %arg5[%gather3A_313] : memref<100000xf32, #tpu.memory_space<vmem>>[vector<16xi32>], vector<16xf32>,
        %add3A_315 = arith.addf %add3A_305, %gather3A_314 : vector<16xf32>
        %add3A_316 = arith.constant 21 : i32
        %add3A_317 = vector.broadcast %add3A_316 : i32 to vector<16xi32>
        %add3A_318 = arith.addi %iota3A, %add3A_317 : vector<16xi32>
        %and3A_319 = arith.constant 31 : i32
        %and3A_320 = vector.broadcast %and3A_319 : i32 to vector<16xi32>
        %and3A_321 = arith.andi %add3A_318, %and3A_320 : vector<16xi32>
        %add3A_322 = arith.addi %min3A_106, %and3A_321 : vector<16xi32>
        %gather3A_323 = tpu.vector_load_idx %arg7[%add3A_322] : memref<10240xi32, #tpu.memory_space<vmem>>[vector<16xi32>], vector<16xi32>,
        %gather3A_324 = tpu.vector_load_idx %arg5[%gather3A_323] : memref<100000xf32, #tpu.memory_space<vmem>>[vector<16xi32>], vector<16xf32>,
        %add3A_325 = arith.addf %add3A_315, %gather3A_324 : vector<16xf32>
        %add3A_326 = arith.constant 22 : i32
        %add3A_327 = vector.broadcast %add3A_326 : i32 to vector<16xi32>
        %add3A_328 = arith.addi %iota3A, %add3A_327 : vector<16xi32>
        %and3A_329 = arith.constant 31 : i32
        %and3A_330 = vector.broadcast %and3A_329 : i32 to vector<16xi32>
        %and3A_331 = arith.andi %add3A_328, %and3A_330 : vector<16xi32>
        %add3A_332 = arith.addi %min3A_106, %and3A_331 : vector<16xi32>
        %gather3A_333 = tpu.vector_load_idx %arg7[%add3A_332] : memref<10240xi32, #tpu.memory_space<vmem>>[vector<16xi32>], vector<16xi32>,
        %gather3A_334 = tpu.vector_load_idx %arg5[%gather3A_333] : memref<100000xf32, #tpu.memory_space<vmem>>[vector<16xi32>], vector<16xf32>,
        %add3A_335 = arith.addf %add3A_325, %gather3A_334 : vector<16xf32>
        %add3A_336 = arith.constant 23 : i32
        %add3A_337 = vector.broadcast %add3A_336 : i32 to vector<16xi32>
        %add3A_338 = arith.addi %iota3A, %add3A_337 : vector<16xi32>
        %and3A_339 = arith.constant 31 : i32
        %and3A_340 = vector.broadcast %and3A_339 : i32 to vector<16xi32>
        %and3A_341 = arith.andi %add3A_338, %and3A_340 : vector<16xi32>
        %add3A_342 = arith.addi %min3A_106, %and3A_341 : vector<16xi32>
        %gather3A_343 = tpu.vector_load_idx %arg7[%add3A_342] : memref<10240xi32, #tpu.memory_space<vmem>>[vector<16xi32>], vector<16xi32>,
        %gather3A_344 = tpu.vector_load_idx %arg5[%gather3A_343] : memref<100000xf32, #tpu.memory_space<vmem>>[vector<16xi32>], vector<16xf32>,
        %add3A_345 = arith.addf %add3A_335, %gather3A_344 : vector<16xf32>
        %add3A_346 = arith.constant 24 : i32
        %add3A_347 = vector.broadcast %add3A_346 : i32 to vector<16xi32>
        %add3A_348 = arith.addi %iota3A, %add3A_347 : vector<16xi32>
        %and3A_349 = arith.constant 31 : i32
        %and3A_350 = vector.broadcast %and3A_349 : i32 to vector<16xi32>
        %and3A_351 = arith.andi %add3A_348, %and3A_350 : vector<16xi32>
        %add3A_352 = arith.addi %min3A_106, %and3A_351 : vector<16xi32>
        %gather3A_353 = tpu.vector_load_idx %arg7[%add3A_352] : memref<10240xi32, #tpu.memory_space<vmem>>[vector<16xi32>], vector<16xi32>,
        %gather3A_354 = tpu.vector_load_idx %arg5[%gather3A_353] : memref<100000xf32, #tpu.memory_space<vmem>>[vector<16xi32>], vector<16xf32>,
        %add3A_355 = arith.addf %add3A_345, %gather3A_354 : vector<16xf32>
        %add3A_356 = arith.constant 25 : i32
        %add3A_357 = vector.broadcast %add3A_356 : i32 to vector<16xi32>
        %add3A_358 = arith.addi %iota3A, %add3A_357 : vector<16xi32>
        %and3A_359 = arith.constant 31 : i32
        %and3A_360 = vector.broadcast %and3A_359 : i32 to vector<16xi32>
        %and3A_361 = arith.andi %add3A_358, %and3A_360 : vector<16xi32>
        %add3A_362 = arith.addi %min3A_106, %and3A_361 : vector<16xi32>
        %gather3A_363 = tpu.vector_load_idx %arg7[%add3A_362] : memref<10240xi32, #tpu.memory_space<vmem>>[vector<16xi32>], vector<16xi32>,
        %gather3A_364 = tpu.vector_load_idx %arg5[%gather3A_363] : memref<100000xf32, #tpu.memory_space<vmem>>[vector<16xi32>], vector<16xf32>,
        %add3A_365 = arith.addf %add3A_355, %gather3A_364 : vector<16xf32>
        %add3A_366 = arith.constant 26 : i32
        %add3A_367 = vector.broadcast %add3A_366 : i32 to vector<16xi32>
        %add3A_368 = arith.addi %iota3A, %add3A_367 : vector<16xi32>
        %and3A_369 = arith.constant 31 : i32
        %and3A_370 = vector.broadcast %and3A_369 : i32 to vector<16xi32>
        %and3A_371 = arith.andi %add3A_368, %and3A_370 : vector<16xi32>
        %add3A_372 = arith.addi %min3A_106, %and3A_371 : vector<16xi32>
        %gather3A_373 = tpu.vector_load_idx %arg7[%add3A_372] : memref<10240xi32, #tpu.memory_space<vmem>>[vector<16xi32>], vector<16xi32>,
        %gather3A_374 = tpu.vector_load_idx %arg5[%gather3A_373] : memref<100000xf32, #tpu.memory_space<vmem>>[vector<16xi32>], vector<16xf32>,
        %add3A_375 = arith.addf %add3A_365, %gather3A_374 : vector<16xf32>
        %add3A_376 = arith.constant 27 : i32
        %add3A_377 = vector.broadcast %add3A_376 : i32 to vector<16xi32>
        %add3A_378 = arith.addi %iota3A, %add3A_377 : vector<16xi32>
        %and3A_379 = arith.constant 31 : i32
        %and3A_380 = vector.broadcast %and3A_379 : i32 to vector<16xi32>
        %and3A_381 = arith.andi %add3A_378, %and3A_380 : vector<16xi32>
        %add3A_382 = arith.addi %min3A_106, %and3A_381 : vector<16xi32>
        %gather3A_383 = tpu.vector_load_idx %arg7[%add3A_382] : memref<10240xi32, #tpu.memory_space<vmem>>[vector<16xi32>], vector<16xi32>,
        %gather3A_384 = tpu.vector_load_idx %arg5[%gather3A_383] : memref<100000xf32, #tpu.memory_space<vmem>>[vector<16xi32>], vector<16xf32>,
        %add3A_385 = arith.addf %add3A_375, %gather3A_384 : vector<16xf32>
        %add3A_386 = arith.constant 28 : i32
        %add3A_387 = vector.broadcast %add3A_386 : i32 to vector<16xi32>
        %add3A_388 = arith.addi %iota3A, %add3A_387 : vector<16xi32>
        %and3A_389 = arith.constant 31 : i32
        %and3A_390 = vector.broadcast %and3A_389 : i32 to vector<16xi32>
        %and3A_391 = arith.andi %add3A_388, %and3A_390 : vector<16xi32>
        %add3A_392 = arith.addi %min3A_106, %and3A_391 : vector<16xi32>
        %gather3A_393 = tpu.vector_load_idx %arg7[%add3A_392] : memref<10240xi32, #tpu.memory_space<vmem>>[vector<16xi32>], vector<16xi32>,
        %gather3A_394 = tpu.vector_load_idx %arg5[%gather3A_393] : memref<100000xf32, #tpu.memory_space<vmem>>[vector<16xi32>], vector<16xf32>,
        %add3A_395 = arith.addf %add3A_385, %gather3A_394 : vector<16xf32>
        %add3A_396 = arith.constant 29 : i32
        %add3A_397 = vector.broadcast %add3A_396 : i32 to vector<16xi32>
        %add3A_398 = arith.addi %iota3A, %add3A_397 : vector<16xi32>
        %and3A_399 = arith.constant 31 : i32
        %and3A_400 = vector.broadcast %and3A_399 : i32 to vector<16xi32>
        %and3A_401 = arith.andi %add3A_398, %and3A_400 : vector<16xi32>
        %add3A_402 = arith.addi %min3A_106, %and3A_401 : vector<16xi32>
        %gather3A_403 = tpu.vector_load_idx %arg7[%add3A_402] : memref<10240xi32, #tpu.memory_space<vmem>>[vector<16xi32>], vector<16xi32>,
        %gather3A_404 = tpu.vector_load_idx %arg5[%gather3A_403] : memref<100000xf32, #tpu.memory_space<vmem>>[vector<16xi32>], vector<16xf32>,
        %add3A_405 = arith.addf %add3A_395, %gather3A_404 : vector<16xf32>
        %add3A_406 = arith.constant 30 : i32
        %add3A_407 = vector.broadcast %add3A_406 : i32 to vector<16xi32>
        %add3A_408 = arith.addi %iota3A, %add3A_407 : vector<16xi32>
        %and3A_409 = arith.constant 31 : i32
        %and3A_410 = vector.broadcast %and3A_409 : i32 to vector<16xi32>
        %and3A_411 = arith.andi %add3A_408, %and3A_410 : vector<16xi32>
        %add3A_412 = arith.addi %min3A_106, %and3A_411 : vector<16xi32>
        %gather3A_413 = tpu.vector_load_idx %arg7[%add3A_412] : memref<10240xi32, #tpu.memory_space<vmem>>[vector<16xi32>], vector<16xi32>,
        %gather3A_414 = tpu.vector_load_idx %arg5[%gather3A_413] : memref<100000xf32, #tpu.memory_space<vmem>>[vector<16xi32>], vector<16xf32>,
        %add3A_415 = arith.addf %add3A_405, %gather3A_414 : vector<16xf32>
        %add3A_416 = arith.constant 31 : i32
        %add3A_417 = vector.broadcast %add3A_416 : i32 to vector<16xi32>
        %add3A_418 = arith.addi %iota3A, %add3A_417 : vector<16xi32>
        %and3A_419 = arith.constant 31 : i32
        %and3A_420 = vector.broadcast %and3A_419 : i32 to vector<16xi32>
        %and3A_421 = arith.andi %add3A_418, %and3A_420 : vector<16xi32>
        %add3A_422 = arith.addi %min3A_106, %and3A_421 : vector<16xi32>
        %gather3A_423 = tpu.vector_load_idx %arg7[%add3A_422] : memref<10240xi32, #tpu.memory_space<vmem>>[vector<16xi32>], vector<16xi32>,
        %gather3A_424 = tpu.vector_load_idx %arg5[%gather3A_423] : memref<100000xf32, #tpu.memory_space<vmem>>[vector<16xi32>], vector<16xf32>,
        %add3A_425 = arith.addf %add3A_415, %gather3A_424 : vector<16xf32>
        %mul3A_426 = arith.constant 3.125000e-02 : f32
        %mul3A_427 = vector.broadcast %mul3A_426 : f32 to vector<16xf32>
        %mul3A_428 = arith.mulf %add3A_425, %mul3A_427 : vector<16xf32>
        %mul3A_429 = arith.constant 20 : i32
        %mul3A_430 = arith.muli %add3A_71, %mul3A_429 : i32
        %add3A_431 = arith.addi %mul3A_430, %while3A_95 : i32
        %mul3A_432 = arith.constant 16 : i32
        %mul3A_433 = arith.muli %add3A_431, %mul3A_432 : i32
        %swap3A = arith.index_cast %mul3A_433 : i32 to index
        %swap3A_434 = tpu.vector_load %arg8[%swap3A] {strides = array<i32>} : memref<3200xf32, #tpu.memory_space<vmem>>, vector<16xf32>,
        tpu.vector_store %arg8[%swap3A], %mul3A_428 {strides = array<i32>} : memref<3200xf32, #tpu.memory_space<vmem>>, vector<16xf32>,
      }
      %while3A_94 = arith.constant 1 : i32
      scf.for %while3A_95 = %while3A_92 to %while3A_88 step %while3A_94  : i32 {
        %mul3A_96 = arith.constant 512 : i32
        %mul3A_97 = arith.muli %while3A_95, %mul3A_96 : i32
        %add3A_98 = arith.addi %mul3A_97, %sub3A_77 : i32
        %mul3A_99 = arith.constant 32 : i32
        %mul3A_100 = vector.broadcast %mul3A_99 : i32 to vector<16xi32>
        %mul3A_101 = arith.muli %mul3A_100, %iota3A : vector<16xi32>
        %add3A_102 = vector.broadcast %add3A_98 : i32 to vector<16xi32>
        %add3A_103 = arith.addi %add3A_102, %mul3A_101 : vector<16xi32>
        %min3A_104 = arith.constant 10208 : i32
        %min3A_105 = vector.broadcast %min3A_104 : i32 to vector<16xi32>
        %min3A_106 = arith.minsi %add3A_103, %min3A_105 : vector<16xi32>
        %broadcast_in_dim3A = arith.constant 0.000000e+00 : f32
        %broadcast_in_dim3A_107 = vector.broadcast %broadcast_in_dim3A : f32 to vector<16xf32>
        %add3A_108 = arith.constant 0 : i32
        %add3A_109 = vector.broadcast %add3A_108 : i32 to vector<16xi32>
        %add3A_110 = arith.addi %iota3A, %add3A_109 : vector<16xi32>
        %and3A = arith.constant 31 : i32
        %and3A_111 = vector.broadcast %and3A : i32 to vector<16xi32>
        %and3A_112 = arith.andi %add3A_110, %and3A_111 : vector<16xi32>
        %add3A_113 = arith.addi %min3A_106, %and3A_112 : vector<16xi32>
        %gather3A = tpu.vector_load_idx %arg7[%add3A_113] : memref<10240xi32, #tpu.memory_space<vmem>>[vector<16xi32>], vector<16xi32>,
        %gather3A_114 = tpu.vector_load_idx %arg5[%gather3A] : memref<100000xf32, #tpu.memory_space<vmem>>[vector<16xi32>], vector<16xf32>,
        %add3A_115 = arith.addf %broadcast_in_dim3A_107, %gather3A_114 : vector<16xf32>
        %add3A_116 = arith.constant 1 : i32
        %add3A_117 = vector.broadcast %add3A_116 : i32 to vector<16xi32>
        %add3A_118 = arith.addi %iota3A, %add3A_117 : vector<16xi32>
        %and3A_119 = arith.constant 31 : i32
        %and3A_120 = vector.broadcast %and3A_119 : i32 to vector<16xi32>
        %and3A_121 = arith.andi %add3A_118, %and3A_120 : vector<16xi32>
        %add3A_122 = arith.addi %min3A_106, %and3A_121 : vector<16xi32>
        %gather3A_123 = tpu.vector_load_idx %arg7[%add3A_122] : memref<10240xi32, #tpu.memory_space<vmem>>[vector<16xi32>], vector<16xi32>,
        %gather3A_124 = tpu.vector_load_idx %arg5[%gather3A_123] : memref<100000xf32, #tpu.memory_space<vmem>>[vector<16xi32>], vector<16xf32>,
        %add3A_125 = arith.addf %add3A_115, %gather3A_124 : vector<16xf32>
        %add3A_126 = arith.constant 2 : i32
        %add3A_127 = vector.broadcast %add3A_126 : i32 to vector<16xi32>
        %add3A_128 = arith.addi %iota3A, %add3A_127 : vector<16xi32>
        %and3A_129 = arith.constant 31 : i32
        %and3A_130 = vector.broadcast %and3A_129 : i32 to vector<16xi32>
        %and3A_131 = arith.andi %add3A_128, %and3A_130 : vector<16xi32>
        %add3A_132 = arith.addi %min3A_106, %and3A_131 : vector<16xi32>
        %gather3A_133 = tpu.vector_load_idx %arg7[%add3A_132] : memref<10240xi32, #tpu.memory_space<vmem>>[vector<16xi32>], vector<16xi32>,
        %gather3A_134 = tpu.vector_load_idx %arg5[%gather3A_133] : memref<100000xf32, #tpu.memory_space<vmem>>[vector<16xi32>], vector<16xf32>,
        %add3A_135 = arith.addf %add3A_125, %gather3A_134 : vector<16xf32>
        %add3A_136 = arith.constant 3 : i32
        %add3A_137 = vector.broadcast %add3A_136 : i32 to vector<16xi32>
        %add3A_138 = arith.addi %iota3A, %add3A_137 : vector<16xi32>
        %and3A_139 = arith.constant 31 : i32
        %and3A_140 = vector.broadcast %and3A_139 : i32 to vector<16xi32>
        %and3A_141 = arith.andi %add3A_138, %and3A_140 : vector<16xi32>
        %add3A_142 = arith.addi %min3A_106, %and3A_141 : vector<16xi32>
        %gather3A_143 = tpu.vector_load_idx %arg7[%add3A_142] : memref<10240xi32, #tpu.memory_space<vmem>>[vector<16xi32>], vector<16xi32>,
        %gather3A_144 = tpu.vector_load_idx %arg5[%gather3A_143] : memref<100000xf32, #tpu.memory_space<vmem>>[vector<16xi32>], vector<16xf32>,
        %add3A_145 = arith.addf %add3A_135, %gather3A_144 : vector<16xf32>
        %add3A_146 = arith.constant 4 : i32
        %add3A_147 = vector.broadcast %add3A_146 : i32 to vector<16xi32>
        %add3A_148 = arith.addi %iota3A, %add3A_147 : vector<16xi32>
        %and3A_149 = arith.constant 31 : i32
        %and3A_150 = vector.broadcast %and3A_149 : i32 to vector<16xi32>
        %and3A_151 = arith.andi %add3A_148, %and3A_150 : vector<16xi32>
        %add3A_152 = arith.addi %min3A_106, %and3A_151 : vector<16xi32>
        %gather3A_153 = tpu.vector_load_idx %arg7[%add3A_152] : memref<10240xi32, #tpu.memory_space<vmem>>[vector<16xi32>], vector<16xi32>,
        %gather3A_154 = tpu.vector_load_idx %arg5[%gather3A_153] : memref<100000xf32, #tpu.memory_space<vmem>>[vector<16xi32>], vector<16xf32>,
        %add3A_155 = arith.addf %add3A_145, %gather3A_154 : vector<16xf32>
        %add3A_156 = arith.constant 5 : i32
        %add3A_157 = vector.broadcast %add3A_156 : i32 to vector<16xi32>
        %add3A_158 = arith.addi %iota3A, %add3A_157 : vector<16xi32>
        %and3A_159 = arith.constant 31 : i32
        %and3A_160 = vector.broadcast %and3A_159 : i32 to vector<16xi32>
        %and3A_161 = arith.andi %add3A_158, %and3A_160 : vector<16xi32>
        %add3A_162 = arith.addi %min3A_106, %and3A_161 : vector<16xi32>
        %gather3A_163 = tpu.vector_load_idx %arg7[%add3A_162] : memref<10240xi32, #tpu.memory_space<vmem>>[vector<16xi32>], vector<16xi32>,
        %gather3A_164 = tpu.vector_load_idx %arg5[%gather3A_163] : memref<100000xf32, #tpu.memory_space<vmem>>[vector<16xi32>], vector<16xf32>,
        %add3A_165 = arith.addf %add3A_155, %gather3A_164 : vector<16xf32>
        %add3A_166 = arith.constant 6 : i32
        %add3A_167 = vector.broadcast %add3A_166 : i32 to vector<16xi32>
        %add3A_168 = arith.addi %iota3A, %add3A_167 : vector<16xi32>
        %and3A_169 = arith.constant 31 : i32
        %and3A_170 = vector.broadcast %and3A_169 : i32 to vector<16xi32>
        %and3A_171 = arith.andi %add3A_168, %and3A_170 : vector<16xi32>
        %add3A_172 = arith.addi %min3A_106, %and3A_171 : vector<16xi32>
        %gather3A_173 = tpu.vector_load_idx %arg7[%add3A_172] : memref<10240xi32, #tpu.memory_space<vmem>>[vector<16xi32>], vector<16xi32>,
        %gather3A_174 = tpu.vector_load_idx %arg5[%gather3A_173] : memref<100000xf32, #tpu.memory_space<vmem>>[vector<16xi32>], vector<16xf32>,
        %add3A_175 = arith.addf %add3A_165, %gather3A_174 : vector<16xf32>
        %add3A_176 = arith.constant 7 : i32
        %add3A_177 = vector.broadcast %add3A_176 : i32 to vector<16xi32>
        %add3A_178 = arith.addi %iota3A, %add3A_177 : vector<16xi32>
        %and3A_179 = arith.constant 31 : i32
        %and3A_180 = vector.broadcast %and3A_179 : i32 to vector<16xi32>
        %and3A_181 = arith.andi %add3A_178, %and3A_180 : vector<16xi32>
        %add3A_182 = arith.addi %min3A_106, %and3A_181 : vector<16xi32>
        %gather3A_183 = tpu.vector_load_idx %arg7[%add3A_182] : memref<10240xi32, #tpu.memory_space<vmem>>[vector<16xi32>], vector<16xi32>,
        %gather3A_184 = tpu.vector_load_idx %arg5[%gather3A_183] : memref<100000xf32, #tpu.memory_space<vmem>>[vector<16xi32>], vector<16xf32>,
        %add3A_185 = arith.addf %add3A_175, %gather3A_184 : vector<16xf32>
        %add3A_186 = arith.constant 8 : i32
        %add3A_187 = vector.broadcast %add3A_186 : i32 to vector<16xi32>
        %add3A_188 = arith.addi %iota3A, %add3A_187 : vector<16xi32>
        %and3A_189 = arith.constant 31 : i32
        %and3A_190 = vector.broadcast %and3A_189 : i32 to vector<16xi32>
        %and3A_191 = arith.andi %add3A_188, %and3A_190 : vector<16xi32>
        %add3A_192 = arith.addi %min3A_106, %and3A_191 : vector<16xi32>
        %gather3A_193 = tpu.vector_load_idx %arg7[%add3A_192] : memref<10240xi32, #tpu.memory_space<vmem>>[vector<16xi32>], vector<16xi32>,
        %gather3A_194 = tpu.vector_load_idx %arg5[%gather3A_193] : memref<100000xf32, #tpu.memory_space<vmem>>[vector<16xi32>], vector<16xf32>,
        %add3A_195 = arith.addf %add3A_185, %gather3A_194 : vector<16xf32>
        %add3A_196 = arith.constant 9 : i32
        %add3A_197 = vector.broadcast %add3A_196 : i32 to vector<16xi32>
        %add3A_198 = arith.addi %iota3A, %add3A_197 : vector<16xi32>
        %and3A_199 = arith.constant 31 : i32
        %and3A_200 = vector.broadcast %and3A_199 : i32 to vector<16xi32>
        %and3A_201 = arith.andi %add3A_198, %and3A_200 : vector<16xi32>
        %add3A_202 = arith.addi %min3A_106, %and3A_201 : vector<16xi32>
        %gather3A_203 = tpu.vector_load_idx %arg7[%add3A_202] : memref<10240xi32, #tpu.memory_space<vmem>>[vector<16xi32>], vector<16xi32>,
        %gather3A_204 = tpu.vector_load_idx %arg5[%gather3A_203] : memref<100000xf32, #tpu.memory_space<vmem>>[vector<16xi32>], vector<16xf32>,
        %add3A_205 = arith.addf %add3A_195, %gather3A_204 : vector<16xf32>
        %add3A_206 = arith.constant 10 : i32
        %add3A_207 = vector.broadcast %add3A_206 : i32 to vector<16xi32>
        %add3A_208 = arith.addi %iota3A, %add3A_207 : vector<16xi32>
        %and3A_209 = arith.constant 31 : i32
        %and3A_210 = vector.broadcast %and3A_209 : i32 to vector<16xi32>
        %and3A_211 = arith.andi %add3A_208, %and3A_210 : vector<16xi32>
        %add3A_212 = arith.addi %min3A_106, %and3A_211 : vector<16xi32>
        %gather3A_213 = tpu.vector_load_idx %arg7[%add3A_212] : memref<10240xi32, #tpu.memory_space<vmem>>[vector<16xi32>], vector<16xi32>,
        %gather3A_214 = tpu.vector_load_idx %arg5[%gather3A_213] : memref<100000xf32, #tpu.memory_space<vmem>>[vector<16xi32>], vector<16xf32>,
        %add3A_215 = arith.addf %add3A_205, %gather3A_214 : vector<16xf32>
        %add3A_216 = arith.constant 11 : i32
        %add3A_217 = vector.broadcast %add3A_216 : i32 to vector<16xi32>
        %add3A_218 = arith.addi %iota3A, %add3A_217 : vector<16xi32>
        %and3A_219 = arith.constant 31 : i32
        %and3A_220 = vector.broadcast %and3A_219 : i32 to vector<16xi32>
        %and3A_221 = arith.andi %add3A_218, %and3A_220 : vector<16xi32>
        %add3A_222 = arith.addi %min3A_106, %and3A_221 : vector<16xi32>
        %gather3A_223 = tpu.vector_load_idx %arg7[%add3A_222] : memref<10240xi32, #tpu.memory_space<vmem>>[vector<16xi32>], vector<16xi32>,
        %gather3A_224 = tpu.vector_load_idx %arg5[%gather3A_223] : memref<100000xf32, #tpu.memory_space<vmem>>[vector<16xi32>], vector<16xf32>,
        %add3A_225 = arith.addf %add3A_215, %gather3A_224 : vector<16xf32>
        %add3A_226 = arith.constant 12 : i32
        %add3A_227 = vector.broadcast %add3A_226 : i32 to vector<16xi32>
        %add3A_228 = arith.addi %iota3A, %add3A_227 : vector<16xi32>
        %and3A_229 = arith.constant 31 : i32
        %and3A_230 = vector.broadcast %and3A_229 : i32 to vector<16xi32>
        %and3A_231 = arith.andi %add3A_228, %and3A_230 : vector<16xi32>
        %add3A_232 = arith.addi %min3A_106, %and3A_231 : vector<16xi32>
        %gather3A_233 = tpu.vector_load_idx %arg7[%add3A_232] : memref<10240xi32, #tpu.memory_space<vmem>>[vector<16xi32>], vector<16xi32>,
        %gather3A_234 = tpu.vector_load_idx %arg5[%gather3A_233] : memref<100000xf32, #tpu.memory_space<vmem>>[vector<16xi32>], vector<16xf32>,
        %add3A_235 = arith.addf %add3A_225, %gather3A_234 : vector<16xf32>
        %add3A_236 = arith.constant 13 : i32
        %add3A_237 = vector.broadcast %add3A_236 : i32 to vector<16xi32>
        %add3A_238 = arith.addi %iota3A, %add3A_237 : vector<16xi32>
        %and3A_239 = arith.constant 31 : i32
        %and3A_240 = vector.broadcast %and3A_239 : i32 to vector<16xi32>
        %and3A_241 = arith.andi %add3A_238, %and3A_240 : vector<16xi32>
        %add3A_242 = arith.addi %min3A_106, %and3A_241 : vector<16xi32>
        %gather3A_243 = tpu.vector_load_idx %arg7[%add3A_242] : memref<10240xi32, #tpu.memory_space<vmem>>[vector<16xi32>], vector<16xi32>,
        %gather3A_244 = tpu.vector_load_idx %arg5[%gather3A_243] : memref<100000xf32, #tpu.memory_space<vmem>>[vector<16xi32>], vector<16xf32>,
        %add3A_245 = arith.addf %add3A_235, %gather3A_244 : vector<16xf32>
        %add3A_246 = arith.constant 14 : i32
        %add3A_247 = vector.broadcast %add3A_246 : i32 to vector<16xi32>
        %add3A_248 = arith.addi %iota3A, %add3A_247 : vector<16xi32>
        %and3A_249 = arith.constant 31 : i32
        %and3A_250 = vector.broadcast %and3A_249 : i32 to vector<16xi32>
        %and3A_251 = arith.andi %add3A_248, %and3A_250 : vector<16xi32>
        %add3A_252 = arith.addi %min3A_106, %and3A_251 : vector<16xi32>
        %gather3A_253 = tpu.vector_load_idx %arg7[%add3A_252] : memref<10240xi32, #tpu.memory_space<vmem>>[vector<16xi32>], vector<16xi32>,
        %gather3A_254 = tpu.vector_load_idx %arg5[%gather3A_253] : memref<100000xf32, #tpu.memory_space<vmem>>[vector<16xi32>], vector<16xf32>,
        %add3A_255 = arith.addf %add3A_245, %gather3A_254 : vector<16xf32>
        %add3A_256 = arith.constant 15 : i32
        %add3A_257 = vector.broadcast %add3A_256 : i32 to vector<16xi32>
        %add3A_258 = arith.addi %iota3A, %add3A_257 : vector<16xi32>
        %and3A_259 = arith.constant 31 : i32
        %and3A_260 = vector.broadcast %and3A_259 : i32 to vector<16xi32>
        %and3A_261 = arith.andi %add3A_258, %and3A_260 : vector<16xi32>
        %add3A_262 = arith.addi %min3A_106, %and3A_261 : vector<16xi32>
        %gather3A_263 = tpu.vector_load_idx %arg7[%add3A_262] : memref<10240xi32, #tpu.memory_space<vmem>>[vector<16xi32>], vector<16xi32>,
        %gather3A_264 = tpu.vector_load_idx %arg5[%gather3A_263] : memref<100000xf32, #tpu.memory_space<vmem>>[vector<16xi32>], vector<16xf32>,
        %add3A_265 = arith.addf %add3A_255, %gather3A_264 : vector<16xf32>
        %add3A_266 = arith.constant 16 : i32
        %add3A_267 = vector.broadcast %add3A_266 : i32 to vector<16xi32>
        %add3A_268 = arith.addi %iota3A, %add3A_267 : vector<16xi32>
        %and3A_269 = arith.constant 31 : i32
        %and3A_270 = vector.broadcast %and3A_269 : i32 to vector<16xi32>
        %and3A_271 = arith.andi %add3A_268, %and3A_270 : vector<16xi32>
        %add3A_272 = arith.addi %min3A_106, %and3A_271 : vector<16xi32>
        %gather3A_273 = tpu.vector_load_idx %arg7[%add3A_272] : memref<10240xi32, #tpu.memory_space<vmem>>[vector<16xi32>], vector<16xi32>,
        %gather3A_274 = tpu.vector_load_idx %arg5[%gather3A_273] : memref<100000xf32, #tpu.memory_space<vmem>>[vector<16xi32>], vector<16xf32>,
        %add3A_275 = arith.addf %add3A_265, %gather3A_274 : vector<16xf32>
        %add3A_276 = arith.constant 17 : i32
        %add3A_277 = vector.broadcast %add3A_276 : i32 to vector<16xi32>
        %add3A_278 = arith.addi %iota3A, %add3A_277 : vector<16xi32>
        %and3A_279 = arith.constant 31 : i32
        %and3A_280 = vector.broadcast %and3A_279 : i32 to vector<16xi32>
        %and3A_281 = arith.andi %add3A_278, %and3A_280 : vector<16xi32>
        %add3A_282 = arith.addi %min3A_106, %and3A_281 : vector<16xi32>
        %gather3A_283 = tpu.vector_load_idx %arg7[%add3A_282] : memref<10240xi32, #tpu.memory_space<vmem>>[vector<16xi32>], vector<16xi32>,
        %gather3A_284 = tpu.vector_load_idx %arg5[%gather3A_283] : memref<100000xf32, #tpu.memory_space<vmem>>[vector<16xi32>], vector<16xf32>,
        %add3A_285 = arith.addf %add3A_275, %gather3A_284 : vector<16xf32>
        %add3A_286 = arith.constant 18 : i32
        %add3A_287 = vector.broadcast %add3A_286 : i32 to vector<16xi32>
        %add3A_288 = arith.addi %iota3A, %add3A_287 : vector<16xi32>
        %and3A_289 = arith.constant 31 : i32
        %and3A_290 = vector.broadcast %and3A_289 : i32 to vector<16xi32>
        %and3A_291 = arith.andi %add3A_288, %and3A_290 : vector<16xi32>
        %add3A_292 = arith.addi %min3A_106, %and3A_291 : vector<16xi32>
        %gather3A_293 = tpu.vector_load_idx %arg7[%add3A_292] : memref<10240xi32, #tpu.memory_space<vmem>>[vector<16xi32>], vector<16xi32>,
        %gather3A_294 = tpu.vector_load_idx %arg5[%gather3A_293] : memref<100000xf32, #tpu.memory_space<vmem>>[vector<16xi32>], vector<16xf32>,
        %add3A_295 = arith.addf %add3A_285, %gather3A_294 : vector<16xf32>
        %add3A_296 = arith.constant 19 : i32
        %add3A_297 = vector.broadcast %add3A_296 : i32 to vector<16xi32>
        %add3A_298 = arith.addi %iota3A, %add3A_297 : vector<16xi32>
        %and3A_299 = arith.constant 31 : i32
        %and3A_300 = vector.broadcast %and3A_299 : i32 to vector<16xi32>
        %and3A_301 = arith.andi %add3A_298, %and3A_300 : vector<16xi32>
        %add3A_302 = arith.addi %min3A_106, %and3A_301 : vector<16xi32>
        %gather3A_303 = tpu.vector_load_idx %arg7[%add3A_302] : memref<10240xi32, #tpu.memory_space<vmem>>[vector<16xi32>], vector<16xi32>,
        %gather3A_304 = tpu.vector_load_idx %arg5[%gather3A_303] : memref<100000xf32, #tpu.memory_space<vmem>>[vector<16xi32>], vector<16xf32>,
        %add3A_305 = arith.addf %add3A_295, %gather3A_304 : vector<16xf32>
        %add3A_306 = arith.constant 20 : i32
        %add3A_307 = vector.broadcast %add3A_306 : i32 to vector<16xi32>
        %add3A_308 = arith.addi %iota3A, %add3A_307 : vector<16xi32>
        %and3A_309 = arith.constant 31 : i32
        %and3A_310 = vector.broadcast %and3A_309 : i32 to vector<16xi32>
        %and3A_311 = arith.andi %add3A_308, %and3A_310 : vector<16xi32>
        %add3A_312 = arith.addi %min3A_106, %and3A_311 : vector<16xi32>
        %gather3A_313 = tpu.vector_load_idx %arg7[%add3A_312] : memref<10240xi32, #tpu.memory_space<vmem>>[vector<16xi32>], vector<16xi32>,
        %gather3A_314 = tpu.vector_load_idx %arg5[%gather3A_313] : memref<100000xf32, #tpu.memory_space<vmem>>[vector<16xi32>], vector<16xf32>,
        %add3A_315 = arith.addf %add3A_305, %gather3A_314 : vector<16xf32>
        %add3A_316 = arith.constant 21 : i32
        %add3A_317 = vector.broadcast %add3A_316 : i32 to vector<16xi32>
        %add3A_318 = arith.addi %iota3A, %add3A_317 : vector<16xi32>
        %and3A_319 = arith.constant 31 : i32
        %and3A_320 = vector.broadcast %and3A_319 : i32 to vector<16xi32>
        %and3A_321 = arith.andi %add3A_318, %and3A_320 : vector<16xi32>
        %add3A_322 = arith.addi %min3A_106, %and3A_321 : vector<16xi32>
        %gather3A_323 = tpu.vector_load_idx %arg7[%add3A_322] : memref<10240xi32, #tpu.memory_space<vmem>>[vector<16xi32>], vector<16xi32>,
        %gather3A_324 = tpu.vector_load_idx %arg5[%gather3A_323] : memref<100000xf32, #tpu.memory_space<vmem>>[vector<16xi32>], vector<16xf32>,
        %add3A_325 = arith.addf %add3A_315, %gather3A_324 : vector<16xf32>
        %add3A_326 = arith.constant 22 : i32
        %add3A_327 = vector.broadcast %add3A_326 : i32 to vector<16xi32>
        %add3A_328 = arith.addi %iota3A, %add3A_327 : vector<16xi32>
        %and3A_329 = arith.constant 31 : i32
        %and3A_330 = vector.broadcast %and3A_329 : i32 to vector<16xi32>
        %and3A_331 = arith.andi %add3A_328, %and3A_330 : vector<16xi32>
        %add3A_332 = arith.addi %min3A_106, %and3A_331 : vector<16xi32>
        %gather3A_333 = tpu.vector_load_idx %arg7[%add3A_332] : memref<10240xi32, #tpu.memory_space<vmem>>[vector<16xi32>], vector<16xi32>,
        %gather3A_334 = tpu.vector_load_idx %arg5[%gather3A_333] : memref<100000xf32, #tpu.memory_space<vmem>>[vector<16xi32>], vector<16xf32>,
        %add3A_335 = arith.addf %add3A_325, %gather3A_334 : vector<16xf32>
        %add3A_336 = arith.constant 23 : i32
        %add3A_337 = vector.broadcast %add3A_336 : i32 to vector<16xi32>
        %add3A_338 = arith.addi %iota3A, %add3A_337 : vector<16xi32>
        %and3A_339 = arith.constant 31 : i32
        %and3A_340 = vector.broadcast %and3A_339 : i32 to vector<16xi32>
        %and3A_341 = arith.andi %add3A_338, %and3A_340 : vector<16xi32>
        %add3A_342 = arith.addi %min3A_106, %and3A_341 : vector<16xi32>
        %gather3A_343 = tpu.vector_load_idx %arg7[%add3A_342] : memref<10240xi32, #tpu.memory_space<vmem>>[vector<16xi32>], vector<16xi32>,
        %gather3A_344 = tpu.vector_load_idx %arg5[%gather3A_343] : memref<100000xf32, #tpu.memory_space<vmem>>[vector<16xi32>], vector<16xf32>,
        %add3A_345 = arith.addf %add3A_335, %gather3A_344 : vector<16xf32>
        %add3A_346 = arith.constant 24 : i32
        %add3A_347 = vector.broadcast %add3A_346 : i32 to vector<16xi32>
        %add3A_348 = arith.addi %iota3A, %add3A_347 : vector<16xi32>
        %and3A_349 = arith.constant 31 : i32
        %and3A_350 = vector.broadcast %and3A_349 : i32 to vector<16xi32>
        %and3A_351 = arith.andi %add3A_348, %and3A_350 : vector<16xi32>
        %add3A_352 = arith.addi %min3A_106, %and3A_351 : vector<16xi32>
        %gather3A_353 = tpu.vector_load_idx %arg7[%add3A_352] : memref<10240xi32, #tpu.memory_space<vmem>>[vector<16xi32>], vector<16xi32>,
        %gather3A_354 = tpu.vector_load_idx %arg5[%gather3A_353] : memref<100000xf32, #tpu.memory_space<vmem>>[vector<16xi32>], vector<16xf32>,
        %add3A_355 = arith.addf %add3A_345, %gather3A_354 : vector<16xf32>
        %add3A_356 = arith.constant 25 : i32
        %add3A_357 = vector.broadcast %add3A_356 : i32 to vector<16xi32>
        %add3A_358 = arith.addi %iota3A, %add3A_357 : vector<16xi32>
        %and3A_359 = arith.constant 31 : i32
        %and3A_360 = vector.broadcast %and3A_359 : i32 to vector<16xi32>
        %and3A_361 = arith.andi %add3A_358, %and3A_360 : vector<16xi32>
        %add3A_362 = arith.addi %min3A_106, %and3A_361 : vector<16xi32>
        %gather3A_363 = tpu.vector_load_idx %arg7[%add3A_362] : memref<10240xi32, #tpu.memory_space<vmem>>[vector<16xi32>], vector<16xi32>,
        %gather3A_364 = tpu.vector_load_idx %arg5[%gather3A_363] : memref<100000xf32, #tpu.memory_space<vmem>>[vector<16xi32>], vector<16xf32>,
        %add3A_365 = arith.addf %add3A_355, %gather3A_364 : vector<16xf32>
        %add3A_366 = arith.constant 26 : i32
        %add3A_367 = vector.broadcast %add3A_366 : i32 to vector<16xi32>
        %add3A_368 = arith.addi %iota3A, %add3A_367 : vector<16xi32>
        %and3A_369 = arith.constant 31 : i32
        %and3A_370 = vector.broadcast %and3A_369 : i32 to vector<16xi32>
        %and3A_371 = arith.andi %add3A_368, %and3A_370 : vector<16xi32>
        %add3A_372 = arith.addi %min3A_106, %and3A_371 : vector<16xi32>
        %gather3A_373 = tpu.vector_load_idx %arg7[%add3A_372] : memref<10240xi32, #tpu.memory_space<vmem>>[vector<16xi32>], vector<16xi32>,
        %gather3A_374 = tpu.vector_load_idx %arg5[%gather3A_373] : memref<100000xf32, #tpu.memory_space<vmem>>[vector<16xi32>], vector<16xf32>,
        %add3A_375 = arith.addf %add3A_365, %gather3A_374 : vector<16xf32>
        %add3A_376 = arith.constant 27 : i32
        %add3A_377 = vector.broadcast %add3A_376 : i32 to vector<16xi32>
        %add3A_378 = arith.addi %iota3A, %add3A_377 : vector<16xi32>
        %and3A_379 = arith.constant 31 : i32
        %and3A_380 = vector.broadcast %and3A_379 : i32 to vector<16xi32>
        %and3A_381 = arith.andi %add3A_378, %and3A_380 : vector<16xi32>
        %add3A_382 = arith.addi %min3A_106, %and3A_381 : vector<16xi32>
        %gather3A_383 = tpu.vector_load_idx %arg7[%add3A_382] : memref<10240xi32, #tpu.memory_space<vmem>>[vector<16xi32>], vector<16xi32>,
        %gather3A_384 = tpu.vector_load_idx %arg5[%gather3A_383] : memref<100000xf32, #tpu.memory_space<vmem>>[vector<16xi32>], vector<16xf32>,
        %add3A_385 = arith.addf %add3A_375, %gather3A_384 : vector<16xf32>
        %add3A_386 = arith.constant 28 : i32
        %add3A_387 = vector.broadcast %add3A_386 : i32 to vector<16xi32>
        %add3A_388 = arith.addi %iota3A, %add3A_387 : vector<16xi32>
        %and3A_389 = arith.constant 31 : i32
        %and3A_390 = vector.broadcast %and3A_389 : i32 to vector<16xi32>
        %and3A_391 = arith.andi %add3A_388, %and3A_390 : vector<16xi32>
        %add3A_392 = arith.addi %min3A_106, %and3A_391 : vector<16xi32>
        %gather3A_393 = tpu.vector_load_idx %arg7[%add3A_392] : memref<10240xi32, #tpu.memory_space<vmem>>[vector<16xi32>], vector<16xi32>,
        %gather3A_394 = tpu.vector_load_idx %arg5[%gather3A_393] : memref<100000xf32, #tpu.memory_space<vmem>>[vector<16xi32>], vector<16xf32>,
        %add3A_395 = arith.addf %add3A_385, %gather3A_394 : vector<16xf32>
        %add3A_396 = arith.constant 29 : i32
        %add3A_397 = vector.broadcast %add3A_396 : i32 to vector<16xi32>
        %add3A_398 = arith.addi %iota3A, %add3A_397 : vector<16xi32>
        %and3A_399 = arith.constant 31 : i32
        %and3A_400 = vector.broadcast %and3A_399 : i32 to vector<16xi32>
        %and3A_401 = arith.andi %add3A_398, %and3A_400 : vector<16xi32>
        %add3A_402 = arith.addi %min3A_106, %and3A_401 : vector<16xi32>
        %gather3A_403 = tpu.vector_load_idx %arg7[%add3A_402] : memref<10240xi32, #tpu.memory_space<vmem>>[vector<16xi32>], vector<16xi32>,
        %gather3A_404 = tpu.vector_load_idx %arg5[%gather3A_403] : memref<100000xf32, #tpu.memory_space<vmem>>[vector<16xi32>], vector<16xf32>,
        %add3A_405 = arith.addf %add3A_395, %gather3A_404 : vector<16xf32>
        %add3A_406 = arith.constant 30 : i32
        %add3A_407 = vector.broadcast %add3A_406 : i32 to vector<16xi32>
        %add3A_408 = arith.addi %iota3A, %add3A_407 : vector<16xi32>
        %and3A_409 = arith.constant 31 : i32
        %and3A_410 = vector.broadcast %and3A_409 : i32 to vector<16xi32>
        %and3A_411 = arith.andi %add3A_408, %and3A_410 : vector<16xi32>
        %add3A_412 = arith.addi %min3A_106, %and3A_411 : vector<16xi32>
        %gather3A_413 = tpu.vector_load_idx %arg7[%add3A_412] : memref<10240xi32, #tpu.memory_space<vmem>>[vector<16xi32>], vector<16xi32>,
        %gather3A_414 = tpu.vector_load_idx %arg5[%gather3A_413] : memref<100000xf32, #tpu.memory_space<vmem>>[vector<16xi32>], vector<16xf32>,
        %add3A_415 = arith.addf %add3A_405, %gather3A_414 : vector<16xf32>
        %add3A_416 = arith.constant 31 : i32
        %add3A_417 = vector.broadcast %add3A_416 : i32 to vector<16xi32>
        %add3A_418 = arith.addi %iota3A, %add3A_417 : vector<16xi32>
        %and3A_419 = arith.constant 31 : i32
        %and3A_420 = vector.broadcast %and3A_419 : i32 to vector<16xi32>
        %and3A_421 = arith.andi %add3A_418, %and3A_420 : vector<16xi32>
        %add3A_422 = arith.addi %min3A_106, %and3A_421 : vector<16xi32>
        %gather3A_423 = tpu.vector_load_idx %arg7[%add3A_422] : memref<10240xi32, #tpu.memory_space<vmem>>[vector<16xi32>], vector<16xi32>,
        %gather3A_424 = tpu.vector_load_idx %arg5[%gather3A_423] : memref<100000xf32, #tpu.memory_space<vmem>>[vector<16xi32>], vector<16xf32>,
        %add3A_425 = arith.addf %add3A_415, %gather3A_424 : vector<16xf32>
        %mul3A_426 = arith.constant 3.125000e-02 : f32
        %mul3A_427 = vector.broadcast %mul3A_426 : f32 to vector<16xf32>
        %mul3A_428 = arith.mulf %add3A_425, %mul3A_427 : vector<16xf32>
        %mul3A_429 = arith.constant 20 : i32
        %mul3A_430 = arith.muli %add3A_71, %mul3A_429 : i32
        %add3A_431 = arith.addi %mul3A_430, %while3A_95 : i32
        %mul3A_432 = arith.constant 16 : i32
        %mul3A_433 = arith.muli %add3A_431, %mul3A_432 : i32
        %swap3A = arith.index_cast %mul3A_433 : i32 to index
        %swap3A_434 = tpu.vector_load %arg8[%swap3A] {strides = array<i32>} : memref<3200xf32, #tpu.memory_space<vmem>>, vector<16xf32>,
        tpu.vector_store %arg8[%swap3A], %mul3A_428 {strides = array<i32>} : memref<3200xf32, #tpu.memory_space<vmem>>, vector<16xf32>,
      }
    }
    %scan3A_18 = arith.constant 5 : i32
    %dma_wait3A = tpu.memref_slice %arg3[%mul3A_7] : memref<3200000xi32, #tpu.memory_space<hbm>> -> memref<10240xi32, #tpu.memory_space<hbm>>
    %dma_wait3A_19 = tpu.memref_slice %arg3[%mul3A_7] : memref<3200000xi32, #tpu.memory_space<hbm>> -> memref<10240xi32, #tpu.memory_space<hbm>>
    tpu.wait_dma2 semaphore(%arg11 : memref<!tpu.dma_semaphore, #tpu.memory_space<semaphore_mem>>) src(%dma_wait3A_19 : memref<10240xi32, #tpu.memory_space<hbm>>) dst(%arg6 : memref<10240xi32, #tpu.memory_space<vmem>>)
    %not3A = arith.constant true
    %not3A_20 = arith.xori %eq3A_1, %not3A : i1
    %convert_element_type3A_21 = arith.extui %not3A_20 : i1 to i32
    %cond3A_22 = arith.constant 0 : i32
    %cond3A_23 = arith.cmpi ne, %convert_element_type3A_21, %cond3A_22 : i32
    scf.if %cond3A_23 {
      %mul3A_27 = arith.constant 3200 : i32
      %mul3A_28 = arith.muli %add3A, %mul3A_27 : i32
      %run_scoped3A = arith.constant 0 : i32
      "tpu.region"() ({
        %run_scoped3A_29 = tpu.sem_alloc : memref<!tpu.dma_semaphore, #tpu.memory_space<semaphore_mem>>
        %dma_start3A_30 = tpu.memref_slice %arg4[%run_scoped3A, %mul3A_28] : memref<1x100000xf32, #tpu.memory_space<hbm>> -> memref<1x3200xf32, #tpu.memory_space<hbm>>
        %dma_start3A_31 = tpu.memref_squeeze %dma_start3A_30 : memref<1x3200xf32, #tpu.memory_space<hbm>> -> memref<3200xf32, #tpu.memory_space<hbm>>
        %dma_start3A_32 = tpu.memref_slice %arg4[%run_scoped3A, %mul3A_28] : memref<1x100000xf32, #tpu.memory_space<hbm>> -> memref<1x3200xf32, #tpu.memory_space<hbm>>
        %dma_start3A_33 = tpu.memref_squeeze %dma_start3A_32 : memref<1x3200xf32, #tpu.memory_space<hbm>> -> memref<3200xf32, #tpu.memory_space<hbm>>
        tpu.enqueue_dma source(%arg8 : memref<3200xf32, #tpu.memory_space<vmem>>) target(%dma_start3A_33 : memref<3200xf32, #tpu.memory_space<hbm>>) target_semaphore(%run_scoped3A_29 : memref<!tpu.dma_semaphore, #tpu.memory_space<semaphore_mem>>)
        %dma_wait3A_34 = tpu.memref_slice %arg4[%run_scoped3A, %mul3A_28] : memref<1x100000xf32, #tpu.memory_space<hbm>> -> memref<1x3200xf32, #tpu.memory_space<hbm>>
        %dma_wait3A_35 = tpu.memref_squeeze %dma_wait3A_34 : memref<1x3200xf32, #tpu.memory_space<hbm>> -> memref<3200xf32, #tpu.memory_space<hbm>>
        %dma_wait3A_36 = tpu.memref_slice %arg4[%run_scoped3A, %mul3A_28] : memref<1x100000xf32, #tpu.memory_space<hbm>> -> memref<1x3200xf32, #tpu.memory_space<hbm>>
        %dma_wait3A_37 = tpu.memref_squeeze %dma_wait3A_36 : memref<1x3200xf32, #tpu.memory_space<hbm>> -> memref<3200xf32, #tpu.memory_space<hbm>>
        tpu.wait_dma2 semaphore(%run_scoped3A_29 : memref<!tpu.dma_semaphore, #tpu.memory_space<semaphore_mem>>) src(%arg8 : memref<3200xf32, #tpu.memory_space<vmem>>) dst(%dma_wait3A_37 : memref<3200xf32, #tpu.memory_space<hbm>>)
        tpu.yield
      }) : () -> ()
    } else {
    }
    %convert_element_type3A_24 = arith.extui %eq3A_1 : i1 to i32
    %cond3A_25 = arith.constant 0 : i32
    %cond3A_26 = arith.cmpi ne, %convert_element_type3A_24, %cond3A_25 : i32
    scf.if %cond3A_26 {
      %run_scoped3A = arith.constant 0 : i32
      "tpu.region"() ({
        %run_scoped3A_27 = tpu.sem_alloc : memref<!tpu.dma_semaphore, #tpu.memory_space<semaphore_mem>>
        %dma_start3A_28 = arith.constant 0 : i32
        %dma_start3A_29 = tpu.memref_slice %arg8[%dma_start3A_28] : memref<3200xf32, #tpu.memory_space<vmem>> -> memref<800xf32, #tpu.memory_space<vmem>>
        %dma_start3A_30 = arith.constant 99200 : i32
        %dma_start3A_31 = tpu.memref_slice %arg4[%run_scoped3A, %dma_start3A_30] : memref<1x100000xf32, #tpu.memory_space<hbm>> -> memref<1x800xf32, #tpu.memory_space<hbm>>
        %dma_start3A_32 = tpu.memref_squeeze %dma_start3A_31 : memref<1x800xf32, #tpu.memory_space<hbm>> -> memref<800xf32, #tpu.memory_space<hbm>>
        %dma_start3A_33 = arith.constant 99200 : i32
        %dma_start3A_34 = tpu.memref_slice %arg4[%run_scoped3A, %dma_start3A_33] : memref<1x100000xf32, #tpu.memory_space<hbm>> -> memref<1x800xf32, #tpu.memory_space<hbm>>
        %dma_start3A_35 = tpu.memref_squeeze %dma_start3A_34 : memref<1x800xf32, #tpu.memory_space<hbm>> -> memref<800xf32, #tpu.memory_space<hbm>>
        %dma_start3A_36 = arith.constant 0 : i32
        %dma_start3A_37 = tpu.memref_slice %arg8[%dma_start3A_36] : memref<3200xf32, #tpu.memory_space<vmem>> -> memref<800xf32, #tpu.memory_space<vmem>>
        tpu.enqueue_dma source(%dma_start3A_37 : memref<800xf32, #tpu.memory_space<vmem>>) target(%dma_start3A_35 : memref<800xf32, #tpu.memory_space<hbm>>) target_semaphore(%run_scoped3A_27 : memref<!tpu.dma_semaphore, #tpu.memory_space<semaphore_mem>>)
        %dma_wait3A_38 = arith.constant 0 : i32
        %dma_wait3A_39 = tpu.memref_slice %arg8[%dma_wait3A_38] : memref<3200xf32, #tpu.memory_space<vmem>> -> memref<800xf32, #tpu.memory_space<vmem>>
        %dma_wait3A_40 = arith.constant 99200 : i32
        %dma_wait3A_41 = tpu.memref_slice %arg4[%run_scoped3A, %dma_wait3A_40] : memref<1x100000xf32, #tpu.memory_space<hbm>> -> memref<1x800xf32, #tpu.memory_space<hbm>>
        %dma_wait3A_42 = tpu.memref_squeeze %dma_wait3A_41 : memref<1x800xf32, #tpu.memory_space<hbm>> -> memref<800xf32, #tpu.memory_space<hbm>>
        %dma_wait3A_43 = arith.constant 99200 : i32
        %dma_wait3A_44 = tpu.memref_slice %arg4[%run_scoped3A, %dma_wait3A_43] : memref<1x100000xf32, #tpu.memory_space<hbm>> -> memref<1x800xf32, #tpu.memory_space<hbm>>
        %dma_wait3A_45 = tpu.memref_squeeze %dma_wait3A_44 : memref<1x800xf32, #tpu.memory_space<hbm>> -> memref<800xf32, #tpu.memory_space<hbm>>
        %dma_wait3A_46 = arith.constant 0 : i32
        %dma_wait3A_47 = tpu.memref_slice %arg8[%dma_wait3A_46] : memref<3200xf32, #tpu.memory_space<vmem>> -> memref<800xf32, #tpu.memory_space<vmem>>
        tpu.wait_dma2 semaphore(%run_scoped3A_27 : memref<!tpu.dma_semaphore, #tpu.memory_space<semaphore_mem>>) src(%dma_wait3A_47 : memref<800xf32, #tpu.memory_space<vmem>>) dst(%dma_wait3A_45 : memref<800xf32, #tpu.memory_space<hbm>>)
        tpu.yield
      }) : () -> ()
    } else {
    }
    return
  }
}

</mosaic_0001>

<sc_bundles>
// kernel: kernel.3.cloned.1.call-start
scs
__scs_entry_jumppad:
0x0: {  	(pc) =	sbr.rel $0x88, $3  }
0x1: {  	(tag) =	ssettag $0x0;
	lr =	simm.s32 $0x1  }
0x2: {  	[smem:$0x3F9F] =	sst lr;
	_ =	strace $0xD0000000  }
0x3: {  	_ = 	snop  }
0x4: {  	_ = 	snop  }
0x5: {  	_ = 	snop  }
0x6: {  	_ = 	snop  }
0x7: {  	_ = 	snop  }
__scs_overlays_trampoline_lowered:
0x8: {  	[smem:$0x3FAE] =	sst s0  }
0x9: {  	[smem:$0x3FAF] =	sst s1  }
0xa: {  	[smem:$0x3FB0] =	sst s2  }
0xb: {  	[smem:$0x3FB1] =	sst s3  }
0xc: {  	[smem:$0x3FB2] =	sst s4  }
0xd: {  	[smem:$0x3FB3] =	sst s5  }
0xe: {  	[smem:$0x3FB4] =	sst s6  }
0xf: {  	[smem:$0x3FB5] =	sst s7  }
0x10: {  	[smem:$0x3FB6] =	sst s8  }
0x11: {  	[smem:$0x3FB7] =	sst s9;
	s0 =	simm.s32 @!p0 $0x0  }
0x12: {  	s1 =	sld [smem:$0x3F9D];
	s0 =	simm.s32 @p0 $0x1  }
0x13: {  	[smem:$0x3FB8] =	sst s0;
	s0 =	simm.s32 @!p1 $0x0  }
0x14: {  	s2 =	sld [smem:$0x3F9C];
	s0 =	simm.s32 @p1 $0x1  }
0x15: {  	[smem:$0x3FB9] =	sst s0;
	s0 =	simm.s32 @!p2 $0x0  }
0x16: {  	s3 =	sld [smem:$0x3FDB];
	s0 =	simm.s32 @p2 $0x1  }
0x17: {  	s4 =	simm.s32 $0x1BF5;
	[smem:$0x3FBB] =	sst s0  }
0x18: {  	s0 =	sld [smem:$0x3F9E];
	_ =	swait.ge [sflag:s4], $0x0  }
0x19: {  	s7 =	sld [smem:$0x3F9F]  }
0x1a: {  	s8 =	sadd.s32 $0xFFFFE003, lr  }
0x1b: {  	s9 =	sadd.s32 $0xFFFFFEF7, lr;
	s5 =	simm.s32 $0xFFFFFFFF;
	p2 =	slt.u32 s8, $0xFFFFF086  }
0x1c: {  	p1 =	slt.u32 s9, $0xF7A;
	s5 =	simm.s32 @!p2 $0x0  }
0x1d: {  	s5 =	simm.s32 @p1 $0x1;
	p0 =	seq.s32 s7, s2  }
0x1e: {  	s7 =	smul.u32 @!p0 $0xF7A, s2;
	p2 =	seq.s32 @!p0 s5, $0x0  }
0x1f: {  	s9 =	smul.u32 $0xF7A, s1;
	s8 =	simm.s32 @!p0 $0x1BF5;
	p2 =	por !p2, p0  }
0x20: {  	[sflag:s8] =	ssyncset.s32 @!p0 $0xFFFFF086;
	s6 =	sadd.s32 @!p0 s3, s7;
	s7 =	simm.s32 @!p0 $0x108  }
0x21: {  	s3 =	sadd.s32 s3, s9;
	s6 =	sadd.s32 @!p0 $0x88, s6;
	s7 =	simm.s32 @p2 $0x1082  }
0x22: {  	[simem:s7], [sflag:s8] =	dma.local @!p0 [hbm:s6], $0xF7A  }
0x23: {  	s9 =	sor.u32 $0xD0000000, s2;
	s6 =	simm.s32 $0x108;
	_ =	swait.ge @!p0 [sflag:s8], $0x0  }
0x24: {  	s3 =	sadd.s32 $0x88, s3;
	s6 =	simm.s32 @!p1 $0x1082;
	[sflag:s4] =	ssyncset.s32 $0xFFFFF086  }
0x25: {  	[simem:s6], [sflag:s4] =	dma.local [hbm:s3], $0xF7A  }
0x26: {  	[smem:$0x3F9F] =	sst s1;
	(tag) =	ssettag s2;
	_ =	strace s9  }
0x27: {  	s1 =	sld [smem:$0x3FAF]  }
0x28: {  	s2 =	sld [smem:$0x3FB0]  }
0x29: {  	s4 =	sld [smem:$0x3FB2]  }
0x2a: {  	p0 =	seq.s32 s5, $0x0;
	s5 =	sld [smem:$0x3FB3]  }
0x2b: {  	s6 =	sld [smem:$0x3FB4]  }
0x2c: {  	s7 =	sld [smem:$0x3FB5]  }
0x2d: {  	s3 =	simm.s32 $0x108;
	s8 =	sld [smem:$0x3FB6]  }
0x2e: {  	s3 =	simm.s32 @!p0 $0x1082;
	s9 =	sld [smem:$0x3FB7]  }
0x2f: {  	lr =	sadd.s32 s0, s3;
	s0 =	sld [smem:$0x3FAE]  }
0x30: {  	s3 =	sld [smem:$0x3FB1]  }
0x31: {  	[smem:$0x3FBA] =	sst s10  }
0x32: {  	s10 =	sld [smem:$0x3FB8];
	_ =	sdelay $0x3  }
0x33: {  	p0 =	seq.s32 s10, $0x1;
	s10 =	sld [smem:$0x3FBA];
	_ =	sdelay $0x3  }
0x34: {  	[smem:$0x3FBA] =	sst s10  }
0x35: {  	s10 =	sld [smem:$0x3FB9];
	_ =	sdelay $0x3  }
0x36: {  	p1 =	seq.s32 s10, $0x1;
	s10 =	sld [smem:$0x3FBA];
	_ =	sdelay $0x3  }
0x37: {  	[smem:$0x3FBA] =	sst s10  }
0x38: {  	s10 =	sld [smem:$0x3FBB]  }
0x39: {  	_ = 	snop;
	(pc) =	sbr.ind lr, $3  }
0x3a: {  	_ = 	snop  }
0x3b: {  	_ = 	snop  }
0x3c: {  	p2 =	seq.s32 s10, $0x1;
	s10 =	sld [smem:$0x3FBA]  }
0x3d: {  	_ =	shalt  }
0x3e: {  	_ =	shalt  }
0x3f: {  	_ =	shalt  }
0x40: {  	_ =	shalt  }
0x41: {  	_ =	shalt  }
0x42: {  	_ =	shalt  }
0x43: {  	_ =	shalt  }
0x44: {  	_ =	shalt  }
0x45: {  	_ =	shalt  }
0x46: {  	_ =	shalt  }
0x47: {  	_ =	shalt  }
0x48: {  	_ =	shalt  }
0x49: {  	_ =	shalt  }
0x4a: {  	_ =	shalt  }
0x4b: {  	_ =	shalt  }
0x4c: {  	_ =	shalt  }
0x4d: {  	_ =	shalt  }
0x4e: {  	_ =	shalt  }
0x4f: {  	_ =	shalt  }
0x50: {  	_ =	shalt  }
0x51: {  	_ =	shalt  }
0x52: {  	_ =	shalt  }
0x53: {  	_ =	shalt  }
0x54: {  	_ =	shalt  }
0x55: {  	_ =	shalt  }
0x56: {  	_ =	shalt  }
0x57: {  	_ =	shalt  }
0x58: {  	_ =	shalt  }
0x59: {  	_ =	shalt  }
0x5a: {  	_ =	shalt  }
0x5b: {  	_ =	shalt  }
0x5c: {  	_ =	shalt  }
0x5d: {  	_ =	shalt  }
0x5e: {  	_ =	shalt  }
0x5f: {  	_ =	shalt  }
0x60: {  	_ =	shalt  }
0x61: {  	_ =	shalt  }
0x62: {  	_ =	shalt  }
0x63: {  	_ =	shalt  }
0x64: {  	_ =	shalt  }
0x65: {  	_ =	shalt  }
0x66: {  	_ =	shalt  }
0x67: {  	_ =	shalt  }
0x68: {  	_ =	shalt  }
0x69: {  	_ =	shalt  }
0x6a: {  	_ =	shalt  }
0x6b: {  	_ =	shalt  }
0x6c: {  	_ =	shalt  }
0x6d: {  	_ =	shalt  }
0x6e: {  	_ =	shalt  }
0x6f: {  	_ =	shalt  }
0x70: {  	_ =	shalt  }
0x71: {  	_ =	shalt  }
0x72: {  	_ =	shalt  }
0x73: {  	_ =	shalt  }
0x74: {  	_ =	shalt  }
0x75: {  	_ =	shalt  }
0x76: {  	_ =	shalt  }
0x77: {  	_ =	shalt  }
0x78: {  	_ =	shalt  }
0x79: {  	_ =	shalt  }
0x7a: {  	_ =	shalt  }
0x7b: {  	_ =	shalt  }
0x7c: {  	_ =	shalt  }
0x7d: {  	_ =	shalt  }
0x7e: {  	_ =	shalt  }
0x7f: {  	_ =	shalt  }
0x80: {  	_ =	shalt  }
0x81: {  	_ =	shalt  }
0x82: {  	_ =	shalt  }
0x83: {  	_ =	shalt  }
0x84: {  	_ =	shalt  }
0x85: {  	_ =	shalt  }
0x86: {  	_ =	shalt  }
0x87: {  	_ =	shalt  }
.Lfunc_end0:
.L_simem_size_0:
called_computation_lowered:
.L_overlay_start_0:
0x88: {  	s2 =	sld [smem:$0x3FD9]  }
0x89: {  	s3 =	sld [smem:$0x3FFE];
	_ =	sdelay $0x1  }
0x8a: {  	s1 =	srdreg.scid  }
0x8b: {  	s0 =	sand.u32 $0x1, s1  }
0x8c: {  	s18 =	sshll.u32 s0, $0xA;
	s2 =	sadd.s32 s3, s2  }
0x8d: {  	s2 =	sadd.s32 s2, s18  }
0x8e: {  	[smem:$0x3FC6] =	sst s2  }
0x8f: {  	_ = 	snop  }
0x90: {  	s2 =	sld [smem:$0x3FC9]  }
0x91: {  	s19 =	sld [smem:$0x3FC8]  }
0x92: {  	s4 =	sld [smem:$0x3FD0];
	(tm) =	ssettm $0x1  }
0x93: {  	s5 =	sld [smem:$0x3FFB];
	_ =	sdelay $0x3  }
0x94: {  	_ =	strace s5  }
0x95: {  	s5 =	sld [smem:$0x3FFC];
	_ =	sdelay $0x3  }
0x96: {  	_ =	strace s5  }
0x97: {  	s5 =	sld [smem:$0x3FFD];
	_ =	sdelay $0x3  }
0x98: {  	_ =	strace s5  }
0x99: {  	_ =	strace $0x8FFFFFFF  }
0x9a: {  	s20 =	sld [smem:$0x3FDB];
	_ =	sdelay $0x1  }
0x9b: {  	s6 =	simm.s32 $_scs_section_size  }
0x9c: {  	s7 =	simm.s32 $_size__tile_overlayer_lowered;
	s8 =	simm.s32 $_tile_overlayer_lowered  }
0x9d: {  	s23 =	simm.s32 $0x1BFF;
	s22 =	sshll.u32 s8, $0x1;
	s5 =	sadd.s32 s6, s20  }
0x9e: {  	s9 =	simm.s32 $0x0;
	s21 =	sshll.u32 s7, $0x1;
	s7 =	sadd.s32 s22, s5  }
0x9f: {  	[timem:s9], [sflag:s23] =	dma.local [hbm:s7], s21  }
0xa0: {  	_ =	swait.ge [sflag:s23], s21  }
0xa1: {  	s6 =	ssub.s32 $0x0, s21;
	[sflag:s23] =	ssyncset.done $0x0  }
0xa2: {  	[sflag:s23] =	ssyncadd.s32 s6;
	_ =	sdelay $0x1  }
0xa3: {  	s24 =	simm.s32 $0x1B8B  }
0xa4: {  	_ =	swait.ge [sflag:s24], $0x1  }
0xa5: {  	[sflag:s24] =	ssyncset.done $0x0  }
0xa6: {  	s25 =	simm.s32 $0x1B8E;
	[sflag:s24] =	ssyncadd.s32 $0xFFFFFFFF  }
0xa7: {  	s26 =	simm.s32 $execute0_lowered;
	[smem:$0x3FD2] =	sst s25  }
0xa8: {  	s6 =	sshll.u32 s26, $0x1;
	_ =	strace $0x80000046;
	[dreg:$0x1] =	wrdreg $0xFFFFFFFF  }
0xa9: {  	s28 =	simm.s32 $_size_execute0_lowered;
	s5 =	sadd.s32 s5, s6;
	[dreg:$0x0] =	wrdreg $0x0  }
0xaa: {  	s6 =	sshll.u32 s28, $0x1;
	[dreg:$0x2] =	wrdreg s5  }
0xab: {  	[dreg:$0x3] =	wrdreg s6  }
0xac: {  	[dreg:$0x4] =	wrdreg $0xC0  }
0xad: {  	_ =	task [dreg:s9], $0x5FFFF  }
0xae: {  	[dreg:$0x1] =	wrdreg $0xFFFFFFFF  }
0xaf: {  	[dreg:$0x0] =	wrdreg $0x60  }
0xb0: {  	[dreg:$0x2] =	wrdreg s2  }
0xb1: {  	[dreg:$0x3] =	wrdreg s19  }
0xb2: {  	[dreg:$0x4] =	wrdreg s4  }
0xb3: {  	[dreg:$0x5] =	wrdreg $0x1E3800  }
0xb4: {  	[dreg:$0x6] =	wrdreg $0x9  }
0xb5: {  	_ =	task.clear_ibuf [dreg:s9], $0x7FFFF;
	_ =	strace $0x90000046  }
0xb6: {  	s29 =	simm.s32 $0x9;
	_ =	strace $0x80000048  }
0xb7: {  	_ =	swait.ge [sflag:s29], $0x1  }
0xb8: {  	[sflag:s29] =	ssyncadd.s32 $0xFFFFFFFF  }
0xb9: {  	_ =	strace $0x90000048  }
0xba: {  	_ =	sfence  }
0xbb: {  	s30 =	sld [smem:$0x0];
	_ =	sdelay $0x2  }
0xbc: {  	s31 =	sshll.u32 s1, $0xD;
	s1 =	sshrl.u32 s1, $0x2  }
0xbd: {  	s3 =	sand.u32 $0x4000, s31;
	s1 =	sadd.s32 s1, s30  }
0xbe: {  	s0 =	sor.u32 s3, s0;
	s1 =	sshll.u32 s1, $0x11  }
0xbf: {  	s0 =	sor.u32 s1, s0  }
0xc0: {  	s0 =	sadd.s32 $0x8F2B, s0  }
0xc1: {  	[sflag:s0] =	ssyncadd.remote.s32 $0x1  }
0xc2: {  	_ =	sfence.sel $0xFFFF  }
0xc3: {  	[dreg:$0x0] =	wrdreg $0xFFFFFFFF;
	(pc) =	sbr.abs _section_cstart, $3  }
0xc4: {  	[dreg:$0x1] =	wrdreg $0xFFFFFFFF  }
0xc5: {  	_ =	task.clear_ibuf [dreg:s9], $0x2FFFF;
	_ =	strace $0x9FFFFFFF  }
0xc6: {  	(tm) =	ssettm $0x7FFFFFFF  }
0xc7: {  	_ =	shalt  }
tec
execute0_lowered:
.L_overlay_start_1:
0x0: {  	(tag) =	ssettag $0x1  }
0x1: {  	v0 =	vlaneseq.u32;
	v17 =	vimm.s32 $0x14131211;
	v18 =	vimm.s32 $0x18171615  }
0x2: {  	v19 =	vimm.s32 $0x1C1B1A19;
	v21 =	vimm.s32 $0x19181716;
	vm0 =	vcmask $0x1F10  }
0x3: {  	v22 =	vimm.s32 $0x1D1C1B1A;
	v24 =	vimm.s32 $0x16151413;
	v26 =	vimm.s32 $0x1A191817  }
0x4: {  	v29 =	vimm.s32 $0x201001F;
	v30 =	vimm.s32 $0x3020100;
	v31 =	vimm.s32 $0x1F1E1D1C  }
0x5: {  	v32 =	vimm.s32 $0x17161514;
	v33 =	vimm.s32 $0x1B1A1918;
	v53 =	vimm.s32 $0x4030201  }
0x6: {  	v54 =	vimm.s32 $0x5040302;
	v38 =	vimm.s32 $0x6050403;
	v55 =	vimm.s32 $0x98765432  }
0x7: {  	v56 =	vimm.s32 $0xA9876543;
	v57 =	vimm.s32 $0x32107654;
	v59 =	vimm.s32 $0x43218765  }
0x8: {  	v60 =	vimm.s32 $0x54329876;
	v61 =	vimm.s32 $0x6543A987;
	vm15 =	vcmask $0x2F10  }
0x9: {  	vm1 =	vcmask $0x3F30;
	v1 =	vmul.u32 $0x20, v0;
	v2 =	vadd.s32 $0x1, v0  }
0xa: {  	v3 =	vadd.s32 $0x2, v0;
	v4 =	vadd.s32 $0x3, v0;
	v5 =	vadd.s32 $0x4, v0  }
0xb: {  	v6 =	vadd.s32 $0x5, v0;
	v7 =	vadd.s32 $0x6, v0;
	v8 =	vadd.s32 $0x7, v0  }
0xc: {  	v9 =	vadd.s32 $0x8, v0;
	v10 =	vadd.s32 $0x9, v0;
	v11 =	vadd.s32 $0xA, v0  }
0xd: {  	v12 =	vadd.s32 $0xB, v0;
	v13 =	vadd.s32 $0xC, v0;
	v14 =	vadd.s32 $0xD, v0  }
0xe: {  	v15 =	vadd.s32 $0xE, v0;
	v17 =	vunpack.c.0.s8.s32 v17;
	v20 =	vunpack.c.0.s8.s32 v18  }
0xf: {  	v19 =	vunpack.c.0.s8.s32 v19;
	v18 =	vimm.s32 $0x1F1E1D;
	v21 =	vunpack.c.0.s8.s32 v21  }
0x10: {  	v22 =	vunpack.c.0.s8.s32 v22;
	v27 =	vunpack.c.0.s8.s32 v18;
	v18 =	vimm.s32 $0x15141312  }
0x11: {  	v29 =	vunpack.c.0.s8.s32 v29;
	v30 =	vunpack.c.0.s8.s32 v30;
	v18 =	vunpack.c.0.s8.s32 v18  }
0x12: {  	v31 =	vunpack.c.0.s8.s32 v31;
	v32 =	vunpack.c.0.s8.s32 v32;
	v33 =	vunpack.c.0.s8.s32 v33  }
0x13: {  	v17 =	vsel vm0, v20, v17;
	v23 =	vsel vm0, v21, v18;
	v18 =	vimm.s32 $0x1001F1E  }
0x14: {  	v37 =	vsel vm0, v19, v20;
	v25 =	vsel vm0, v27, v19;
	v28 =	vunpack.c.0.s8.s32 v18  }
0x15: {  	v18 =	vunpack.c.0.s8.s32 v24;
	v24 =	vunpack.c.0.s8.s32 v26;
	v26 =	vimm.s32 $0x1E1D1C1B  }
0x16: {  	v17 =	vcombine.low v17, v25;
	v26 =	vunpack.c.0.s8.s32 v26;
	v34 =	vsel vm0, v28, v22  }
0x17: {  	v35 =	vsel vm0, v24, v18;
	v18 =	vsel vm0, v30, v31;
	v30 =	vsel vm0, v33, v32  }
0x18: {  	v32 =	vunpack.c.0.s8.s32 v54;
	v22 =	vsel vm0, v22, v21;
	v36 =	vsel vm0, v29, v26  }
0x19: {  	v18 =	vcombine.low v30, v18;
	v30 =	vunpack.c.0.s8.s32 v53;
	v19 =	vcombine.low v23, v34  }
0x1a: {  	v23 =	vunpack.c.0.s8.s32 v38;
	v24 =	vsel vm0, v26, v24;
	v26 =	vimm.s32 $0x76543210  }
0x1b: {  	v20 =	vcombine.low v35, v36;
	v32 =	vsel vm0, v32, v28;
	v30 =	vsel vm0, v30, v27  }
0x1c: {  	v26 =	vunpack.c.l.s4.s8 v26;
	v21 =	vcombine.low v37, v30;
	v30 =	vimm.s32 $0x87654321  }
0x1d: {  	s0 =	rddreg [dreg:$0x0];
	v22 =	vcombine.low v22, v32;
	v23 =	vsel vm0, v23, v29;
	v30 =	vunpack.c.l.s4.s8 v30  }
0x1e: {  	s1 =	rddreg [dreg:$0x1];
	v32 =	vunpack.c.l.s4.s8 v55;
	v23 =	vcombine.low v24, v23;
	v26 =	vunpack.c.0.s8.s32 v26  }
0x1f: {  	s10 =	rddreg [dreg:$0x2];
	v24 =	vsel vm0, v31, v33;
	v33 =	vunpack.c.l.s4.s8 v56;
	v30 =	vunpack.c.0.s8.s32 v30  }
0x20: {  	s3 =	rddreg [dreg:$0x3];
	v35 =	vunpack.c.l.s4.s8 v61;
	v32 =	vunpack.c.0.s8.s32 v32;
	v24 =	vcombine.low v24, v26  }
0x21: {  	s2 =	rddreg [dreg:$0x4];
	v58 =	vunpack.c.0.s8.s32 v33;
	v26 =	vand.u32 $0xF, v30;
	v30 =	vunpack.c.l.s4.s8 v57  }
0x22: {  	s5 =	srdreg.scid;
	s13 =	stileid.u32;
	s4 =	simm.s32 $0x0;
	v33 =	vunpack.c.l.s4.s8 v59;
	v25 =	vcombine.low v25, v26;
	v26 =	vand.u32 $0xF, v32  }
0x23: {  	s15 =	simm.s32 $0x3;
	s16 =	simm.s32 $0x1AF00;
	s17 =	simm.s32 $0x1;
	v26 =	vcombine.low v34, v26;
	v30 =	vunpack.c.0.s8.s32 v30;
	v34 =	vunpack.c.l.s4.s8 v60  }
0x24: {  	s18 =	simm.s32 $0x2;
	s19 =	simm.s32 $0x0;
	v16 =	vadd.s32 $0xF, v0;
	s5 =	sand.u32 $0x1, s5;
	v35 =	vunpack.c.0.s8.s32 v35;
	v33 =	vunpack.c.0.s8.s32 v33  }
0x25: {  	s6 =	sshll.u32 s13, $0x1;
	[smem:$0x7FF] =	sst s4;
	p1 =	sne.s32 s13, $0x0;
	v32 =	vand.u32 $0xF, v58;
	v30 =	vand.u32 $0xF, v30;
	v34 =	vunpack.c.0.s8.s32 v34  }
0x26: {  	s13 =	simm.s32 $0x18700;
	s7 =	ssub.s32 $0x2, s5;
	s8 =	sor.u32 s5, s6;
	v33 =	vand.u32 $0xF, v33;
	v30 =	vsel vm15, v30, v31;
	v31 =	vimm.s32 $0xB0A0908  }
0x27: {  	_ =	strace $0x80000047;
	s6 =	simm.s32 $0x32;
	s5 =	smul.u32 $0x19000, s8;
	v33 =	vsel vm15, v33, v27;
	v31 =	vunpack.c.0.s8.s32 v31;
	v27 =	vand.u32 $0xF, v34  }
.Ltmp0:
0x28: {  	s14 =	sshrl.u32 @!p1 s3, $0x3;
	s31 =	sshrl.u32 s7, $0x1;
	v34 =	vsel vm15, v27, v28;
	v27 =	vimm.s32 $0xC0B0A09;
	v28 =	vand.u32 $0xF, v35;
	(pc) =	sbr.rel .LBB2_1-.Ltmp0, $4  }
0x29: {  	p0 =	seq.s32 s8, $0x1F;
	s11 =	smul.u32 $0x190, s8;
	s12 =	ssub.s32 s7, s31;
	v35 =	vsel vm15, v28, v29;
	v28 =	vimm.s32 $0xD0C0B0A;
	v29 =	vimm.s32 $0xE0D0C0B  }
0x2a: {  	s7 =	simm.s32 $0x3C00;
	s6 =	simm.s32 @!p0 $0xC8;
	s9 =	sshrl.u32 s5, $0x3;
	v62 =	vunpack.c.0.s8.s32 v27;
	v63 =	vunpack.c.0.s8.s32 v28;
	v39 =	vunpack.c.0.s8.s32 v29  }
0x2b: {  	s7 =	simm.s32 @!p0 $0x16800;
	s12 =	smax.u32 s12, $0x1;
	s8 =	sadd.s32 s1, s9;
	v27 =	vcombine.low v36, v32;
	v28 =	vor.u32 $0x10, v0;
	v29 =	vsel vm1, v31, v30  }
0x2c: {  	s9 =	sadd.s32 s10, s11;
	s10 =	sadd.s32 $0x3070, s10;
	s11 =	sadd.s32 $0xFFFFFFEC, s6;
	v30 =	vsel vm1, v62, v33;
	v31 =	vsel vm1, v63, v34;
	v32 =	vsel vm1, v39, v35  }
.LBB2_21:
0x2d: {  	_ =	swait.ge [sflag:s17], $0x2800  }
0x2e: {  	[sflag:s17] =	ssyncset.done $0x0  }
0x2f: {  	s20 =	simm.s32 @p0 $0x0;
	s21 =	simm.s32 @p0 $0x1D700;
	[sflag:s17] =	ssyncadd.s32 $0xFFFFD800  }
0x30: {  	[hbm4b:s10+s20] =	stream.linear.scatter @p0 [tilespmem:s21], [sflag:$0x3], $0x320, $0x38;
	[tilespmem:$0x1FBF0] =	vst v63  }
0x31: {  	s20 =	simm.s32 @p0 $0x3  }
0x32: {  	s19 =	sadd.s32 $0x1, s19;
	_ =	swait.ge @p0 [sflag:s20], $0x320  }
0x33: {  	p2 =	sne.s32 s19, s12;
	[sflag:s20] =	ssyncset.done @p0 $0x0  }
0x34: {  	s21 =	simm.s32 @!p0 $0x1D700;
	[sflag:s20] =	ssyncadd.s32 @p0 $0xFFFFFCE0;
	s20 =	simm.s32 @!p0 $0x0  }
0x35: {  	[hbm4b:s9+s20] =	stream.linear.scatter @!p0 [tilespmem:s21], [sflag:$0x3], $0xC80, $0x38;
	[tilespmem:$0x1FBF0] =	vst v63  }
.Ltmp1:
0x36: {  	_ = 	snop;
	(pc) =	sbr.rel @!p2 .LBB2_22-.Ltmp1, $4  }
0x37: {  	s20 =	simm.s32 @!p0 $0x3  }
0x38: {  	_ =	swait.ge @!p0 [sflag:s20], $0xC80  }
0x39: {  	[sflag:s20] =	ssyncset.done @!p0 $0x0  }
0x3a: {  	[sflag:s20] =	ssyncadd.s32 @!p0 $0xFFFFF380  }
.LBB2_1:
0x3b: {  	[tilespmem:s13], [sflag:$0x1] =	stream.linear.gather [hbm4b:s8+s4], $0x2800, $0x38;
	[tilespmem:$0x1FBF0] =	vst v63  }
0x3c: {  	s20 =	simm.s32 @!p1 $0x1C03  }
0x3d: {  	[spmem:s14], [sflag:s20] =	dma.local @!p1 [hbm:s0], $0x30E0  }
0x3e: {  	s20 =	simm.s32 @!p1 $0x3  }
0x3f: {  	_ =	swait.ge @!p1 [sflag:s20], $0x30E0  }
0x40: {  	[sflag:s20] =	ssyncset.done @!p1 $0x0  }
0x41: {  	[sflag:s20] =	ssyncadd.s32 @!p1 $0xFFFFCF20  }
.Ltmp2:
0x42: {  	s21 =	simm.s32 $0x2800;
	[bflag:$0x0] =	sbarrier.arrive $0xFFFF;
	(pc) =	sbr.rel .LBB2_2-.Ltmp2, $4  }
0x43: {  	[tilespmem:s4], [sflag:$0x3] =	stream.linear.gather [spmem:s3], $0x18700, $0x38;
	[tilespmem:$0x1FBF0] =	vst v63  }
0x44: {  	s22 =	simm.s32 $0x1D840;
	s23 =	simm.s32 $0x0;
	_ =	swait.ge [sflag:s15], $0x18700  }
0x45: {  	s24 =	smov.u32 s11;
	s25 =	smov.u32 s6;
	[sflag:s15] =	ssyncset.done $0x0  }
0x46: {  	s26 =	simm.s32 $0x0;
	s20 =	simm.s32 $0x1D700;
	[sflag:s15] =	ssyncadd.s32 $0xFFFE7900  }
.LBB2_13:
0x47: {  	s28 =	smov.u32 s22  }
.LBB2_19:
0x48: {  	vm0 =	vlt.s32 v35, $0x27E0;
	v33 =	vadd.f32 @p2 v33, v36  }
0x49: {  	v35 =	vnsel vm0, $0x27E0, v35  }
0x4a: {  	v45 =	vadd.s32 v0, v35;
	v33 =	vadd.f32 @p2 v34, v33;
	_ =	sdelay $0x1  }
0x4b: {  	s29 =	sadd.s32 @p3 $0x10, s28;
	s28 =	smov.u32 s22;
	v46 =	vadd.s32 v2, v35;
	v33 =	vmul.f32 @p2 $3.125000000e-02, v33  }
0x4c: {  	s28 =	smov.u32 @p3 s29  }
0x4d: {  	v37 =	vadd.s32 v3, v35;
	[tilespmem:s28+$0x0] =	vst @p2 v33  }
0x4e: {  	v33 =	vld.idx.msk [tilespmem:v45+s16+$0x0], $0xffff  }
0x4f: {  	v47 =	vadd.s32 v4, v35  }
0x50: {  	v38 =	vadd.s32 v5, v35;
	v34 =	vld.idx.msk [tilespmem:v46+s16+$0x0], $0xffff;
	_ =	sdelay $0x1  }
0x51: {  	v39 =	vadd.s32 v6, v35;
	v37 =	vld.idx.msk [tilespmem:v37+s16+$0x0], $0xffff;
	_ =	sdelay $0x1  }
0x52: {  	v40 =	vadd.s32 v7, v35;
	v36 =	vld.idx.msk [tilespmem:v47+s16+$0x0], $0xffff  }
0x53: {  	v38 =	vld.idx.msk [tilespmem:v38+s16+$0x0], $0xffff  }
0x54: {  	v41 =	vadd.s32 v8, v35;
	v33 =	vld.idx.msk [tilespmem:v33+s4+$0x0], $0xffff  }
0x55: {  	v39 =	vld.idx.msk [tilespmem:v39+s16+$0x0], $0xffff  }
0x56: {  	v42 =	vadd.s32 v9, v35;
	v34 =	vld.idx.msk [tilespmem:v34+s4+$0x0], $0xffff  }
0x57: {  	v40 =	vld.idx.msk [tilespmem:v40+s16+$0x0], $0xffff  }
0x58: {  	v43 =	vadd.s32 v10, v35;
	v37 =	vld.idx.msk [tilespmem:v37+s4+$0x0], $0xffff  }
0x59: {  	v41 =	vld.idx.msk [tilespmem:v41+s16+$0x0], $0xffff;
	v33 =	vadd.f32 $0.0e+00, v33  }
0x5a: {  	v44 =	vadd.s32 v11, v35;
	v36 =	vld.idx.msk [tilespmem:v36+s4+$0x0], $0xffff  }
0x5b: {  	v42 =	vld.idx.msk [tilespmem:v42+s16+$0x0], $0xffff;
	v33 =	vadd.f32 v34, v33  }
0x5c: {  	v49 =	vadd.s32 v12, v35;
	v48 =	vld.idx.msk [tilespmem:v38+s4+$0x0], $0xffff  }
0x5d: {  	v43 =	vld.idx.msk [tilespmem:v43+s16+$0x0], $0xffff;
	v33 =	vadd.f32 v37, v33  }
0x5e: {  	v51 =	vadd.s32 v13, v35;
	v50 =	vld.idx.msk [tilespmem:v39+s4+$0x0], $0xffff  }
0x5f: {  	v44 =	vld.idx.msk [tilespmem:v44+s16+$0x0], $0xffff;
	v33 =	vadd.f32 v36, v33  }
0x60: {  	v53 =	vadd.s32 v14, v35;
	v52 =	vld.idx.msk [tilespmem:v40+s4+$0x0], $0xffff  }
0x61: {  	v38 =	vld.idx.msk [tilespmem:v49+s16+$0x0], $0xffff;
	v33 =	vadd.f32 v48, v33  }
0x62: {  	v55 =	vadd.s32 v15, v35;
	v54 =	vld.idx.msk [tilespmem:v41+s4+$0x0], $0xffff  }
0x63: {  	v39 =	vld.idx.msk [tilespmem:v51+s16+$0x0], $0xffff;
	v33 =	vadd.f32 v50, v33  }
0x64: {  	v57 =	vadd.s32 v16, v35;
	v56 =	vld.idx.msk [tilespmem:v42+s4+$0x0], $0xffff  }
0x65: {  	v40 =	vld.idx.msk [tilespmem:v53+s16+$0x0], $0xffff;
	v33 =	vadd.f32 v52, v33  }
0x66: {  	v59 =	vadd.s32 v28, v35;
	v58 =	vld.idx.msk [tilespmem:v43+s4+$0x0], $0xffff  }
0x67: {  	v41 =	vld.idx.msk [tilespmem:v55+s16+$0x0], $0xffff;
	v33 =	vadd.f32 v54, v33  }
0x68: {  	v61 =	vadd.s32 v17, v35;
	v60 =	vld.idx.msk [tilespmem:v44+s4+$0x0], $0xffff  }
0x69: {  	v42 =	vld.idx.msk [tilespmem:v57+s16+$0x0], $0xffff;
	v33 =	vadd.f32 v56, v33  }
0x6a: {  	v63 =	vadd.s32 v19, v35;
	v62 =	vld.idx.msk [tilespmem:v38+s4+$0x0], $0xffff  }
0x6b: {  	v43 =	vld.idx.msk [tilespmem:v59+s16+$0x0], $0xffff;
	v33 =	vadd.f32 v58, v33  }
0x6c: {  	v49 =	vadd.s32 v20, v35;
	v48 =	vld.idx.msk [tilespmem:v39+s4+$0x0], $0xffff  }
0x6d: {  	v44 =	vld.idx.msk [tilespmem:v61+s16+$0x0], $0xffff;
	v33 =	vadd.f32 v60, v33  }
0x6e: {  	v51 =	vadd.s32 v18, v35;
	v50 =	vld.idx.msk [tilespmem:v40+s4+$0x0], $0xffff  }
0x6f: {  	v38 =	vld.idx.msk [tilespmem:v63+s16+$0x0], $0xffff;
	v33 =	vadd.f32 v62, v33  }
0x70: {  	v53 =	vadd.s32 v21, v35;
	v52 =	vld.idx.msk [tilespmem:v41+s4+$0x0], $0xffff  }
0x71: {  	v39 =	vld.idx.msk [tilespmem:v49+s16+$0x0], $0xffff;
	v33 =	vadd.f32 v48, v33  }
0x72: {  	v55 =	vadd.s32 v22, v35;
	v54 =	vld.idx.msk [tilespmem:v42+s4+$0x0], $0xffff  }
0x73: {  	v40 =	vld.idx.msk [tilespmem:v51+s16+$0x0], $0xffff;
	v33 =	vadd.f32 v50, v33  }
0x74: {  	v57 =	vadd.s32 v23, v35;
	v56 =	vld.idx.msk [tilespmem:v43+s4+$0x0], $0xffff  }
0x75: {  	v41 =	vld.idx.msk [tilespmem:v53+s16+$0x0], $0xffff;
	v33 =	vadd.f32 v52, v33  }
0x76: {  	v59 =	vadd.s32 v24, v35;
	v58 =	vld.idx.msk [tilespmem:v44+s4+$0x0], $0xffff  }
0x77: {  	v42 =	vld.idx.msk [tilespmem:v55+s16+$0x0], $0xffff;
	v33 =	vadd.f32 v54, v33  }
0x78: {  	v61 =	vadd.s32 v25, v35;
	v60 =	vld.idx.msk [tilespmem:v38+s4+$0x0], $0xffff  }
0x79: {  	v43 =	vld.idx.msk [tilespmem:v57+s16+$0x0], $0xffff;
	v33 =	vadd.f32 v56, v33  }
0x7a: {  	v63 =	vadd.s32 v26, v35;
	v62 =	vld.idx.msk [tilespmem:v39+s4+$0x0], $0xffff  }
0x7b: {  	v44 =	vld.idx.msk [tilespmem:v59+s16+$0x0], $0xffff;
	v33 =	vadd.f32 v58, v33  }
0x7c: {  	v47 =	vld.idx.msk [tilespmem:v40+s4+$0x0], $0xffff  }
0x7d: {  	v38 =	vld.idx.msk [tilespmem:v61+s16+$0x0], $0xffff;
	v48 =	vadd.s32 v27, v35;
	v33 =	vadd.f32 v60, v33  }
0x7e: {  	v49 =	vld.idx.msk [tilespmem:v41+s4+$0x0], $0xffff  }
0x7f: {  	v39 =	vld.idx.msk [tilespmem:v63+s16+$0x0], $0xffff;
	v50 =	vadd.s32 v29, v35;
	v33 =	vadd.f32 v62, v33  }
0x80: {  	v51 =	vld.idx.msk [tilespmem:v42+s4+$0x0], $0xffff  }
0x81: {  	v53 =	vld.idx.msk [tilespmem:v43+s4+$0x0], $0xffff;
	v52 =	vadd.s32 v30, v35;
	v33 =	vadd.f32 v47, v33  }
0x82: {  	v40 =	vld.idx.msk [tilespmem:v48+s16+$0x0], $0xffff  }
0x83: {  	v55 =	vld.idx.msk [tilespmem:v44+s4+$0x0], $0xffff;
	v54 =	vadd.s32 v31, v35;
	v33 =	vadd.f32 v49, v33  }
0x84: {  	v35 =	vadd.s32 v32, v35;
	v41 =	vld.idx.msk [tilespmem:v50+s16+$0x0], $0xffff  }
0x85: {  	v56 =	vld.idx.msk [tilespmem:v38+s4+$0x0], $0xffff;
	v33 =	vadd.f32 v51, v33  }
0x86: {  	v42 =	vld.idx.msk [tilespmem:v52+s16+$0x0], $0xffff  }
0x87: {  	v58 =	vld.idx.msk [tilespmem:v39+s4+$0x0], $0xffff;
	v33 =	vadd.f32 v53, v33  }
0x88: {  	v57 =	vld.idx.msk [tilespmem:v54+s16+$0x0], $0xffff  }
0x89: {  	v35 =	vld.idx.msk [tilespmem:v35+s16+$0x0], $0xffff;
	v33 =	vadd.f32 v55, v33  }
0x8a: {  	v59 =	vld.idx.msk [tilespmem:v40+s4+$0x0], $0xffff  }
0x8b: {  	v33 =	vadd.f32 v56, v33  }
0x8c: {  	v60 =	vld.idx.msk [tilespmem:v41+s4+$0x0], $0xffff  }
0x8d: {  	v33 =	vadd.f32 v58, v33  }
0x8e: {  	v61 =	vld.idx.msk [tilespmem:v42+s4+$0x0], $0xffff  }
0x8f: {  	v33 =	vadd.f32 v59, v33  }
0x90: {  	v62 =	vld.idx.msk [tilespmem:v57+s4+$0x0], $0xffff  }
0x91: {  	v33 =	vadd.f32 v60, v33  }
0x92: {  	v63 =	vld.idx.msk [tilespmem:v35+s4+$0x0], $0xffff  }
0x93: {  	v33 =	vadd.f32 v61, v33;
	_ =	sdelay $0x1  }
0x94: {  	v33 =	vadd.f32 v62, v33;
	_ =	sdelay $0x1  }
0x95: {  	v33 =	vadd.f32 v63, v33;
	_ =	sdelay $0x1  }
0x96: {  	s29 =	smov.u32 s22;
	s28 =	sadd.s32 @p2 $0x10, s28;
	v33 =	vmul.f32 $3.125000000e-02, v33  }
0x97: {  	s29 =	smov.u32 @p2 s28  }
0x98: {  	[tilespmem:s29+$0x0] =	vst v33  }
.LBB2_20:
0x99: {  	s26 =	sadd.s32 $0x1, s26  }
0x9a: {  	p2 =	sne.s32 s26, $0x5  }
.Ltmp3:
0x9b: {  	_ = 	snop;
	(pc) =	sbr.rel @!p2 .LBB2_21-.Ltmp3, $3  }
0x9c: {  	_ =	sdelay $0x1  }
0x9d: {  	s25 =	sadd.s32 $0xFFFFFFD8, s25;
	s24 =	sadd.s32 $0xFFFFFFD8, s24;
	s23 =	sadd.s32 $0x5000, s23  }
0x9e: {  	s20 =	sadd.s32 $0x280, s20;
	s21 =	sadd.s32 $0x5000, s21;
	s22 =	sadd.s32 $0x280, s22  }
.LBB2_2:
0x9f: {  	s28 =	sshllo.u32 s26, $0x1  }
0xa0: {  	s29 =	smul.u32 $0x2800, s28;
	_ =	sdelay $0x1  }
0xa1: {  	s30 =	smov.u32 s7;
	p2 =	slt.s32 s29, s7  }
0xa2: {  	s31 =	smul.u32 $0x28, s26;
	s30 =	smov.u32 @p2 s29  }
0xa3: {  	s29 =	sadd.s32 s5, s30  }
0xa4: {  	p2 =	sle.u32 s6, s31;
	s29 =	sshrl.u32 s29, $0x3  }
.Ltmp4:
0xa5: {  	s29 =	sadd.s32 s1, s29;
	(pc) =	sbr.rel @p2 .LBB2_11-.Ltmp4, $4  }
0xa6: {  	[tilespmem:s16], [sflag:$0x2] =	stream.linear.gather [hbm4b:s29+s4], $0x2800, $0x38;
	[tilespmem:$0x1FBF0] =	vst v63  }
0xa7: {  	_ =	swait.ge [sflag:s17], $0x2800  }
0xa8: {  	[sflag:s17] =	ssyncset.done $0x0  }
0xa9: {  	[sflag:s17] =	ssyncadd.s32 $0xFFFFD800  }
0xaa: {  	p2 =	sgt.s32 s25, $0x1;
	s29 =	smov.u32 s25  }
0xab: {  	s29 =	simm.s32 @!p2 $0x1  }
0xac: {  	s31 =	smin.u32 s29, $0x14  }
0xad: {  	p4 =	sne.s32 s31, $0x1  }
.Ltmp5:
0xae: {  	_ = 	snop;
	(pc) =	sbr.rel @!p4 .LBB2_4-.Ltmp5, $4  }
0xaf: {  	p3 =	slt.s32 s7, s23;
	s30 =	smov.u32 s23  }
0xb0: {  	s30 =	smov.u32 @p3 s7  }
0xb1: {  	s29 =	ssub.s32 s23, s30  }
0xb2: {  	p2 =	por $0x0, $0x0;
	p3 =	por $0x0, $0x0;
	v35 =	vor.u32 s29, v1;
	s30 =	sadd.s32 $0xFFFFFFFF, s31  }
0xb3: {  	vm0 =	vlt.s32 v35, $0x27E0  }
0xb4: {  	v33 =	vnsel vm0, $0x27E0, v35  }
0xb5: {  	v34 =	vadd.s32 v0, v33;
	_ =	sdelay $0x1  }
0xb6: {  	v35 =	vadd.s32 v2, v33;
	_ =	sdelay $0x1  }
0xb7: {  	v36 =	vadd.s32 v3, v33  }
0xb8: {  	v34 =	vld.idx.msk [tilespmem:v34+s13+$0x0], $0xffff  }
0xb9: {  	v37 =	vadd.s32 v4, v33  }
0xba: {  	v38 =	vadd.s32 v5, v33;
	v35 =	vld.idx.msk [tilespmem:v35+s13+$0x0], $0xffff;
	_ =	sdelay $0x1  }
0xbb: {  	v39 =	vadd.s32 v6, v33;
	v36 =	vld.idx.msk [tilespmem:v36+s13+$0x0], $0xffff;
	_ =	sdelay $0x1  }
0xbc: {  	v40 =	vadd.s32 v7, v33;
	v37 =	vld.idx.msk [tilespmem:v37+s13+$0x0], $0xffff  }
0xbd: {  	v38 =	vld.idx.msk [tilespmem:v38+s13+$0x0], $0xffff  }
0xbe: {  	v41 =	vadd.s32 v8, v33;
	v34 =	vld.idx.msk [tilespmem:v34+s4+$0x0], $0xffff  }
0xbf: {  	v39 =	vld.idx.msk [tilespmem:v39+s13+$0x0], $0xffff  }
0xc0: {  	v42 =	vadd.s32 v9, v33;
	v35 =	vld.idx.msk [tilespmem:v35+s4+$0x0], $0xffff  }
0xc1: {  	v40 =	vld.idx.msk [tilespmem:v40+s13+$0x0], $0xffff  }
0xc2: {  	v43 =	vadd.s32 v10, v33;
	v36 =	vld.idx.msk [tilespmem:v36+s4+$0x0], $0xffff  }
0xc3: {  	v41 =	vld.idx.msk [tilespmem:v41+s13+$0x0], $0xffff;
	v34 =	vadd.f32 $0.0e+00, v34  }
0xc4: {  	v44 =	vadd.s32 v11, v33;
	v37 =	vld.idx.msk [tilespmem:v37+s4+$0x0], $0xffff  }
0xc5: {  	v42 =	vld.idx.msk [tilespmem:v42+s13+$0x0], $0xffff;
	v34 =	vadd.f32 v35, v34  }
0xc6: {  	v49 =	vadd.s32 v12, v33;
	v48 =	vld.idx.msk [tilespmem:v38+s4+$0x0], $0xffff  }
0xc7: {  	v43 =	vld.idx.msk [tilespmem:v43+s13+$0x0], $0xffff;
	v34 =	vadd.f32 v36, v34  }
0xc8: {  	v51 =	vadd.s32 v13, v33;
	v50 =	vld.idx.msk [tilespmem:v39+s4+$0x0], $0xffff  }
0xc9: {  	v44 =	vld.idx.msk [tilespmem:v44+s13+$0x0], $0xffff;
	v34 =	vadd.f32 v37, v34  }
0xca: {  	v53 =	vadd.s32 v14, v33;
	v52 =	vld.idx.msk [tilespmem:v40+s4+$0x0], $0xffff  }
0xcb: {  	v38 =	vld.idx.msk [tilespmem:v49+s13+$0x0], $0xffff;
	v34 =	vadd.f32 v48, v34  }
0xcc: {  	v55 =	vadd.s32 v15, v33;
	v54 =	vld.idx.msk [tilespmem:v41+s4+$0x0], $0xffff  }
0xcd: {  	v39 =	vld.idx.msk [tilespmem:v51+s13+$0x0], $0xffff;
	v34 =	vadd.f32 v50, v34  }
0xce: {  	v57 =	vadd.s32 v16, v33;
	v56 =	vld.idx.msk [tilespmem:v42+s4+$0x0], $0xffff  }
0xcf: {  	v40 =	vld.idx.msk [tilespmem:v53+s13+$0x0], $0xffff;
	v34 =	vadd.f32 v52, v34  }
0xd0: {  	v59 =	vadd.s32 v28, v33;
	v58 =	vld.idx.msk [tilespmem:v43+s4+$0x0], $0xffff  }
0xd1: {  	v41 =	vld.idx.msk [tilespmem:v55+s13+$0x0], $0xffff;
	v34 =	vadd.f32 v54, v34  }
0xd2: {  	v61 =	vadd.s32 v17, v33;
	v60 =	vld.idx.msk [tilespmem:v44+s4+$0x0], $0xffff  }
0xd3: {  	v42 =	vld.idx.msk [tilespmem:v57+s13+$0x0], $0xffff;
	v34 =	vadd.f32 v56, v34  }
0xd4: {  	v63 =	vadd.s32 v19, v33;
	v62 =	vld.idx.msk [tilespmem:v38+s4+$0x0], $0xffff  }
0xd5: {  	v43 =	vld.idx.msk [tilespmem:v59+s13+$0x0], $0xffff;
	v34 =	vadd.f32 v58, v34  }
0xd6: {  	v49 =	vadd.s32 v20, v33;
	v48 =	vld.idx.msk [tilespmem:v39+s4+$0x0], $0xffff  }
0xd7: {  	v44 =	vld.idx.msk [tilespmem:v61+s13+$0x0], $0xffff;
	v34 =	vadd.f32 v60, v34  }
0xd8: {  	v51 =	vadd.s32 v18, v33;
	v50 =	vld.idx.msk [tilespmem:v40+s4+$0x0], $0xffff  }
0xd9: {  	v38 =	vld.idx.msk [tilespmem:v63+s13+$0x0], $0xffff;
	v34 =	vadd.f32 v62, v34  }
0xda: {  	v53 =	vadd.s32 v21, v33;
	v52 =	vld.idx.msk [tilespmem:v41+s4+$0x0], $0xffff  }
0xdb: {  	v39 =	vld.idx.msk [tilespmem:v49+s13+$0x0], $0xffff;
	v34 =	vadd.f32 v48, v34  }
0xdc: {  	v55 =	vadd.s32 v22, v33;
	v54 =	vld.idx.msk [tilespmem:v42+s4+$0x0], $0xffff  }
0xdd: {  	v40 =	vld.idx.msk [tilespmem:v51+s13+$0x0], $0xffff;
	v34 =	vadd.f32 v50, v34  }
0xde: {  	v57 =	vadd.s32 v23, v33;
	v56 =	vld.idx.msk [tilespmem:v43+s4+$0x0], $0xffff  }
0xdf: {  	v41 =	vld.idx.msk [tilespmem:v53+s13+$0x0], $0xffff;
	v34 =	vadd.f32 v52, v34  }
0xe0: {  	v59 =	vadd.s32 v24, v33;
	v58 =	vld.idx.msk [tilespmem:v44+s4+$0x0], $0xffff  }
0xe1: {  	v42 =	vld.idx.msk [tilespmem:v55+s13+$0x0], $0xffff;
	v34 =	vadd.f32 v54, v34  }
0xe2: {  	v61 =	vadd.s32 v25, v33;
	v60 =	vld.idx.msk [tilespmem:v38+s4+$0x0], $0xffff  }
0xe3: {  	v43 =	vld.idx.msk [tilespmem:v57+s13+$0x0], $0xffff;
	v34 =	vadd.f32 v56, v34  }
0xe4: {  	v63 =	vadd.s32 v26, v33;
	v62 =	vld.idx.msk [tilespmem:v39+s4+$0x0], $0xffff  }
0xe5: {  	v44 =	vld.idx.msk [tilespmem:v59+s13+$0x0], $0xffff;
	v34 =	vadd.f32 v58, v34  }
0xe6: {  	v47 =	vld.idx.msk [tilespmem:v40+s4+$0x0], $0xffff  }
0xe7: {  	v38 =	vld.idx.msk [tilespmem:v61+s13+$0x0], $0xffff;
	v48 =	vadd.s32 v27, v33;
	v34 =	vadd.f32 v60, v34  }
0xe8: {  	v49 =	vld.idx.msk [tilespmem:v41+s4+$0x0], $0xffff  }
0xe9: {  	v39 =	vld.idx.msk [tilespmem:v63+s13+$0x0], $0xffff;
	v50 =	vadd.s32 v29, v33;
	v34 =	vadd.f32 v62, v34  }
0xea: {  	v51 =	vld.idx.msk [tilespmem:v42+s4+$0x0], $0xffff  }
0xeb: {  	v53 =	vld.idx.msk [tilespmem:v43+s4+$0x0], $0xffff;
	v52 =	vadd.s32 v30, v33;
	v34 =	vadd.f32 v47, v34  }
0xec: {  	v40 =	vld.idx.msk [tilespmem:v48+s13+$0x0], $0xffff  }
0xed: {  	v55 =	vld.idx.msk [tilespmem:v44+s4+$0x0], $0xffff;
	v34 =	vadd.f32 v49, v34  }
0xee: {  	v54 =	vadd.s32 v31, v33;
	v33 =	vadd.s32 v32, v33;
	v41 =	vld.idx.msk [tilespmem:v50+s13+$0x0], $0xffff  }
0xef: {  	v56 =	vld.idx.msk [tilespmem:v38+s4+$0x0], $0xffff;
	v34 =	vadd.f32 v51, v34  }
0xf0: {  	v42 =	vld.idx.msk [tilespmem:v52+s13+$0x0], $0xffff  }
0xf1: {  	v34 =	vadd.f32 v53, v34  }
0xf2: {  	v57 =	vld.idx.msk [tilespmem:v39+s4+$0x0], $0xffff  }
0xf3: {  	v59 =	vld.idx.msk [tilespmem:v33+s13+$0x0], $0xffff;
	v34 =	vadd.f32 v55, v34  }
0xf4: {  	v58 =	vld.idx.msk [tilespmem:v40+s4+$0x0], $0xffff  }
0xf5: {  	v37 =	vld.idx.msk [tilespmem:v54+s13+$0x0], $0xffff;
	v60 =	vadd.f32 v56, v34  }
0xf6: {  	v61 =	vld.idx.msk [tilespmem:v41+s4+$0x0], $0xffff  }
0xf7: {  	v33 =	vadd.f32 v57, v60  }
0xf8: {  	p4 =	sne.s32 s30, $0x1;
	v62 =	vld.idx.msk [tilespmem:v42+s4+$0x0], $0xffff  }
.Ltmp6:
0xf9: {  	v33 =	vadd.f32 v58, v33;
	(pc) =	sbr.rel @!p4 .LBB2_6-.Ltmp6, $4  }
0xfa: {  	_ = 	snop  }
0xfb: {  	v63 =	vadd.f32 v61, v33  }
0xfc: {  	s29 =	sadd.s32 $0x200, s29;
	v34 =	vld.idx.msk [tilespmem:v59+s4+$0x0], $0xffff  }
0xfd: {  	s31 =	sadd.s32 $0xFFFFFFFF, s30;
	p2 =	por $0x1, $0x1;
	v35 =	vor.u32 s29, v1;
	v33 =	vld.idx.msk [tilespmem:v37+s4+$0x0], $0xffff;
	v36 =	vadd.f32 v62, v63  }
0xfe: {  	_ =	sdelay $0x3  }
0xff: {  	vm0 =	vlt.s32 v35, $0x27E0;
	v33 =	vadd.f32 v33, v36  }
0x100: {  	v35 =	vnsel vm0, $0x27E0, v35  }
0x101: {  	v46 =	vadd.s32 v0, v35;
	v33 =	vadd.f32 v34, v33;
	_ =	sdelay $0x1  }
0x102: {  	v47 =	vadd.s32 v2, v35;
	v33 =	vmul.f32 $3.125000000e-02, v33;
	_ =	sdelay $0x1  }
0x103: {  	v37 =	vadd.s32 v3, v35;
	[tilespmem:s20+$0x0] =	vst v33  }
0x104: {  	v33 =	vld.idx.msk [tilespmem:v46+s13+$0x0], $0xffff  }
0x105: {  	v48 =	vadd.s32 v4, v35  }
0x106: {  	v38 =	vadd.s32 v5, v35;
	v34 =	vld.idx.msk [tilespmem:v47+s13+$0x0], $0xffff;
	_ =	sdelay $0x1  }
0x107: {  	v39 =	vadd.s32 v6, v35;
	v37 =	vld.idx.msk [tilespmem:v37+s13+$0x0], $0xffff;
	_ =	sdelay $0x1  }
0x108: {  	v40 =	vadd.s32 v7, v35;
	v36 =	vld.idx.msk [tilespmem:v48+s13+$0x0], $0xffff  }
0x109: {  	v38 =	vld.idx.msk [tilespmem:v38+s13+$0x0], $0xffff  }
0x10a: {  	v41 =	vadd.s32 v8, v35;
	v33 =	vld.idx.msk [tilespmem:v33+s4+$0x0], $0xffff  }
0x10b: {  	v39 =	vld.idx.msk [tilespmem:v39+s13+$0x0], $0xffff  }
0x10c: {  	v42 =	vadd.s32 v9, v35;
	v34 =	vld.idx.msk [tilespmem:v34+s4+$0x0], $0xffff  }
0x10d: {  	v40 =	vld.idx.msk [tilespmem:v40+s13+$0x0], $0xffff  }
0x10e: {  	v43 =	vadd.s32 v10, v35;
	v37 =	vld.idx.msk [tilespmem:v37+s4+$0x0], $0xffff  }
0x10f: {  	v41 =	vld.idx.msk [tilespmem:v41+s13+$0x0], $0xffff;
	v33 =	vadd.f32 $0.0e+00, v33  }
0x110: {  	v44 =	vadd.s32 v11, v35;
	v36 =	vld.idx.msk [tilespmem:v36+s4+$0x0], $0xffff  }
0x111: {  	v42 =	vld.idx.msk [tilespmem:v42+s13+$0x0], $0xffff;
	v33 =	vadd.f32 v34, v33  }
0x112: {  	v50 =	vadd.s32 v12, v35;
	v49 =	vld.idx.msk [tilespmem:v38+s4+$0x0], $0xffff  }
0x113: {  	v43 =	vld.idx.msk [tilespmem:v43+s13+$0x0], $0xffff;
	v33 =	vadd.f32 v37, v33  }
0x114: {  	v52 =	vadd.s32 v13, v35;
	v51 =	vld.idx.msk [tilespmem:v39+s4+$0x0], $0xffff  }
0x115: {  	v44 =	vld.idx.msk [tilespmem:v44+s13+$0x0], $0xffff;
	v33 =	vadd.f32 v36, v33  }
0x116: {  	v54 =	vadd.s32 v14, v35;
	v53 =	vld.idx.msk [tilespmem:v40+s4+$0x0], $0xffff  }
0x117: {  	v38 =	vld.idx.msk [tilespmem:v50+s13+$0x0], $0xffff;
	v33 =	vadd.f32 v49, v33  }
0x118: {  	v56 =	vadd.s32 v15, v35;
	v55 =	vld.idx.msk [tilespmem:v41+s4+$0x0], $0xffff  }
0x119: {  	v39 =	vld.idx.msk [tilespmem:v52+s13+$0x0], $0xffff;
	v33 =	vadd.f32 v51, v33  }
0x11a: {  	v58 =	vadd.s32 v16, v35;
	v57 =	vld.idx.msk [tilespmem:v42+s4+$0x0], $0xffff  }
0x11b: {  	v40 =	vld.idx.msk [tilespmem:v54+s13+$0x0], $0xffff;
	v33 =	vadd.f32 v53, v33  }
0x11c: {  	v60 =	vadd.s32 v28, v35;
	v59 =	vld.idx.msk [tilespmem:v43+s4+$0x0], $0xffff  }
0x11d: {  	v41 =	vld.idx.msk [tilespmem:v56+s13+$0x0], $0xffff;
	v33 =	vadd.f32 v55, v33  }
0x11e: {  	v62 =	vadd.s32 v17, v35;
	v61 =	vld.idx.msk [tilespmem:v44+s4+$0x0], $0xffff  }
0x11f: {  	v42 =	vld.idx.msk [tilespmem:v58+s13+$0x0], $0xffff;
	v33 =	vadd.f32 v57, v33  }
0x120: {  	v48 =	vadd.s32 v19, v35;
	v63 =	vld.idx.msk [tilespmem:v38+s4+$0x0], $0xffff  }
0x121: {  	v43 =	vld.idx.msk [tilespmem:v60+s13+$0x0], $0xffff;
	v33 =	vadd.f32 v59, v33  }
0x122: {  	v50 =	vadd.s32 v20, v35;
	v49 =	vld.idx.msk [tilespmem:v39+s4+$0x0], $0xffff  }
0x123: {  	v44 =	vld.idx.msk [tilespmem:v62+s13+$0x0], $0xffff;
	v33 =	vadd.f32 v61, v33  }
0x124: {  	v52 =	vadd.s32 v18, v35;
	v51 =	vld.idx.msk [tilespmem:v40+s4+$0x0], $0xffff  }
0x125: {  	v38 =	vld.idx.msk [tilespmem:v48+s13+$0x0], $0xffff;
	v33 =	vadd.f32 v63, v33  }
0x126: {  	v54 =	vadd.s32 v21, v35;
	v53 =	vld.idx.msk [tilespmem:v41+s4+$0x0], $0xffff  }
0x127: {  	v39 =	vld.idx.msk [tilespmem:v50+s13+$0x0], $0xffff;
	v33 =	vadd.f32 v49, v33  }
0x128: {  	v56 =	vadd.s32 v22, v35;
	v55 =	vld.idx.msk [tilespmem:v42+s4+$0x0], $0xffff  }
0x129: {  	v40 =	vld.idx.msk [tilespmem:v52+s13+$0x0], $0xffff;
	v33 =	vadd.f32 v51, v33  }
0x12a: {  	v58 =	vadd.s32 v23, v35;
	v57 =	vld.idx.msk [tilespmem:v43+s4+$0x0], $0xffff  }
0x12b: {  	v41 =	vld.idx.msk [tilespmem:v54+s13+$0x0], $0xffff;
	v33 =	vadd.f32 v53, v33  }
0x12c: {  	v60 =	vadd.s32 v24, v35;
	v59 =	vld.idx.msk [tilespmem:v44+s4+$0x0], $0xffff  }
0x12d: {  	v42 =	vld.idx.msk [tilespmem:v56+s13+$0x0], $0xffff;
	v33 =	vadd.f32 v55, v33  }
0x12e: {  	v62 =	vadd.s32 v25, v35;
	v61 =	vld.idx.msk [tilespmem:v38+s4+$0x0], $0xffff  }
0x12f: {  	v43 =	vld.idx.msk [tilespmem:v58+s13+$0x0], $0xffff;
	v33 =	vadd.f32 v57, v33  }
0x130: {  	v48 =	vadd.s32 v26, v35;
	v63 =	vld.idx.msk [tilespmem:v39+s4+$0x0], $0xffff  }
0x131: {  	v44 =	vld.idx.msk [tilespmem:v60+s13+$0x0], $0xffff;
	v33 =	vadd.f32 v59, v33  }
0x132: {  	v50 =	vadd.s32 v27, v35;
	v49 =	vld.idx.msk [tilespmem:v40+s4+$0x0], $0xffff  }
0x133: {  	v38 =	vld.idx.msk [tilespmem:v62+s13+$0x0], $0xffff;
	v33 =	vadd.f32 v61, v33  }
0x134: {  	v52 =	vadd.s32 v29, v35;
	v51 =	vld.idx.msk [tilespmem:v41+s4+$0x0], $0xffff  }
0x135: {  	v39 =	vld.idx.msk [tilespmem:v48+s13+$0x0], $0xffff;
	v33 =	vadd.f32 v63, v33  }
0x136: {  	v53 =	vld.idx.msk [tilespmem:v42+s4+$0x0], $0xffff  }
0x137: {  	v40 =	vld.idx.msk [tilespmem:v50+s13+$0x0], $0xffff;
	v33 =	vadd.f32 v49, v33  }
0x138: {  	v54 =	vadd.s32 v30, v35;
	v55 =	vld.idx.msk [tilespmem:v43+s4+$0x0], $0xffff  }
0x139: {  	v41 =	vld.idx.msk [tilespmem:v52+s13+$0x0], $0xffff;
	v33 =	vadd.f32 v51, v33  }
0x13a: {  	v56 =	vadd.s32 v31, v35;
	v57 =	vld.idx.msk [tilespmem:v44+s4+$0x0], $0xffff  }
0x13b: {  	v33 =	vadd.f32 v53, v33  }
0x13c: {  	v58 =	vadd.s32 v32, v35;
	v59 =	vld.idx.msk [tilespmem:v38+s4+$0x0], $0xffff  }
0x13d: {  	v42 =	vld.idx.msk [tilespmem:v54+s13+$0x0], $0xffff;
	v33 =	vadd.f32 v55, v33  }
0x13e: {  	v60 =	vld.idx.msk [tilespmem:v39+s4+$0x0], $0xffff  }
0x13f: {  	v36 =	vld.idx.msk [tilespmem:v56+s13+$0x0], $0xffff;
	v33 =	vadd.f32 v57, v33  }
0x140: {  	v61 =	vld.idx.msk [tilespmem:v40+s4+$0x0], $0xffff  }
0x141: {  	v34 =	vld.idx.msk [tilespmem:v58+s13+$0x0], $0xffff;
	v33 =	vadd.f32 v59, v33  }
0x142: {  	v62 =	vld.idx.msk [tilespmem:v41+s4+$0x0], $0xffff  }
0x143: {  	v33 =	vadd.f32 v60, v33;
	_ =	sdelay $0x1  }
0x144: {  	v63 =	vld.idx.msk [tilespmem:v42+s4+$0x0], $0xffff;
	v33 =	vadd.f32 v61, v33  }
0x145: {  	p4 =	sne.s32 s31, $0x1  }
.Ltmp7:
0x146: {  	v35 =	vadd.f32 v62, v33;
	v33 =	vld.idx.msk [tilespmem:v36+s4+$0x0], $0xffff;
	(pc) =	sbr.rel @!p4 .LBB2_8-.Ltmp7, $4  }
0x147: {  	_ = 	snop  }
0x148: {  	v34 =	vld.idx.msk [tilespmem:v34+s4+$0x0], $0xffff  }
0x149: {  	s30 =	sadd.s32 $0x200, s29;
	v36 =	vadd.f32 v63, v35  }
0x14a: {  	s31 =	sadd.s32 $0xFFFFFFFF, s31;
	p3 =	por $0x1, $0x1;
	s29 =	smov.u32 s20;
	v35 =	vor.u32 s30, v1  }
.LBB2_9:
0x14b: {  	p4 =	sne.s32 s31, $0x1;
	vm0 =	vlt.s32 v35, $0x27E0;
	v36 =	vadd.f32 v33, v36  }
0x14c: {  	v33 =	vnsel vm0, $0x27E0, v35  }
0x14d: {  	v35 =	vadd.s32 v0, v33;
	v34 =	vadd.f32 v34, v36;
	_ =	sdelay $0x1  }
0x14e: {  	v36 =	vadd.s32 v2, v33;
	v34 =	vmul.f32 $3.125000000e-02, v34  }
0x14f: {  	s29 =	sadd.s32 $0x10, s29  }
0x150: {  	v37 =	vadd.s32 v3, v33;
	[tilespmem:s29+$0x0] =	vst v34  }
0x151: {  	v34 =	vld.idx.msk [tilespmem:v35+s13+$0x0], $0xffff  }
0x152: {  	v35 =	vadd.s32 v4, v33  }
0x153: {  	v38 =	vadd.s32 v5, v33;
	v36 =	vld.idx.msk [tilespmem:v36+s13+$0x0], $0xffff;
	_ =	sdelay $0x1  }
0x154: {  	v39 =	vadd.s32 v6, v33;
	v37 =	vld.idx.msk [tilespmem:v37+s13+$0x0], $0xffff;
	_ =	sdelay $0x1  }
0x155: {  	v40 =	vadd.s32 v7, v33;
	v35 =	vld.idx.msk [tilespmem:v35+s13+$0x0], $0xffff  }
0x156: {  	v38 =	vld.idx.msk [tilespmem:v38+s13+$0x0], $0xffff  }
0x157: {  	v41 =	vadd.s32 v8, v33;
	v34 =	vld.idx.msk [tilespmem:v34+s4+$0x0], $0xffff  }
0x158: {  	v39 =	vld.idx.msk [tilespmem:v39+s13+$0x0], $0xffff  }
0x159: {  	v42 =	vadd.s32 v9, v33;
	v36 =	vld.idx.msk [tilespmem:v36+s4+$0x0], $0xffff  }
0x15a: {  	v40 =	vld.idx.msk [tilespmem:v40+s13+$0x0], $0xffff  }
0x15b: {  	v43 =	vadd.s32 v10, v33;
	v37 =	vld.idx.msk [tilespmem:v37+s4+$0x0], $0xffff  }
0x15c: {  	v41 =	vld.idx.msk [tilespmem:v41+s13+$0x0], $0xffff  }
0x15d: {  	v44 =	vadd.s32 v11, v33;
	v34 =	vadd.f32 $0.0e+00, v34;
	v35 =	vld.idx.msk [tilespmem:v35+s4+$0x0], $0xffff  }
0x15e: {  	v42 =	vld.idx.msk [tilespmem:v42+s13+$0x0], $0xffff  }
0x15f: {  	v34 =	vadd.f32 v36, v34;
	v36 =	vld.idx.msk [tilespmem:v38+s4+$0x0], $0xffff;
	v38 =	vadd.s32 v12, v33  }
0x160: {  	v43 =	vld.idx.msk [tilespmem:v43+s13+$0x0], $0xffff  }
0x161: {  	v34 =	vadd.f32 v37, v34;
	v37 =	vld.idx.msk [tilespmem:v39+s4+$0x0], $0xffff;
	v39 =	vadd.s32 v13, v33  }
0x162: {  	v44 =	vld.idx.msk [tilespmem:v44+s13+$0x0], $0xffff  }
0x163: {  	v34 =	vadd.f32 v35, v34;
	v35 =	vld.idx.msk [tilespmem:v40+s4+$0x0], $0xffff;
	v40 =	vadd.s32 v14, v33  }
0x164: {  	v38 =	vld.idx.msk [tilespmem:v38+s13+$0x0], $0xffff  }
0x165: {  	v34 =	vadd.f32 v36, v34;
	v36 =	vld.idx.msk [tilespmem:v41+s4+$0x0], $0xffff;
	v41 =	vadd.s32 v15, v33  }
0x166: {  	v39 =	vld.idx.msk [tilespmem:v39+s13+$0x0], $0xffff  }
0x167: {  	v34 =	vadd.f32 v37, v34;
	v37 =	vld.idx.msk [tilespmem:v42+s4+$0x0], $0xffff;
	v42 =	vadd.s32 v16, v33  }
0x168: {  	v40 =	vld.idx.msk [tilespmem:v40+s13+$0x0], $0xffff  }
0x169: {  	v34 =	vadd.f32 v35, v34;
	v35 =	vld.idx.msk [tilespmem:v43+s4+$0x0], $0xffff;
	v43 =	vadd.s32 v28, v33  }
0x16a: {  	v41 =	vld.idx.msk [tilespmem:v41+s13+$0x0], $0xffff  }
0x16b: {  	v34 =	vadd.f32 v36, v34;
	v36 =	vld.idx.msk [tilespmem:v44+s4+$0x0], $0xffff;
	v44 =	vadd.s32 v17, v33  }
0x16c: {  	v42 =	vld.idx.msk [tilespmem:v42+s13+$0x0], $0xffff  }
0x16d: {  	v34 =	vadd.f32 v37, v34;
	v37 =	vld.idx.msk [tilespmem:v38+s4+$0x0], $0xffff;
	v38 =	vadd.s32 v19, v33  }
0x16e: {  	v43 =	vld.idx.msk [tilespmem:v43+s13+$0x0], $0xffff  }
0x16f: {  	v34 =	vadd.f32 v35, v34;
	v35 =	vld.idx.msk [tilespmem:v39+s4+$0x0], $0xffff;
	v39 =	vadd.s32 v20, v33  }
0x170: {  	v44 =	vld.idx.msk [tilespmem:v44+s13+$0x0], $0xffff  }
0x171: {  	v34 =	vadd.f32 v36, v34;
	v36 =	vld.idx.msk [tilespmem:v40+s4+$0x0], $0xffff;
	v40 =	vadd.s32 v18, v33  }
0x172: {  	v38 =	vld.idx.msk [tilespmem:v38+s13+$0x0], $0xffff  }
0x173: {  	v34 =	vadd.f32 v37, v34;
	v37 =	vld.idx.msk [tilespmem:v41+s4+$0x0], $0xffff;
	v41 =	vadd.s32 v21, v33  }
0x174: {  	v39 =	vld.idx.msk [tilespmem:v39+s13+$0x0], $0xffff  }
0x175: {  	v34 =	vadd.f32 v35, v34;
	v35 =	vld.idx.msk [tilespmem:v42+s4+$0x0], $0xffff;
	v42 =	vadd.s32 v22, v33  }
0x176: {  	v40 =	vld.idx.msk [tilespmem:v40+s13+$0x0], $0xffff  }
0x177: {  	v34 =	vadd.f32 v36, v34;
	v36 =	vld.idx.msk [tilespmem:v43+s4+$0x0], $0xffff;
	v43 =	vadd.s32 v23, v33  }
0x178: {  	v41 =	vld.idx.msk [tilespmem:v41+s13+$0x0], $0xffff  }
0x179: {  	v34 =	vadd.f32 v37, v34;
	v37 =	vld.idx.msk [tilespmem:v44+s4+$0x0], $0xffff;
	v44 =	vadd.s32 v24, v33  }
0x17a: {  	v42 =	vld.idx.msk [tilespmem:v42+s13+$0x0], $0xffff  }
0x17b: {  	v34 =	vadd.f32 v35, v34;
	v35 =	vld.idx.msk [tilespmem:v38+s4+$0x0], $0xffff;
	v38 =	vadd.s32 v25, v33  }
0x17c: {  	v43 =	vld.idx.msk [tilespmem:v43+s13+$0x0], $0xffff  }
0x17d: {  	v34 =	vadd.f32 v36, v34;
	v36 =	vld.idx.msk [tilespmem:v39+s4+$0x0], $0xffff;
	v39 =	vadd.s32 v26, v33  }
0x17e: {  	v44 =	vld.idx.msk [tilespmem:v44+s13+$0x0], $0xffff  }
0x17f: {  	v34 =	vadd.f32 v37, v34;
	v37 =	vld.idx.msk [tilespmem:v40+s4+$0x0], $0xffff;
	v40 =	vadd.s32 v27, v33  }
0x180: {  	v38 =	vld.idx.msk [tilespmem:v38+s13+$0x0], $0xffff  }
0x181: {  	v34 =	vadd.f32 v35, v34;
	v35 =	vld.idx.msk [tilespmem:v41+s4+$0x0], $0xffff;
	v41 =	vadd.s32 v29, v33  }
0x182: {  	v39 =	vld.idx.msk [tilespmem:v39+s13+$0x0], $0xffff  }
0x183: {  	v34 =	vadd.f32 v36, v34;
	v36 =	vld.idx.msk [tilespmem:v42+s4+$0x0], $0xffff;
	v42 =	vadd.s32 v30, v33  }
0x184: {  	v40 =	vld.idx.msk [tilespmem:v40+s13+$0x0], $0xffff  }
0x185: {  	v34 =	vadd.f32 v37, v34;
	v37 =	vld.idx.msk [tilespmem:v43+s4+$0x0], $0xffff;
	v43 =	vadd.s32 v31, v33  }
0x186: {  	v41 =	vld.idx.msk [tilespmem:v41+s13+$0x0], $0xffff  }
0x187: {  	v33 =	vadd.s32 v32, v33;
	v34 =	vadd.f32 v35, v34;
	v35 =	vld.idx.msk [tilespmem:v44+s4+$0x0], $0xffff  }
0x188: {  	v42 =	vld.idx.msk [tilespmem:v42+s13+$0x0], $0xffff  }
0x189: {  	v34 =	vadd.f32 v36, v34;
	v36 =	vld.idx.msk [tilespmem:v38+s4+$0x0], $0xffff  }
0x18a: {  	v38 =	vld.idx.msk [tilespmem:v43+s13+$0x0], $0xffff  }
0x18b: {  	v34 =	vadd.f32 v37, v34;
	v37 =	vld.idx.msk [tilespmem:v39+s4+$0x0], $0xffff  }
0x18c: {  	v39 =	vld.idx.msk [tilespmem:v33+s13+$0x0], $0xffff  }
0x18d: {  	v33 =	vadd.f32 v35, v34;
	v34 =	vld.idx.msk [tilespmem:v40+s4+$0x0], $0xffff;
	_ =	sdelay $0x1  }
0x18e: {  	v33 =	vadd.f32 v36, v33;
	v35 =	vld.idx.msk [tilespmem:v41+s4+$0x0], $0xffff;
	_ =	sdelay $0x1  }
0x18f: {  	v33 =	vadd.f32 v37, v33;
	v36 =	vld.idx.msk [tilespmem:v42+s4+$0x0], $0xffff;
	_ =	sdelay $0x1  }
0x190: {  	v34 =	vadd.f32 v34, v33;
	v33 =	vld.idx.msk [tilespmem:v38+s4+$0x0], $0xffff  }
.Ltmp8:
0x191: {  	(pc) =	sbr.rel @p4 .LBB2_9-.Ltmp8, $3  }
0x192: {  	v35 =	vadd.f32 v35, v34;
	v34 =	vld.idx.msk [tilespmem:v39+s4+$0x0], $0xffff;
	_ =	sdelay $0x1  }
0x193: {  	s30 =	sadd.s32 $0x200, s30;
	v36 =	vadd.f32 v36, v35  }
0x194: {  	s31 =	sadd.s32 $0xFFFFFFFF, s31;
	v35 =	vor.u32 s30, v1  }
.LBB2_10:
0x195: {  	vm0 =	vlt.s32 v35, $0x27E0;
	v33 =	vadd.f32 @p2 v33, v36  }
0x196: {  	v35 =	vnsel vm0, $0x27E0, v35  }
0x197: {  	v45 =	vadd.s32 v0, v35;
	v33 =	vadd.f32 @p2 v34, v33;
	_ =	sdelay $0x1  }
0x198: {  	s30 =	sadd.s32 @p3 $0x10, s29;
	s29 =	smov.u32 s20;
	v46 =	vadd.s32 v2, v35;
	v33 =	vmul.f32 @p2 $3.125000000e-02, v33  }
0x199: {  	s29 =	smov.u32 @p3 s30  }
0x19a: {  	v37 =	vadd.s32 v3, v35;
	[tilespmem:s29+$0x0] =	vst @p2 v33  }
0x19b: {  	v33 =	vld.idx.msk [tilespmem:v45+s13+$0x0], $0xffff  }
0x19c: {  	v47 =	vadd.s32 v4, v35  }
0x19d: {  	v38 =	vadd.s32 v5, v35;
	v34 =	vld.idx.msk [tilespmem:v46+s13+$0x0], $0xffff;
	_ =	sdelay $0x1  }
0x19e: {  	v39 =	vadd.s32 v6, v35;
	v37 =	vld.idx.msk [tilespmem:v37+s13+$0x0], $0xffff;
	_ =	sdelay $0x1  }
0x19f: {  	v40 =	vadd.s32 v7, v35;
	v36 =	vld.idx.msk [tilespmem:v47+s13+$0x0], $0xffff  }
0x1a0: {  	v38 =	vld.idx.msk [tilespmem:v38+s13+$0x0], $0xffff  }
0x1a1: {  	v41 =	vadd.s32 v8, v35;
	v33 =	vld.idx.msk [tilespmem:v33+s4+$0x0], $0xffff  }
0x1a2: {  	v39 =	vld.idx.msk [tilespmem:v39+s13+$0x0], $0xffff  }
0x1a3: {  	v42 =	vadd.s32 v9, v35;
	v34 =	vld.idx.msk [tilespmem:v34+s4+$0x0], $0xffff  }
0x1a4: {  	v40 =	vld.idx.msk [tilespmem:v40+s13+$0x0], $0xffff  }
0x1a5: {  	v43 =	vadd.s32 v10, v35;
	v37 =	vld.idx.msk [tilespmem:v37+s4+$0x0], $0xffff  }
0x1a6: {  	v41 =	vld.idx.msk [tilespmem:v41+s13+$0x0], $0xffff;
	v33 =	vadd.f32 $0.0e+00, v33  }
0x1a7: {  	v44 =	vadd.s32 v11, v35;
	v36 =	vld.idx.msk [tilespmem:v36+s4+$0x0], $0xffff  }
0x1a8: {  	v42 =	vld.idx.msk [tilespmem:v42+s13+$0x0], $0xffff;
	v33 =	vadd.f32 v34, v33  }
0x1a9: {  	v49 =	vadd.s32 v12, v35;
	v48 =	vld.idx.msk [tilespmem:v38+s4+$0x0], $0xffff  }
0x1aa: {  	v43 =	vld.idx.msk [tilespmem:v43+s13+$0x0], $0xffff;
	v33 =	vadd.f32 v37, v33  }
0x1ab: {  	v51 =	vadd.s32 v13, v35;
	v50 =	vld.idx.msk [tilespmem:v39+s4+$0x0], $0xffff  }
0x1ac: {  	v44 =	vld.idx.msk [tilespmem:v44+s13+$0x0], $0xffff;
	v33 =	vadd.f32 v36, v33  }
0x1ad: {  	v53 =	vadd.s32 v14, v35;
	v52 =	vld.idx.msk [tilespmem:v40+s4+$0x0], $0xffff  }
0x1ae: {  	v38 =	vld.idx.msk [tilespmem:v49+s13+$0x0], $0xffff;
	v33 =	vadd.f32 v48, v33  }
0x1af: {  	v55 =	vadd.s32 v15, v35;
	v54 =	vld.idx.msk [tilespmem:v41+s4+$0x0], $0xffff  }
0x1b0: {  	v39 =	vld.idx.msk [tilespmem:v51+s13+$0x0], $0xffff;
	v33 =	vadd.f32 v50, v33  }
0x1b1: {  	v57 =	vadd.s32 v16, v35;
	v56 =	vld.idx.msk [tilespmem:v42+s4+$0x0], $0xffff  }
0x1b2: {  	v40 =	vld.idx.msk [tilespmem:v53+s13+$0x0], $0xffff;
	v33 =	vadd.f32 v52, v33  }
0x1b3: {  	v59 =	vadd.s32 v28, v35;
	v58 =	vld.idx.msk [tilespmem:v43+s4+$0x0], $0xffff  }
0x1b4: {  	v41 =	vld.idx.msk [tilespmem:v55+s13+$0x0], $0xffff;
	v33 =	vadd.f32 v54, v33  }
0x1b5: {  	v61 =	vadd.s32 v17, v35;
	v60 =	vld.idx.msk [tilespmem:v44+s4+$0x0], $0xffff  }
0x1b6: {  	v42 =	vld.idx.msk [tilespmem:v57+s13+$0x0], $0xffff;
	v33 =	vadd.f32 v56, v33  }
0x1b7: {  	v63 =	vadd.s32 v19, v35;
	v62 =	vld.idx.msk [tilespmem:v38+s4+$0x0], $0xffff  }
0x1b8: {  	v43 =	vld.idx.msk [tilespmem:v59+s13+$0x0], $0xffff;
	v33 =	vadd.f32 v58, v33  }
0x1b9: {  	v49 =	vadd.s32 v20, v35;
	v48 =	vld.idx.msk [tilespmem:v39+s4+$0x0], $0xffff  }
0x1ba: {  	v44 =	vld.idx.msk [tilespmem:v61+s13+$0x0], $0xffff;
	v33 =	vadd.f32 v60, v33  }
0x1bb: {  	v51 =	vadd.s32 v18, v35;
	v50 =	vld.idx.msk [tilespmem:v40+s4+$0x0], $0xffff  }
0x1bc: {  	v38 =	vld.idx.msk [tilespmem:v63+s13+$0x0], $0xffff;
	v33 =	vadd.f32 v62, v33  }
0x1bd: {  	v53 =	vadd.s32 v21, v35;
	v52 =	vld.idx.msk [tilespmem:v41+s4+$0x0], $0xffff  }
0x1be: {  	v39 =	vld.idx.msk [tilespmem:v49+s13+$0x0], $0xffff;
	v33 =	vadd.f32 v48, v33  }
0x1bf: {  	v55 =	vadd.s32 v22, v35;
	v54 =	vld.idx.msk [tilespmem:v42+s4+$0x0], $0xffff  }
0x1c0: {  	v40 =	vld.idx.msk [tilespmem:v51+s13+$0x0], $0xffff;
	v33 =	vadd.f32 v50, v33  }
0x1c1: {  	v57 =	vadd.s32 v23, v35;
	v56 =	vld.idx.msk [tilespmem:v43+s4+$0x0], $0xffff  }
0x1c2: {  	v41 =	vld.idx.msk [tilespmem:v53+s13+$0x0], $0xffff;
	v33 =	vadd.f32 v52, v33  }
0x1c3: {  	v59 =	vadd.s32 v24, v35;
	v58 =	vld.idx.msk [tilespmem:v44+s4+$0x0], $0xffff  }
0x1c4: {  	v42 =	vld.idx.msk [tilespmem:v55+s13+$0x0], $0xffff;
	v33 =	vadd.f32 v54, v33  }
0x1c5: {  	v61 =	vadd.s32 v25, v35;
	v60 =	vld.idx.msk [tilespmem:v38+s4+$0x0], $0xffff  }
0x1c6: {  	v43 =	vld.idx.msk [tilespmem:v57+s13+$0x0], $0xffff;
	v33 =	vadd.f32 v56, v33  }
0x1c7: {  	v63 =	vadd.s32 v26, v35;
	v62 =	vld.idx.msk [tilespmem:v39+s4+$0x0], $0xffff  }
0x1c8: {  	v44 =	vld.idx.msk [tilespmem:v59+s13+$0x0], $0xffff;
	v33 =	vadd.f32 v58, v33  }
0x1c9: {  	v47 =	vld.idx.msk [tilespmem:v40+s4+$0x0], $0xffff  }
0x1ca: {  	v38 =	vld.idx.msk [tilespmem:v61+s13+$0x0], $0xffff;
	v48 =	vadd.s32 v27, v35;
	v33 =	vadd.f32 v60, v33  }
0x1cb: {  	v49 =	vld.idx.msk [tilespmem:v41+s4+$0x0], $0xffff  }
0x1cc: {  	v39 =	vld.idx.msk [tilespmem:v63+s13+$0x0], $0xffff;
	v50 =	vadd.s32 v29, v35;
	v33 =	vadd.f32 v62, v33  }
0x1cd: {  	v51 =	vld.idx.msk [tilespmem:v42+s4+$0x0], $0xffff  }
0x1ce: {  	v53 =	vld.idx.msk [tilespmem:v43+s4+$0x0], $0xffff;
	v52 =	vadd.s32 v30, v35;
	v33 =	vadd.f32 v47, v33  }
0x1cf: {  	v40 =	vld.idx.msk [tilespmem:v48+s13+$0x0], $0xffff  }
0x1d0: {  	v55 =	vld.idx.msk [tilespmem:v44+s4+$0x0], $0xffff;
	v54 =	vadd.s32 v31, v35;
	v33 =	vadd.f32 v49, v33  }
0x1d1: {  	v35 =	vadd.s32 v32, v35;
	v41 =	vld.idx.msk [tilespmem:v50+s13+$0x0], $0xffff  }
0x1d2: {  	v56 =	vld.idx.msk [tilespmem:v38+s4+$0x0], $0xffff;
	v33 =	vadd.f32 v51, v33  }
0x1d3: {  	v42 =	vld.idx.msk [tilespmem:v52+s13+$0x0], $0xffff  }
0x1d4: {  	v58 =	vld.idx.msk [tilespmem:v39+s4+$0x0], $0xffff;
	v33 =	vadd.f32 v53, v33  }
0x1d5: {  	v57 =	vld.idx.msk [tilespmem:v54+s13+$0x0], $0xffff  }
0x1d6: {  	v35 =	vld.idx.msk [tilespmem:v35+s13+$0x0], $0xffff;
	v33 =	vadd.f32 v55, v33  }
0x1d7: {  	v59 =	vld.idx.msk [tilespmem:v40+s4+$0x0], $0xffff  }
0x1d8: {  	v33 =	vadd.f32 v56, v33  }
0x1d9: {  	v60 =	vld.idx.msk [tilespmem:v41+s4+$0x0], $0xffff  }
0x1da: {  	v33 =	vadd.f32 v58, v33  }
0x1db: {  	v61 =	vld.idx.msk [tilespmem:v42+s4+$0x0], $0xffff  }
0x1dc: {  	v33 =	vadd.f32 v59, v33  }
0x1dd: {  	v62 =	vld.idx.msk [tilespmem:v57+s4+$0x0], $0xffff  }
0x1de: {  	v33 =	vadd.f32 v60, v33  }
0x1df: {  	v63 =	vld.idx.msk [tilespmem:v35+s4+$0x0], $0xffff  }
0x1e0: {  	v33 =	vadd.f32 v61, v33;
	_ =	sdelay $0x1  }
0x1e1: {  	v33 =	vadd.f32 v62, v33;
	_ =	sdelay $0x1  }
0x1e2: {  	v33 =	vadd.f32 v63, v33;
	_ =	sdelay $0x1  }
0x1e3: {  	s30 =	smov.u32 s20;
	s29 =	sadd.s32 @p2 $0x10, s29;
	v33 =	vmul.f32 $3.125000000e-02, v33  }
0x1e4: {  	s30 =	smov.u32 @p2 s29  }
0x1e5: {  	[tilespmem:s30+$0x0] =	vst v33  }
.LBB2_11:
0x1e6: {  	s29 =	smul.u32 $0x5000, s26  }
0x1e7: {  	s28 =	smul.u32 $0x14, s28  }
0x1e8: {  	s29 =	sadd.s32 $0x5000, s29  }
0x1e9: {  	s30 =	smov.u32 s7;
	s28 =	ssub.s32 s6, s28;
	p2 =	slt.s32 s29, s7  }
0x1ea: {  	s30 =	smov.u32 @p2 s29;
	p2 =	sgt.s32 s28, $0x0  }
0x1eb: {  	s29 =	sadd.s32 s5, s30;
	s28 =	simm.s32 @!p2 $0x0  }
0x1ec: {  	s29 =	sshrl.u32 s29, $0x3;
	p2 =	seq.s32 s28, $0x0  }
.Ltmp9:
0x1ed: {  	s29 =	sadd.s32 s1, s29;
	(pc) =	sbr.rel @p2 .LBB2_20-.Ltmp9, $4  }
0x1ee: {  	[tilespmem:s13], [sflag:$0x1] =	stream.linear.gather [hbm4b:s29+s4], $0x2800, $0x38;
	[tilespmem:$0x1FBF0] =	vst v63  }
0x1ef: {  	_ =	swait.ge [sflag:s18], $0x2800  }
0x1f0: {  	[sflag:s18] =	ssyncset.done $0x0  }
0x1f1: {  	[sflag:s18] =	ssyncadd.s32 $0xFFFFD800  }
0x1f2: {  	p2 =	sgt.s32 s24, $0x1;
	s28 =	smov.u32 s24  }
0x1f3: {  	s28 =	simm.s32 @!p2 $0x1  }
0x1f4: {  	s30 =	smin.u32 s28, $0x14  }
0x1f5: {  	p4 =	sne.s32 s30, $0x1  }
.Ltmp10:
0x1f6: {  	_ = 	snop;
	(pc) =	sbr.rel @!p4 .LBB2_13-.Ltmp10, $4  }
0x1f7: {  	p3 =	slt.s32 s7, s21;
	s29 =	smov.u32 s21  }
0x1f8: {  	s29 =	smov.u32 @p3 s7  }
0x1f9: {  	s28 =	ssub.s32 s21, s29  }
0x1fa: {  	p2 =	por $0x0, $0x0;
	p3 =	por $0x0, $0x0;
	v35 =	vor.u32 s28, v1;
	s29 =	sadd.s32 $0xFFFFFFFF, s30  }
0x1fb: {  	vm0 =	vlt.s32 v35, $0x27E0  }
0x1fc: {  	v33 =	vnsel vm0, $0x27E0, v35  }
0x1fd: {  	v34 =	vadd.s32 v0, v33;
	_ =	sdelay $0x1  }
0x1fe: {  	v35 =	vadd.s32 v2, v33;
	_ =	sdelay $0x1  }
0x1ff: {  	v36 =	vadd.s32 v3, v33  }
0x200: {  	v34 =	vld.idx.msk [tilespmem:v34+s16+$0x0], $0xffff  }
0x201: {  	v37 =	vadd.s32 v4, v33  }
0x202: {  	v38 =	vadd.s32 v5, v33;
	v35 =	vld.idx.msk [tilespmem:v35+s16+$0x0], $0xffff;
	_ =	sdelay $0x1  }
0x203: {  	v39 =	vadd.s32 v6, v33;
	v36 =	vld.idx.msk [tilespmem:v36+s16+$0x0], $0xffff;
	_ =	sdelay $0x1  }
0x204: {  	v40 =	vadd.s32 v7, v33;
	v37 =	vld.idx.msk [tilespmem:v37+s16+$0x0], $0xffff  }
0x205: {  	v38 =	vld.idx.msk [tilespmem:v38+s16+$0x0], $0xffff  }
0x206: {  	v41 =	vadd.s32 v8, v33;
	v34 =	vld.idx.msk [tilespmem:v34+s4+$0x0], $0xffff  }
0x207: {  	v39 =	vld.idx.msk [tilespmem:v39+s16+$0x0], $0xffff  }
0x208: {  	v42 =	vadd.s32 v9, v33;
	v35 =	vld.idx.msk [tilespmem:v35+s4+$0x0], $0xffff  }
0x209: {  	v40 =	vld.idx.msk [tilespmem:v40+s16+$0x0], $0xffff  }
0x20a: {  	v43 =	vadd.s32 v10, v33;
	v36 =	vld.idx.msk [tilespmem:v36+s4+$0x0], $0xffff  }
0x20b: {  	v41 =	vld.idx.msk [tilespmem:v41+s16+$0x0], $0xffff;
	v34 =	vadd.f32 $0.0e+00, v34  }
0x20c: {  	v44 =	vadd.s32 v11, v33;
	v37 =	vld.idx.msk [tilespmem:v37+s4+$0x0], $0xffff  }
0x20d: {  	v42 =	vld.idx.msk [tilespmem:v42+s16+$0x0], $0xffff;
	v34 =	vadd.f32 v35, v34  }
0x20e: {  	v49 =	vadd.s32 v12, v33;
	v48 =	vld.idx.msk [tilespmem:v38+s4+$0x0], $0xffff  }
0x20f: {  	v43 =	vld.idx.msk [tilespmem:v43+s16+$0x0], $0xffff;
	v34 =	vadd.f32 v36, v34  }
0x210: {  	v51 =	vadd.s32 v13, v33;
	v50 =	vld.idx.msk [tilespmem:v39+s4+$0x0], $0xffff  }
0x211: {  	v44 =	vld.idx.msk [tilespmem:v44+s16+$0x0], $0xffff;
	v34 =	vadd.f32 v37, v34  }
0x212: {  	v53 =	vadd.s32 v14, v33;
	v52 =	vld.idx.msk [tilespmem:v40+s4+$0x0], $0xffff  }
0x213: {  	v38 =	vld.idx.msk [tilespmem:v49+s16+$0x0], $0xffff;
	v34 =	vadd.f32 v48, v34  }
0x214: {  	v55 =	vadd.s32 v15, v33;
	v54 =	vld.idx.msk [tilespmem:v41+s4+$0x0], $0xffff  }
0x215: {  	v39 =	vld.idx.msk [tilespmem:v51+s16+$0x0], $0xffff;
	v34 =	vadd.f32 v50, v34  }
0x216: {  	v57 =	vadd.s32 v16, v33;
	v56 =	vld.idx.msk [tilespmem:v42+s4+$0x0], $0xffff  }
0x217: {  	v40 =	vld.idx.msk [tilespmem:v53+s16+$0x0], $0xffff;
	v34 =	vadd.f32 v52, v34  }
0x218: {  	v59 =	vadd.s32 v28, v33;
	v58 =	vld.idx.msk [tilespmem:v43+s4+$0x0], $0xffff  }
0x219: {  	v41 =	vld.idx.msk [tilespmem:v55+s16+$0x0], $0xffff;
	v34 =	vadd.f32 v54, v34  }
0x21a: {  	v61 =	vadd.s32 v17, v33;
	v60 =	vld.idx.msk [tilespmem:v44+s4+$0x0], $0xffff  }
0x21b: {  	v42 =	vld.idx.msk [tilespmem:v57+s16+$0x0], $0xffff;
	v34 =	vadd.f32 v56, v34  }
0x21c: {  	v63 =	vadd.s32 v19, v33;
	v62 =	vld.idx.msk [tilespmem:v38+s4+$0x0], $0xffff  }
0x21d: {  	v43 =	vld.idx.msk [tilespmem:v59+s16+$0x0], $0xffff;
	v34 =	vadd.f32 v58, v34  }
0x21e: {  	v49 =	vadd.s32 v20, v33;
	v48 =	vld.idx.msk [tilespmem:v39+s4+$0x0], $0xffff  }
0x21f: {  	v44 =	vld.idx.msk [tilespmem:v61+s16+$0x0], $0xffff;
	v34 =	vadd.f32 v60, v34  }
0x220: {  	v51 =	vadd.s32 v18, v33;
	v50 =	vld.idx.msk [tilespmem:v40+s4+$0x0], $0xffff  }
0x221: {  	v38 =	vld.idx.msk [tilespmem:v63+s16+$0x0], $0xffff;
	v34 =	vadd.f32 v62, v34  }
0x222: {  	v53 =	vadd.s32 v21, v33;
	v52 =	vld.idx.msk [tilespmem:v41+s4+$0x0], $0xffff  }
0x223: {  	v39 =	vld.idx.msk [tilespmem:v49+s16+$0x0], $0xffff;
	v34 =	vadd.f32 v48, v34  }
0x224: {  	v55 =	vadd.s32 v22, v33;
	v54 =	vld.idx.msk [tilespmem:v42+s4+$0x0], $0xffff  }
0x225: {  	v40 =	vld.idx.msk [tilespmem:v51+s16+$0x0], $0xffff;
	v34 =	vadd.f32 v50, v34  }
0x226: {  	v57 =	vadd.s32 v23, v33;
	v56 =	vld.idx.msk [tilespmem:v43+s4+$0x0], $0xffff  }
0x227: {  	v41 =	vld.idx.msk [tilespmem:v53+s16+$0x0], $0xffff;
	v34 =	vadd.f32 v52, v34  }
0x228: {  	v59 =	vadd.s32 v24, v33;
	v58 =	vld.idx.msk [tilespmem:v44+s4+$0x0], $0xffff  }
0x229: {  	v42 =	vld.idx.msk [tilespmem:v55+s16+$0x0], $0xffff;
	v34 =	vadd.f32 v54, v34  }
0x22a: {  	v61 =	vadd.s32 v25, v33;
	v60 =	vld.idx.msk [tilespmem:v38+s4+$0x0], $0xffff  }
0x22b: {  	v43 =	vld.idx.msk [tilespmem:v57+s16+$0x0], $0xffff;
	v34 =	vadd.f32 v56, v34  }
0x22c: {  	v63 =	vadd.s32 v26, v33;
	v62 =	vld.idx.msk [tilespmem:v39+s4+$0x0], $0xffff  }
0x22d: {  	v44 =	vld.idx.msk [tilespmem:v59+s16+$0x0], $0xffff;
	v34 =	vadd.f32 v58, v34  }
0x22e: {  	v47 =	vld.idx.msk [tilespmem:v40+s4+$0x0], $0xffff  }
0x22f: {  	v38 =	vld.idx.msk [tilespmem:v61+s16+$0x0], $0xffff;
	v48 =	vadd.s32 v27, v33;
	v34 =	vadd.f32 v60, v34  }
0x230: {  	v49 =	vld.idx.msk [tilespmem:v41+s4+$0x0], $0xffff  }
0x231: {  	v39 =	vld.idx.msk [tilespmem:v63+s16+$0x0], $0xffff;
	v50 =	vadd.s32 v29, v33;
	v34 =	vadd.f32 v62, v34  }
0x232: {  	v51 =	vld.idx.msk [tilespmem:v42+s4+$0x0], $0xffff  }
0x233: {  	v53 =	vld.idx.msk [tilespmem:v43+s4+$0x0], $0xffff;
	v34 =	vadd.f32 v47, v34  }
0x234: {  	v52 =	vadd.s32 v30, v33;
	v40 =	vld.idx.msk [tilespmem:v48+s16+$0x0], $0xffff  }
0x235: {  	v55 =	vld.idx.msk [tilespmem:v44+s4+$0x0], $0xffff;
	v34 =	vadd.f32 v49, v34  }
0x236: {  	v54 =	vadd.s32 v31, v33;
	v41 =	vld.idx.msk [tilespmem:v50+s16+$0x0], $0xffff  }
0x237: {  	v34 =	vadd.f32 v51, v34  }
0x238: {  	v33 =	vadd.s32 v32, v33;
	v56 =	vld.idx.msk [tilespmem:v38+s4+$0x0], $0xffff  }
0x239: {  	v42 =	vld.idx.msk [tilespmem:v52+s16+$0x0], $0xffff;
	v34 =	vadd.f32 v53, v34  }
0x23a: {  	v57 =	vld.idx.msk [tilespmem:v39+s4+$0x0], $0xffff  }
0x23b: {  	v37 =	vld.idx.msk [tilespmem:v54+s16+$0x0], $0xffff;
	v34 =	vadd.f32 v55, v34  }
0x23c: {  	v58 =	vld.idx.msk [tilespmem:v40+s4+$0x0], $0xffff  }
0x23d: {  	v59 =	vld.idx.msk [tilespmem:v33+s16+$0x0], $0xffff;
	v60 =	vadd.f32 v56, v34  }
0x23e: {  	v61 =	vld.idx.msk [tilespmem:v41+s4+$0x0], $0xffff  }
0x23f: {  	v33 =	vadd.f32 v57, v60;
	_ =	sdelay $0x1  }
0x240: {  	v62 =	vld.idx.msk [tilespmem:v42+s4+$0x0], $0xffff;
	v33 =	vadd.f32 v58, v33  }
0x241: {  	p4 =	sne.s32 s29, $0x1  }
.Ltmp11:
0x242: {  	v63 =	vadd.f32 v61, v33;
	v33 =	vld.idx.msk [tilespmem:v37+s4+$0x0], $0xffff;
	(pc) =	sbr.rel @!p4 .LBB2_15-.Ltmp11, $4  }
0x243: {  	_ = 	snop  }
0x244: {  	v34 =	vld.idx.msk [tilespmem:v59+s4+$0x0], $0xffff  }
0x245: {  	s28 =	sadd.s32 $0x200, s28;
	v36 =	vadd.f32 v62, v63  }
0x246: {  	s30 =	sadd.s32 $0xFFFFFFFF, s29;
	p2 =	por $0x1, $0x1;
	v35 =	vor.u32 s28, v1  }
0x247: {  	vm0 =	vlt.s32 v35, $0x27E0;
	v33 =	vadd.f32 v33, v36  }
0x248: {  	v35 =	vnsel vm0, $0x27E0, v35  }
0x249: {  	v46 =	vadd.s32 v0, v35;
	v33 =	vadd.f32 v34, v33;
	_ =	sdelay $0x1  }
0x24a: {  	v47 =	vadd.s32 v2, v35;
	v33 =	vmul.f32 $3.125000000e-02, v33;
	_ =	sdelay $0x1  }
0x24b: {  	v37 =	vadd.s32 v3, v35;
	[tilespmem:s22+$0x0] =	vst v33  }
0x24c: {  	v33 =	vld.idx.msk [tilespmem:v46+s16+$0x0], $0xffff  }
0x24d: {  	v48 =	vadd.s32 v4, v35  }
0x24e: {  	v38 =	vadd.s32 v5, v35;
	v34 =	vld.idx.msk [tilespmem:v47+s16+$0x0], $0xffff;
	_ =	sdelay $0x1  }
0x24f: {  	v39 =	vadd.s32 v6, v35;
	v37 =	vld.idx.msk [tilespmem:v37+s16+$0x0], $0xffff;
	_ =	sdelay $0x1  }
0x250: {  	v40 =	vadd.s32 v7, v35;
	v36 =	vld.idx.msk [tilespmem:v48+s16+$0x0], $0xffff  }
0x251: {  	v38 =	vld.idx.msk [tilespmem:v38+s16+$0x0], $0xffff  }
0x252: {  	v41 =	vadd.s32 v8, v35;
	v33 =	vld.idx.msk [tilespmem:v33+s4+$0x0], $0xffff  }
0x253: {  	v39 =	vld.idx.msk [tilespmem:v39+s16+$0x0], $0xffff  }
0x254: {  	v42 =	vadd.s32 v9, v35;
	v34 =	vld.idx.msk [tilespmem:v34+s4+$0x0], $0xffff  }
0x255: {  	v40 =	vld.idx.msk [tilespmem:v40+s16+$0x0], $0xffff  }
0x256: {  	v43 =	vadd.s32 v10, v35;
	v37 =	vld.idx.msk [tilespmem:v37+s4+$0x0], $0xffff  }
0x257: {  	v41 =	vld.idx.msk [tilespmem:v41+s16+$0x0], $0xffff;
	v33 =	vadd.f32 $0.0e+00, v33  }
0x258: {  	v44 =	vadd.s32 v11, v35;
	v36 =	vld.idx.msk [tilespmem:v36+s4+$0x0], $0xffff  }
0x259: {  	v42 =	vld.idx.msk [tilespmem:v42+s16+$0x0], $0xffff;
	v33 =	vadd.f32 v34, v33  }
0x25a: {  	v50 =	vadd.s32 v12, v35;
	v49 =	vld.idx.msk [tilespmem:v38+s4+$0x0], $0xffff  }
0x25b: {  	v43 =	vld.idx.msk [tilespmem:v43+s16+$0x0], $0xffff;
	v33 =	vadd.f32 v37, v33  }
0x25c: {  	v52 =	vadd.s32 v13, v35;
	v51 =	vld.idx.msk [tilespmem:v39+s4+$0x0], $0xffff  }
0x25d: {  	v44 =	vld.idx.msk [tilespmem:v44+s16+$0x0], $0xffff;
	v33 =	vadd.f32 v36, v33  }
0x25e: {  	v54 =	vadd.s32 v14, v35;
	v53 =	vld.idx.msk [tilespmem:v40+s4+$0x0], $0xffff  }
0x25f: {  	v38 =	vld.idx.msk [tilespmem:v50+s16+$0x0], $0xffff;
	v33 =	vadd.f32 v49, v33  }
0x260: {  	v56 =	vadd.s32 v15, v35;
	v55 =	vld.idx.msk [tilespmem:v41+s4+$0x0], $0xffff  }
0x261: {  	v39 =	vld.idx.msk [tilespmem:v52+s16+$0x0], $0xffff;
	v33 =	vadd.f32 v51, v33  }
0x262: {  	v58 =	vadd.s32 v16, v35;
	v57 =	vld.idx.msk [tilespmem:v42+s4+$0x0], $0xffff  }
0x263: {  	v40 =	vld.idx.msk [tilespmem:v54+s16+$0x0], $0xffff;
	v33 =	vadd.f32 v53, v33  }
0x264: {  	v60 =	vadd.s32 v28, v35;
	v59 =	vld.idx.msk [tilespmem:v43+s4+$0x0], $0xffff  }
0x265: {  	v41 =	vld.idx.msk [tilespmem:v56+s16+$0x0], $0xffff;
	v33 =	vadd.f32 v55, v33  }
0x266: {  	v62 =	vadd.s32 v17, v35;
	v61 =	vld.idx.msk [tilespmem:v44+s4+$0x0], $0xffff  }
0x267: {  	v42 =	vld.idx.msk [tilespmem:v58+s16+$0x0], $0xffff;
	v33 =	vadd.f32 v57, v33  }
0x268: {  	v48 =	vadd.s32 v19, v35;
	v63 =	vld.idx.msk [tilespmem:v38+s4+$0x0], $0xffff  }
0x269: {  	v43 =	vld.idx.msk [tilespmem:v60+s16+$0x0], $0xffff;
	v33 =	vadd.f32 v59, v33  }
0x26a: {  	v50 =	vadd.s32 v20, v35;
	v49 =	vld.idx.msk [tilespmem:v39+s4+$0x0], $0xffff  }
0x26b: {  	v44 =	vld.idx.msk [tilespmem:v62+s16+$0x0], $0xffff;
	v33 =	vadd.f32 v61, v33  }
0x26c: {  	v52 =	vadd.s32 v18, v35;
	v51 =	vld.idx.msk [tilespmem:v40+s4+$0x0], $0xffff  }
0x26d: {  	v38 =	vld.idx.msk [tilespmem:v48+s16+$0x0], $0xffff;
	v33 =	vadd.f32 v63, v33  }
0x26e: {  	v54 =	vadd.s32 v21, v35;
	v53 =	vld.idx.msk [tilespmem:v41+s4+$0x0], $0xffff  }
0x26f: {  	v39 =	vld.idx.msk [tilespmem:v50+s16+$0x0], $0xffff;
	v33 =	vadd.f32 v49, v33  }
0x270: {  	v56 =	vadd.s32 v22, v35;
	v55 =	vld.idx.msk [tilespmem:v42+s4+$0x0], $0xffff  }
0x271: {  	v40 =	vld.idx.msk [tilespmem:v52+s16+$0x0], $0xffff;
	v33 =	vadd.f32 v51, v33  }
0x272: {  	v58 =	vadd.s32 v23, v35;
	v57 =	vld.idx.msk [tilespmem:v43+s4+$0x0], $0xffff  }
0x273: {  	v41 =	vld.idx.msk [tilespmem:v54+s16+$0x0], $0xffff;
	v33 =	vadd.f32 v53, v33  }
0x274: {  	v60 =	vadd.s32 v24, v35;
	v59 =	vld.idx.msk [tilespmem:v44+s4+$0x0], $0xffff  }
0x275: {  	v42 =	vld.idx.msk [tilespmem:v56+s16+$0x0], $0xffff;
	v33 =	vadd.f32 v55, v33  }
0x276: {  	v62 =	vadd.s32 v25, v35;
	v61 =	vld.idx.msk [tilespmem:v38+s4+$0x0], $0xffff  }
0x277: {  	v43 =	vld.idx.msk [tilespmem:v58+s16+$0x0], $0xffff;
	v33 =	vadd.f32 v57, v33  }
0x278: {  	v48 =	vadd.s32 v26, v35;
	v63 =	vld.idx.msk [tilespmem:v39+s4+$0x0], $0xffff  }
0x279: {  	v44 =	vld.idx.msk [tilespmem:v60+s16+$0x0], $0xffff;
	v33 =	vadd.f32 v59, v33  }
0x27a: {  	v50 =	vadd.s32 v27, v35;
	v49 =	vld.idx.msk [tilespmem:v40+s4+$0x0], $0xffff  }
0x27b: {  	v38 =	vld.idx.msk [tilespmem:v62+s16+$0x0], $0xffff;
	v33 =	vadd.f32 v61, v33  }
0x27c: {  	v52 =	vadd.s32 v29, v35;
	v51 =	vld.idx.msk [tilespmem:v41+s4+$0x0], $0xffff  }
0x27d: {  	v39 =	vld.idx.msk [tilespmem:v48+s16+$0x0], $0xffff;
	v33 =	vadd.f32 v63, v33  }
0x27e: {  	v53 =	vld.idx.msk [tilespmem:v42+s4+$0x0], $0xffff  }
0x27f: {  	v40 =	vld.idx.msk [tilespmem:v50+s16+$0x0], $0xffff;
	v33 =	vadd.f32 v49, v33  }
0x280: {  	v54 =	vadd.s32 v30, v35;
	v55 =	vld.idx.msk [tilespmem:v43+s4+$0x0], $0xffff  }
0x281: {  	v41 =	vld.idx.msk [tilespmem:v52+s16+$0x0], $0xffff;
	v33 =	vadd.f32 v51, v33  }
0x282: {  	v56 =	vadd.s32 v31, v35;
	v57 =	vld.idx.msk [tilespmem:v44+s4+$0x0], $0xffff  }
0x283: {  	v33 =	vadd.f32 v53, v33  }
0x284: {  	v58 =	vadd.s32 v32, v35;
	v59 =	vld.idx.msk [tilespmem:v38+s4+$0x0], $0xffff  }
0x285: {  	v42 =	vld.idx.msk [tilespmem:v54+s16+$0x0], $0xffff;
	v33 =	vadd.f32 v55, v33  }
0x286: {  	v60 =	vld.idx.msk [tilespmem:v39+s4+$0x0], $0xffff  }
0x287: {  	v36 =	vld.idx.msk [tilespmem:v56+s16+$0x0], $0xffff;
	v33 =	vadd.f32 v57, v33  }
0x288: {  	v61 =	vld.idx.msk [tilespmem:v40+s4+$0x0], $0xffff  }
0x289: {  	v34 =	vld.idx.msk [tilespmem:v58+s16+$0x0], $0xffff;
	v33 =	vadd.f32 v59, v33  }
0x28a: {  	v62 =	vld.idx.msk [tilespmem:v41+s4+$0x0], $0xffff  }
0x28b: {  	v33 =	vadd.f32 v60, v33;
	_ =	sdelay $0x1  }
0x28c: {  	v63 =	vld.idx.msk [tilespmem:v42+s4+$0x0], $0xffff;
	v33 =	vadd.f32 v61, v33  }
0x28d: {  	p4 =	sne.s32 s30, $0x1  }
.Ltmp12:
0x28e: {  	v35 =	vadd.f32 v62, v33;
	v33 =	vld.idx.msk [tilespmem:v36+s4+$0x0], $0xffff;
	(pc) =	sbr.rel @!p4 .LBB2_17-.Ltmp12, $4  }
0x28f: {  	_ = 	snop  }
0x290: {  	v34 =	vld.idx.msk [tilespmem:v34+s4+$0x0], $0xffff  }
0x291: {  	s29 =	sadd.s32 $0x200, s28;
	v36 =	vadd.f32 v63, v35  }
0x292: {  	s30 =	sadd.s32 $0xFFFFFFFF, s30;
	p3 =	por $0x1, $0x1;
	s28 =	smov.u32 s22;
	v35 =	vor.u32 s29, v1  }
.LBB2_18:
0x293: {  	p4 =	sne.s32 s30, $0x1;
	vm0 =	vlt.s32 v35, $0x27E0;
	v36 =	vadd.f32 v33, v36  }
0x294: {  	v33 =	vnsel vm0, $0x27E0, v35  }
0x295: {  	v35 =	vadd.s32 v0, v33;
	v34 =	vadd.f32 v34, v36;
	_ =	sdelay $0x1  }
0x296: {  	v36 =	vadd.s32 v2, v33;
	v34 =	vmul.f32 $3.125000000e-02, v34  }
0x297: {  	s28 =	sadd.s32 $0x10, s28  }
0x298: {  	v37 =	vadd.s32 v3, v33;
	[tilespmem:s28+$0x0] =	vst v34  }
0x299: {  	v34 =	vld.idx.msk [tilespmem:v35+s16+$0x0], $0xffff  }
0x29a: {  	v35 =	vadd.s32 v4, v33  }
0x29b: {  	v38 =	vadd.s32 v5, v33;
	v36 =	vld.idx.msk [tilespmem:v36+s16+$0x0], $0xffff;
	_ =	sdelay $0x1  }
0x29c: {  	v39 =	vadd.s32 v6, v33;
	v37 =	vld.idx.msk [tilespmem:v37+s16+$0x0], $0xffff;
	_ =	sdelay $0x1  }
0x29d: {  	v40 =	vadd.s32 v7, v33;
	v35 =	vld.idx.msk [tilespmem:v35+s16+$0x0], $0xffff  }
0x29e: {  	v38 =	vld.idx.msk [tilespmem:v38+s16+$0x0], $0xffff  }
0x29f: {  	v41 =	vadd.s32 v8, v33;
	v34 =	vld.idx.msk [tilespmem:v34+s4+$0x0], $0xffff  }
0x2a0: {  	v39 =	vld.idx.msk [tilespmem:v39+s16+$0x0], $0xffff  }
0x2a1: {  	v42 =	vadd.s32 v9, v33;
	v36 =	vld.idx.msk [tilespmem:v36+s4+$0x0], $0xffff  }
0x2a2: {  	v40 =	vld.idx.msk [tilespmem:v40+s16+$0x0], $0xffff  }
0x2a3: {  	v43 =	vadd.s32 v10, v33;
	v37 =	vld.idx.msk [tilespmem:v37+s4+$0x0], $0xffff  }
0x2a4: {  	v41 =	vld.idx.msk [tilespmem:v41+s16+$0x0], $0xffff  }
0x2a5: {  	v44 =	vadd.s32 v11, v33;
	v34 =	vadd.f32 $0.0e+00, v34;
	v35 =	vld.idx.msk [tilespmem:v35+s4+$0x0], $0xffff  }
0x2a6: {  	v42 =	vld.idx.msk [tilespmem:v42+s16+$0x0], $0xffff  }
0x2a7: {  	v34 =	vadd.f32 v36, v34;
	v36 =	vld.idx.msk [tilespmem:v38+s4+$0x0], $0xffff;
	v38 =	vadd.s32 v12, v33  }
0x2a8: {  	v43 =	vld.idx.msk [tilespmem:v43+s16+$0x0], $0xffff  }
0x2a9: {  	v34 =	vadd.f32 v37, v34;
	v37 =	vld.idx.msk [tilespmem:v39+s4+$0x0], $0xffff;
	v39 =	vadd.s32 v13, v33  }
0x2aa: {  	v44 =	vld.idx.msk [tilespmem:v44+s16+$0x0], $0xffff  }
0x2ab: {  	v34 =	vadd.f32 v35, v34;
	v35 =	vld.idx.msk [tilespmem:v40+s4+$0x0], $0xffff;
	v40 =	vadd.s32 v14, v33  }
0x2ac: {  	v38 =	vld.idx.msk [tilespmem:v38+s16+$0x0], $0xffff  }
0x2ad: {  	v34 =	vadd.f32 v36, v34;
	v36 =	vld.idx.msk [tilespmem:v41+s4+$0x0], $0xffff;
	v41 =	vadd.s32 v15, v33  }
0x2ae: {  	v39 =	vld.idx.msk [tilespmem:v39+s16+$0x0], $0xffff  }
0x2af: {  	v34 =	vadd.f32 v37, v34;
	v37 =	vld.idx.msk [tilespmem:v42+s4+$0x0], $0xffff;
	v42 =	vadd.s32 v16, v33  }
0x2b0: {  	v40 =	vld.idx.msk [tilespmem:v40+s16+$0x0], $0xffff  }
0x2b1: {  	v34 =	vadd.f32 v35, v34;
	v35 =	vld.idx.msk [tilespmem:v43+s4+$0x0], $0xffff;
	v43 =	vadd.s32 v28, v33  }
0x2b2: {  	v41 =	vld.idx.msk [tilespmem:v41+s16+$0x0], $0xffff  }
0x2b3: {  	v34 =	vadd.f32 v36, v34;
	v36 =	vld.idx.msk [tilespmem:v44+s4+$0x0], $0xffff;
	v44 =	vadd.s32 v17, v33  }
0x2b4: {  	v42 =	vld.idx.msk [tilespmem:v42+s16+$0x0], $0xffff  }
0x2b5: {  	v34 =	vadd.f32 v37, v34;
	v37 =	vld.idx.msk [tilespmem:v38+s4+$0x0], $0xffff;
	v38 =	vadd.s32 v19, v33  }
0x2b6: {  	v43 =	vld.idx.msk [tilespmem:v43+s16+$0x0], $0xffff  }
0x2b7: {  	v34 =	vadd.f32 v35, v34;
	v35 =	vld.idx.msk [tilespmem:v39+s4+$0x0], $0xffff;
	v39 =	vadd.s32 v20, v33  }
0x2b8: {  	v44 =	vld.idx.msk [tilespmem:v44+s16+$0x0], $0xffff  }
0x2b9: {  	v34 =	vadd.f32 v36, v34;
	v36 =	vld.idx.msk [tilespmem:v40+s4+$0x0], $0xffff;
	v40 =	vadd.s32 v18, v33  }
0x2ba: {  	v38 =	vld.idx.msk [tilespmem:v38+s16+$0x0], $0xffff  }
0x2bb: {  	v34 =	vadd.f32 v37, v34;
	v37 =	vld.idx.msk [tilespmem:v41+s4+$0x0], $0xffff;
	v41 =	vadd.s32 v21, v33  }
0x2bc: {  	v39 =	vld.idx.msk [tilespmem:v39+s16+$0x0], $0xffff  }
0x2bd: {  	v34 =	vadd.f32 v35, v34;
	v35 =	vld.idx.msk [tilespmem:v42+s4+$0x0], $0xffff;
	v42 =	vadd.s32 v22, v33  }
0x2be: {  	v40 =	vld.idx.msk [tilespmem:v40+s16+$0x0], $0xffff  }
0x2bf: {  	v34 =	vadd.f32 v36, v34;
	v36 =	vld.idx.msk [tilespmem:v43+s4+$0x0], $0xffff;
	v43 =	vadd.s32 v23, v33  }
0x2c0: {  	v41 =	vld.idx.msk [tilespmem:v41+s16+$0x0], $0xffff  }
0x2c1: {  	v34 =	vadd.f32 v37, v34;
	v37 =	vld.idx.msk [tilespmem:v44+s4+$0x0], $0xffff;
	v44 =	vadd.s32 v24, v33  }
0x2c2: {  	v42 =	vld.idx.msk [tilespmem:v42+s16+$0x0], $0xffff  }
0x2c3: {  	v34 =	vadd.f32 v35, v34;
	v35 =	vld.idx.msk [tilespmem:v38+s4+$0x0], $0xffff;
	v38 =	vadd.s32 v25, v33  }
0x2c4: {  	v43 =	vld.idx.msk [tilespmem:v43+s16+$0x0], $0xffff  }
0x2c5: {  	v34 =	vadd.f32 v36, v34;
	v36 =	vld.idx.msk [tilespmem:v39+s4+$0x0], $0xffff;
	v39 =	vadd.s32 v26, v33  }
0x2c6: {  	v44 =	vld.idx.msk [tilespmem:v44+s16+$0x0], $0xffff  }
0x2c7: {  	v34 =	vadd.f32 v37, v34;
	v37 =	vld.idx.msk [tilespmem:v40+s4+$0x0], $0xffff;
	v40 =	vadd.s32 v27, v33  }
0x2c8: {  	v38 =	vld.idx.msk [tilespmem:v38+s16+$0x0], $0xffff  }
0x2c9: {  	v34 =	vadd.f32 v35, v34;
	v35 =	vld.idx.msk [tilespmem:v41+s4+$0x0], $0xffff;
	v41 =	vadd.s32 v29, v33  }
0x2ca: {  	v39 =	vld.idx.msk [tilespmem:v39+s16+$0x0], $0xffff  }
0x2cb: {  	v34 =	vadd.f32 v36, v34;
	v36 =	vld.idx.msk [tilespmem:v42+s4+$0x0], $0xffff;
	v42 =	vadd.s32 v30, v33  }
0x2cc: {  	v40 =	vld.idx.msk [tilespmem:v40+s16+$0x0], $0xffff  }
0x2cd: {  	v34 =	vadd.f32 v37, v34;
	v37 =	vld.idx.msk [tilespmem:v43+s4+$0x0], $0xffff;
	v43 =	vadd.s32 v31, v33  }
0x2ce: {  	v41 =	vld.idx.msk [tilespmem:v41+s16+$0x0], $0xffff  }
0x2cf: {  	v33 =	vadd.s32 v32, v33;
	v34 =	vadd.f32 v35, v34;
	v35 =	vld.idx.msk [tilespmem:v44+s4+$0x0], $0xffff  }
0x2d0: {  	v42 =	vld.idx.msk [tilespmem:v42+s16+$0x0], $0xffff  }
0x2d1: {  	v34 =	vadd.f32 v36, v34;
	v36 =	vld.idx.msk [tilespmem:v38+s4+$0x0], $0xffff  }
0x2d2: {  	v38 =	vld.idx.msk [tilespmem:v43+s16+$0x0], $0xffff  }
0x2d3: {  	v34 =	vadd.f32 v37, v34;
	v37 =	vld.idx.msk [tilespmem:v39+s4+$0x0], $0xffff  }
0x2d4: {  	v39 =	vld.idx.msk [tilespmem:v33+s16+$0x0], $0xffff  }
0x2d5: {  	v33 =	vadd.f32 v35, v34;
	v34 =	vld.idx.msk [tilespmem:v40+s4+$0x0], $0xffff;
	_ =	sdelay $0x1  }
0x2d6: {  	v33 =	vadd.f32 v36, v33;
	v35 =	vld.idx.msk [tilespmem:v41+s4+$0x0], $0xffff;
	_ =	sdelay $0x1  }
0x2d7: {  	v33 =	vadd.f32 v37, v33;
	v36 =	vld.idx.msk [tilespmem:v42+s4+$0x0], $0xffff;
	_ =	sdelay $0x1  }
0x2d8: {  	v34 =	vadd.f32 v34, v33;
	v33 =	vld.idx.msk [tilespmem:v38+s4+$0x0], $0xffff  }
.Ltmp13:
0x2d9: {  	(pc) =	sbr.rel @p4 .LBB2_18-.Ltmp13, $3  }
0x2da: {  	v35 =	vadd.f32 v35, v34;
	v34 =	vld.idx.msk [tilespmem:v39+s4+$0x0], $0xffff;
	_ =	sdelay $0x1  }
0x2db: {  	s29 =	sadd.s32 $0x200, s29;
	v36 =	vadd.f32 v36, v35  }
0x2dc: {  	s30 =	sadd.s32 $0xFFFFFFFF, s30;
	v35 =	vor.u32 s29, v1  }
.Ltmp14:
0x2dd: {  	_ = 	snop;
	(pc) =	sbr.rel .LBB2_19-.Ltmp14, $1  }
0x2de: {  	_ =	sdelay $0x3  }
.LBB2_15:
.Ltmp15:
0x2df: {  	(pc) =	sbr.rel .LBB2_19-.Ltmp15, $2  }
0x2e0: {  	_ =	sdelay $0x2  }
0x2e1: {  	s28 =	smov.u32 s22  }
.LBB2_17:
.Ltmp16:
0x2e2: {  	(pc) =	sbr.rel .LBB2_19-.Ltmp16, $2  }
0x2e3: {  	_ =	sdelay $0x2  }
0x2e4: {  	s28 =	smov.u32 s22  }
.LBB2_4:
.Ltmp17:
0x2e5: {  	(pc) =	sbr.rel .LBB2_10-.Ltmp17, $2  }
0x2e6: {  	_ =	sdelay $0x2  }
0x2e7: {  	s29 =	smov.u32 s20  }
.LBB2_6:
.Ltmp18:
0x2e8: {  	(pc) =	sbr.rel .LBB2_10-.Ltmp18, $2  }
0x2e9: {  	_ =	sdelay $0x2  }
0x2ea: {  	s29 =	smov.u32 s20  }
.LBB2_8:
.Ltmp19:
0x2eb: {  	(pc) =	sbr.rel .LBB2_10-.Ltmp19, $2  }
0x2ec: {  	_ =	sdelay $0x2  }
0x2ed: {  	s29 =	smov.u32 s20  }
.LBB2_22:
0x2ee: {  	_ =	sfence.sel $0x180000  }
0x2ef: {  	[bflag:$0x0] =	sbarrier.arrive $0xFFFF  }
0x2f0: {  	_ =	strace $0x90000047  }
0x2f1: {  	s0 =	sadd.s32 @!p1 $0x100000, s2;
	[bflag:$0x2] =	sbarrier.arrive $0xFFFF  }
0x2f2: {  	[sflag:s0] =	ssyncadd.tile.s32 @!p1 $0x1;
	_ =	shalt  }
.Lfunc_end2:
_tile_overlayer_lowered:
.L_overlay_start_2:
0x2f3: {  	(tag) =	ssettag $0x2  }
0x2f4: {  	s0 =	rddreg [dreg:$0x0];
	s2 =	stileid.u32  }
0x2f5: {  	s1 =	rddreg [dreg:$0x1];
	p0 =	sne.s32 s2, $0x0  }
0x2f6: {  	s3 =	rddreg [dreg:$0x2];
	[bflag:$0x3] =	sbarrier.arrive $0xFFFF;
	s2 =	simm.s32 @!p0 $0x1C03  }
0x2f7: {  	[timem:s3], [sflag:s2] =	dma.local @!p0 [hbm:s0], s1  }
0x2f8: {  	s0 =	simm.s32 @!p0 $0x3  }
0x2f9: {  	_ =	swait.ge @!p0 [sflag:s0], s1  }
0x2fa: {  	s1 =	ssub.s32 @!p0 $0x0, s1;
	[sflag:s0] =	ssyncset.done @!p0 $0x0  }
0x2fb: {  	[sflag:s0] =	ssyncadd.s32 @!p0 s1  }
0x2fc: {  	[bflag:$0x3] =	sbarrier.arrive $0xFFFF  }
0x2fd: {  	_ =	shalt  }

</sc_bundles>
